<compile_context>
chip_gen: v7x
topology: tpu7x:2x2x1
jax: 0.10.2.dev20260603
libtpu: 0.0.44.dev20260713+nightly
codegen_flags: <defaults>
</compile_context>

<pallas_src>
import functools

import jax
import jax.numpy as jnp
from jax import lax
from jax.experimental import pallas as pl
from jax.experimental.pallas import tpu as pltpu
from jax.experimental.pallas import tpu_sc as plsc

N_NODES = 10000
FEATS = 128
HF = FEATS // 2
N_EDGES = 320000

NC = 2
NS = 16
NW = NC * NS
EPW = N_EDGES // NW
CHUNK = 64
EPWP = 10240
NCH = EPWP // CHUNK
NBUF = 10
NGRP = NCH // NBUF
NP = 10240
RPT = NP // NS
ZROWS = 128

_MM_BLOCK = 1000


def _mm_body(x_ref, w_ref, o_ref):
    o_ref[0] = lax.dot_general(
        x_ref[...], w_ref[0], (((1,), (1,)), ((), ())),
        preferred_element_type=jnp.float32)


def _mm_add_body(x_ref, w_ref, p_ref, o_ref):
    acc = lax.dot_general(
        x_ref[...], w_ref[...], (((1,), (1,)), ((), ())),
        preferred_element_type=jnp.float32)
    neigh = jnp.concatenate(
        [p_ref[0, 0] + p_ref[1, 0], p_ref[0, 1] + p_ref[1, 1]], axis=-1)
    o_ref[...] = acc + neigh


_mm = pl.pallas_call(
    _mm_body,
    grid=(2, N_NODES // _MM_BLOCK),
    in_specs=[
        pl.BlockSpec((_MM_BLOCK, FEATS), lambda h, i: (i, 0)),
        pl.BlockSpec((1, HF, FEATS), lambda h, i: (h, 0, 0)),
    ],
    out_specs=pl.BlockSpec((1, _MM_BLOCK, HF), lambda h, i: (h, i, 0)),
    out_shape=jax.ShapeDtypeStruct((2, N_NODES, HF), jnp.float32),
)

_mm_add = pl.pallas_call(
    _mm_add_body,
    grid=(N_NODES // _MM_BLOCK,),
    in_specs=[
        pl.BlockSpec((_MM_BLOCK, FEATS), lambda i: (i, 0)),
        pl.BlockSpec((FEATS, FEATS), lambda i: (0, 0)),
        pl.BlockSpec((NC, 2, _MM_BLOCK, HF), lambda i: (0, 0, i, 0)),
    ],
    out_specs=pl.BlockSpec((_MM_BLOCK, FEATS), lambda i: (i, 0)),
    out_shape=jax.ShapeDtypeStruct((N_NODES, FEATS), jnp.float32),
)


@functools.partial(
    pl.kernel,
    out_type=jax.ShapeDtypeStruct((NC, 2, NP, HF), jnp.float32),
    mesh=plsc.VectorSubcoreMesh(core_axis_name="c", subcore_axis_name="s"),
    compiler_params=pltpu.CompilerParams(use_tc_tiling_on_sc=False),
    scratch_types=[
        pltpu.VMEM((NCH, CHUNK), jnp.int32),
        pltpu.VMEM((NCH, CHUNK), jnp.int32),
        pltpu.VMEM((NBUF, CHUNK, HF), jnp.float32),
        pltpu.VMEM((ZROWS, HF), jnp.float32),
        pltpu.VMEM_SHARED((NP, HF), jnp.float32),
        [pltpu.SemaphoreType.DMA] * NBUF,
        [pltpu.SemaphoreType.DMA] * NBUF,
    ],
)
def _sc_spmm(fn_hbm, src_hbm, dst_hbm, out_hbm,
             src_v, dst_v, rows_v, zbuf_v, acc_sh, gsem, ssem):
    c = lax.axis_index("c")
    s = lax.axis_index("s")
    wid = c * NS + s

    zero = jnp.zeros((16,), jnp.float32)

    def _zero_body(t, carry):
        zbuf_v[t // (HF // 16), pl.ds((t % (HF // 16)) * 16, 16)] = zero
        return carry

    lax.fori_loop(0, ZROWS * (HF // 16), _zero_body, 0)

    pltpu.sync_copy(src_hbm.at[wid], src_v)
    pltpu.sync_copy(dst_hbm.at[wid], dst_v)

    for h in range(2):
        for k in range(RPT // ZROWS):
            pltpu.sync_copy(zbuf_v, acc_sh.at[pl.ds(s * RPT + k * ZROWS, ZROWS)])
        plsc.subcore_barrier()

        def _group_body(g, carry):
            j0 = g * NBUF
            gd = [pltpu.async_copy(fn_hbm.at[h].at[src_v.at[j0 + b]],
                                   rows_v.at[b], gsem[b])
                  for b in range(NBUF)]
            sd = []
            for b in range(NBUF):
                gd[b].wait()
                sd.append(pltpu.async_copy(rows_v.at[b],
                                           acc_sh.at[dst_v.at[j0 + b]],
                                           ssem[b], add=True))
            for b in range(NBUF):
                sd[b].wait()
            return carry

        lax.fori_loop(0, NGRP, _group_body, 0)
        plsc.subcore_barrier()

        for k in range(RPT // ZROWS):
            base = s * RPT + k * ZROWS
            pltpu.sync_copy(acc_sh.at[pl.ds(base, ZROWS)],
                            out_hbm.at[c, h, pl.ds(base, ZROWS)])
        plsc.subcore_barrier()


def kernel(feat, edge_index, W_self, W_neigh):
    ei = edge_index.astype(jnp.int32)
    pad = EPWP - EPW
    pad_src = (jnp.arange(pad, dtype=jnp.int32) * 37) % N_NODES
    src = jnp.concatenate(
        [ei[0].reshape(NW, EPW), jnp.broadcast_to(pad_src, (NW, pad))],
        axis=1).reshape(NW, NCH, CHUNK)
    pad_dst = N_NODES + (jnp.arange(pad, dtype=jnp.int32) % (NP - N_NODES))
    dst = jnp.concatenate(
        [ei[1].reshape(NW, EPW), jnp.broadcast_to(pad_dst, (NW, pad))],
        axis=1).reshape(NW, NCH, CHUNK)
    fn = _mm(feat, W_neigh.reshape(2, HF, FEATS))
    parts = _sc_spmm(fn, src, dst)
    return _mm_add(feat, W_self, parts)

# --- scband reference (transcript-rebuilt; emitter-appended) ---
"""Pipeline reference for scband-sageconv-1898375544833 (READ-ONLY COPY).

The authoritative reference and input builder live on the scoring server;
editing this copy changes nothing except your own understanding.
"""

import jax, jax.numpy as jnp
import numpy as np

N_NODES = 10000
N_EDGES = 320000
IN_FEATS = 128
OUT_FEATS = 128


def setup_inputs(seed: int = 0) -> dict:
    key = jax.random.key(seed)
    k1, k2, k3, k4 = jax.random.split(key, 4)
    feat = jax.random.normal(k1, (N_NODES, IN_FEATS), dtype=jnp.float32)
    edge_index = jax.random.randint(k2, (2, N_EDGES), 0, N_NODES, dtype=jnp.int64)
    # xavier_uniform with gain for relu (sqrt(2))
    gain = float(np.sqrt(2.0))
    bound_self = gain * float(np.sqrt(6.0 / (IN_FEATS + OUT_FEATS)))
    W_self = jax.random.uniform(k3, (OUT_FEATS, IN_FEATS), dtype=jnp.float32,
                                minval=-bound_self, maxval=bound_self)
    W_neigh = jax.random.uniform(k4, (OUT_FEATS, IN_FEATS), dtype=jnp.float32,
                                 minval=-bound_self, maxval=bound_self)
    return {"feat": feat, "edge_index": edge_index, "W_self": W_self, "W_neigh": W_neigh}


def _spmm(feat, edge_index):
    # Sparse adjacency matmul Y = A @ X implemented as gather + scatter-add over edges.
    src = edge_index[0]
    dst = edge_index[1]
    msgs = jnp.take(feat, src, axis=0)
    out = jnp.zeros_like(feat).at[dst].add(msgs)
    return out


def reference(feat, edge_index, W_self, W_neigh):
    # rst = fc_self(feat) + fc_neigh(SpMM(feat))
    h_neigh = _spmm(feat, edge_index)
    rst = feat @ W_self.T + h_neigh @ W_neigh.T
    return rst

if __name__ == "__main__":
    import jax
    _d = setup_inputs()
    print(jax.jit(kernel)(*tuple(_d.values())))

</pallas_src>

<mosaic_0001>
#map = affine_map<(d0, d1) -> (0, 0, 0)>
#map1 = affine_map<(d0, d1) -> (0, 0, 0, 0)>
module attributes {stable_mosaic.version = 14 : i64} {
  func.func @_sc_spmm(%arg0: i32, %arg1: i32, %arg2: memref<2x10000x64xf32, #tpu.memory_space<hbm>>, %arg3: memref<32x160x64xi32, #tpu.memory_space<hbm>>, %arg4: memref<32x160x64xi32, #tpu.memory_space<hbm>>, %arg5: memref<2x2x10240x64xf32, #tpu.memory_space<hbm>>, %arg6: memref<160x64xi32, #tpu.memory_space<vmem>>, %arg7: memref<160x64xi32, #tpu.memory_space<vmem>>, %arg8: memref<10x64x64xf32, #tpu.memory_space<vmem>>, %arg9: memref<128x64xf32, #tpu.memory_space<vmem>>, %arg10: memref<10240x64xf32, #tpu.memory_space<vmem_shared>>, %arg11: memref<!tpu.dma_semaphore, #tpu.memory_space<semaphore_mem>>, %arg12: memref<!tpu.dma_semaphore, #tpu.memory_space<semaphore_mem>>, %arg13: memref<!tpu.dma_semaphore, #tpu.memory_space<semaphore_mem>>, %arg14: memref<!tpu.dma_semaphore, #tpu.memory_space<semaphore_mem>>, %arg15: memref<!tpu.dma_semaphore, #tpu.memory_space<semaphore_mem>>, %arg16: memref<!tpu.dma_semaphore, #tpu.memory_space<semaphore_mem>>, %arg17: memref<!tpu.dma_semaphore, #tpu.memory_space<semaphore_mem>>, %arg18: memref<!tpu.dma_semaphore, #tpu.memory_space<semaphore_mem>>, %arg19: memref<!tpu.dma_semaphore, #tpu.memory_space<semaphore_mem>>, %arg20: memref<!tpu.dma_semaphore, #tpu.memory_space<semaphore_mem>>, %arg21: memref<!tpu.dma_semaphore, #tpu.memory_space<semaphore_mem>>, %arg22: memref<!tpu.dma_semaphore, #tpu.memory_space<semaphore_mem>>, %arg23: memref<!tpu.dma_semaphore, #tpu.memory_space<semaphore_mem>>, %arg24: memref<!tpu.dma_semaphore, #tpu.memory_space<semaphore_mem>>, %arg25: memref<!tpu.dma_semaphore, #tpu.memory_space<semaphore_mem>>, %arg26: memref<!tpu.dma_semaphore, #tpu.memory_space<semaphore_mem>>, %arg27: memref<!tpu.dma_semaphore, #tpu.memory_space<semaphore_mem>>, %arg28: memref<!tpu.dma_semaphore, #tpu.memory_space<semaphore_mem>>, %arg29: memref<!tpu.dma_semaphore, #tpu.memory_space<semaphore_mem>>, %arg30: memref<!tpu.dma_semaphore, #tpu.memory_space<semaphore_mem>>) attributes {dimension_semantics = [#tpu.dimension_semantics<core_parallel>, #tpu.dimension_semantics<subcore_parallel>], iteration_bounds = array<i64: 2, 16>, scalar_prefetch = 0 : i64, scratch_operands = 25 : i64, tpu.core_type = #tpu.core_type<sc_vector_subcore>, window_params = [{transform_indices = #map}, {transform_indices = #map}, {transform_indices = #map}, {transform_indices = #map1}]} {
    %mul3A = arith.constant 16 : i32
    %mul3A_0 = arith.muli %arg0, %mul3A : i32
    %add3A = arith.addi %mul3A_0, %arg1 : i32
    %broadcast_in_dim3A = arith.constant 0.000000e+00 : f32
    %broadcast_in_dim3A_1 = vector.broadcast %broadcast_in_dim3A : f32 to vector<16xf32>
    %scan3A = arith.constant 0 : i32
    %scan3A_2 = arith.constant 0 : i32
    %scan3A_3 = arith.constant 512 : i32
    %scan3A_4 = arith.addi %scan3A_2, %scan3A_3 : i32
    %scan3A_5 = arith.constant 1 : i32
    scf.for %scan3A_113 = %scan3A_2 to %scan3A_4 step %scan3A_5  : i32 {
      %jit3A = arith.constant 4 : i32
      %div3A = arith.divsi %scan3A_113, %jit3A : i32
      %sign3A = arith.constant 0 : i32
      %sign3A_114 = arith.cmpi sgt, %scan3A_113, %sign3A : i32
      %sign3A_115 = arith.extui %sign3A_114 : i1 to i32
      %sign3A_116 = arith.constant 0 : i32
      %sign3A_117 = arith.cmpi slt, %scan3A_113, %sign3A_116 : i32
      %sign3A_118 = arith.extui %sign3A_117 : i1 to i32
      %sign3A_119 = arith.subi %sign3A_115, %sign3A_118 : i32
      %sign3A_120 = arith.constant 0 : i32
      %sign3A_121 = arith.cmpi sgt, %jit3A, %sign3A_120 : i32
      %sign3A_122 = arith.extui %sign3A_121 : i1 to i32
      %sign3A_123 = arith.constant 0 : i32
      %sign3A_124 = arith.cmpi slt, %jit3A, %sign3A_123 : i32
      %sign3A_125 = arith.extui %sign3A_124 : i1 to i32
      %sign3A_126 = arith.subi %sign3A_122, %sign3A_125 : i32
      %ne3A = arith.cmpi ne, %sign3A_119, %sign3A_126 : i32
      %rem3A = arith.remsi %scan3A_113, %jit3A : i32
      %ne3A_127 = arith.constant 0 : i32
      %ne3A_128 = arith.cmpi ne, %rem3A, %ne3A_127 : i32
      %and3A = arith.andi %ne3A, %ne3A_128 : i1
      %sub3A = arith.constant 1 : i32
      %sub3A_129 = arith.subi %div3A, %sub3A : i32
      %select_n3A = arith.select %and3A, %sub3A_129, %div3A : i32
      %jit3A_130 = arith.constant 4 : i32
      %eq3A = arith.constant 0 : i32
      %eq3A_131 = arith.cmpi eq, %jit3A_130, %eq3A : i32
      %jit3A_132 = arith.constant 1 : i32
      %select_n3A_133 = arith.select %eq3A_131, %jit3A_132, %jit3A_130 : i32
      %rem3A_134 = arith.remsi %scan3A_113, %select_n3A_133 : i32
      %ne3A_135 = arith.constant 0 : i32
      %ne3A_136 = arith.cmpi ne, %rem3A_134, %ne3A_135 : i32
      %lt3A = arith.constant 0 : i32
      %lt3A_137 = arith.cmpi slt, %rem3A_134, %lt3A : i32
      %lt3A_138 = arith.constant 0 : i32
      %lt3A_139 = arith.cmpi slt, %select_n3A_133, %lt3A_138 : i32
      %ne3A_140 = arith.xori %lt3A_137, %lt3A_139 : i1
      %and3A_141 = arith.andi %ne3A_140, %ne3A_136 : i1
      %add3A_142 = arith.addi %rem3A_134, %select_n3A_133 : i32
      %select_n3A_143 = arith.select %and3A_141, %add3A_142, %rem3A_134 : i32
      %mul3A_144 = arith.constant 16 : i32
      %mul3A_145 = arith.muli %select_n3A_143, %mul3A_144 : i32
      %swap3A = arith.index_cast %select_n3A : i32 to index
      %swap3A_146 = arith.index_cast %mul3A_145 : i32 to index
      %swap3A_147 = tpu.vector_load %arg9[%swap3A, %swap3A_146] {strides = array<i32>} : memref<128x64xf32, #tpu.memory_space<vmem>>, vector<1x16xf32>,
      %swap3A_148 = vector.shape_cast %swap3A_147 : vector<1x16xf32> to vector<16xf32>
      %swap3A_149 = vector.shape_cast %broadcast_in_dim3A_1 : vector<16xf32> to vector<1x16xf32>
      tpu.vector_store %arg9[%swap3A, %swap3A_146], %swap3A_149 {strides = array<i32>} : memref<128x64xf32, #tpu.memory_space<vmem>>, vector<1x16xf32>,
    }
    %scan3A_6 = arith.constant 512 : i32
    "tpu.region"() ({
      %run_scoped3A_113 = tpu.sem_alloc : memref<!tpu.dma_semaphore, #tpu.memory_space<semaphore_mem>>
      %dma_start3A = arith.constant 0 : i32
      %dma_start3A_114 = arith.constant 0 : i32
      %dma_start3A_115 = tpu.memref_slice %arg3[%add3A, %dma_start3A, %dma_start3A_114] : memref<32x160x64xi32, #tpu.memory_space<hbm>> -> memref<1x160x64xi32, #tpu.memory_space<hbm>>
      %dma_start3A_116 = tpu.memref_squeeze %dma_start3A_115 : memref<1x160x64xi32, #tpu.memory_space<hbm>> -> memref<160x64xi32, #tpu.memory_space<hbm>>
      %dma_start3A_117 = arith.constant 0 : i32
      %dma_start3A_118 = arith.constant 0 : i32
      %dma_start3A_119 = tpu.memref_slice %arg3[%add3A, %dma_start3A_117, %dma_start3A_118] : memref<32x160x64xi32, #tpu.memory_space<hbm>> -> memref<1x160x64xi32, #tpu.memory_space<hbm>>
      %dma_start3A_120 = tpu.memref_squeeze %dma_start3A_119 : memref<1x160x64xi32, #tpu.memory_space<hbm>> -> memref<160x64xi32, #tpu.memory_space<hbm>>
      tpu.enqueue_dma source(%dma_start3A_120 : memref<160x64xi32, #tpu.memory_space<hbm>>) target(%arg6 : memref<160x64xi32, #tpu.memory_space<vmem>>) target_semaphore(%run_scoped3A_113 : memref<!tpu.dma_semaphore, #tpu.memory_space<semaphore_mem>>)
      %dma_wait3A = arith.constant 0 : i32
      %dma_wait3A_121 = arith.constant 0 : i32
      %dma_wait3A_122 = tpu.memref_slice %arg3[%add3A, %dma_wait3A, %dma_wait3A_121] : memref<32x160x64xi32, #tpu.memory_space<hbm>> -> memref<1x160x64xi32, #tpu.memory_space<hbm>>
      %dma_wait3A_123 = tpu.memref_squeeze %dma_wait3A_122 : memref<1x160x64xi32, #tpu.memory_space<hbm>> -> memref<160x64xi32, #tpu.memory_space<hbm>>
      %dma_wait3A_124 = arith.constant 0 : i32
      %dma_wait3A_125 = arith.constant 0 : i32
      %dma_wait3A_126 = tpu.memref_slice %arg3[%add3A, %dma_wait3A_124, %dma_wait3A_125] : memref<32x160x64xi32, #tpu.memory_space<hbm>> -> memref<1x160x64xi32, #tpu.memory_space<hbm>>
      %dma_wait3A_127 = tpu.memref_squeeze %dma_wait3A_126 : memref<1x160x64xi32, #tpu.memory_space<hbm>> -> memref<160x64xi32, #tpu.memory_space<hbm>>
      tpu.wait_dma2 semaphore(%run_scoped3A_113 : memref<!tpu.dma_semaphore, #tpu.memory_space<semaphore_mem>>) src(%dma_wait3A_127 : memref<160x64xi32, #tpu.memory_space<hbm>>) dst(%arg6 : memref<160x64xi32, #tpu.memory_space<vmem>>)
      tpu.yield
    }) : () -> ()
    "tpu.region"() ({
      %run_scoped3A_113 = tpu.sem_alloc : memref<!tpu.dma_semaphore, #tpu.memory_space<semaphore_mem>>
      %dma_start3A = arith.constant 0 : i32
      %dma_start3A_114 = arith.constant 0 : i32
      %dma_start3A_115 = tpu.memref_slice %arg4[%add3A, %dma_start3A, %dma_start3A_114] : memref<32x160x64xi32, #tpu.memory_space<hbm>> -> memref<1x160x64xi32, #tpu.memory_space<hbm>>
      %dma_start3A_116 = tpu.memref_squeeze %dma_start3A_115 : memref<1x160x64xi32, #tpu.memory_space<hbm>> -> memref<160x64xi32, #tpu.memory_space<hbm>>
      %dma_start3A_117 = arith.constant 0 : i32
      %dma_start3A_118 = arith.constant 0 : i32
      %dma_start3A_119 = tpu.memref_slice %arg4[%add3A, %dma_start3A_117, %dma_start3A_118] : memref<32x160x64xi32, #tpu.memory_space<hbm>> -> memref<1x160x64xi32, #tpu.memory_space<hbm>>
      %dma_start3A_120 = tpu.memref_squeeze %dma_start3A_119 : memref<1x160x64xi32, #tpu.memory_space<hbm>> -> memref<160x64xi32, #tpu.memory_space<hbm>>
      tpu.enqueue_dma source(%dma_start3A_120 : memref<160x64xi32, #tpu.memory_space<hbm>>) target(%arg7 : memref<160x64xi32, #tpu.memory_space<vmem>>) target_semaphore(%run_scoped3A_113 : memref<!tpu.dma_semaphore, #tpu.memory_space<semaphore_mem>>)
      %dma_wait3A = arith.constant 0 : i32
      %dma_wait3A_121 = arith.constant 0 : i32
      %dma_wait3A_122 = tpu.memref_slice %arg4[%add3A, %dma_wait3A, %dma_wait3A_121] : memref<32x160x64xi32, #tpu.memory_space<hbm>> -> memref<1x160x64xi32, #tpu.memory_space<hbm>>
      %dma_wait3A_123 = tpu.memref_squeeze %dma_wait3A_122 : memref<1x160x64xi32, #tpu.memory_space<hbm>> -> memref<160x64xi32, #tpu.memory_space<hbm>>
      %dma_wait3A_124 = arith.constant 0 : i32
      %dma_wait3A_125 = arith.constant 0 : i32
      %dma_wait3A_126 = tpu.memref_slice %arg4[%add3A, %dma_wait3A_124, %dma_wait3A_125] : memref<32x160x64xi32, #tpu.memory_space<hbm>> -> memref<1x160x64xi32, #tpu.memory_space<hbm>>
      %dma_wait3A_127 = tpu.memref_squeeze %dma_wait3A_126 : memref<1x160x64xi32, #tpu.memory_space<hbm>> -> memref<160x64xi32, #tpu.memory_space<hbm>>
      tpu.wait_dma2 semaphore(%run_scoped3A_113 : memref<!tpu.dma_semaphore, #tpu.memory_space<semaphore_mem>>) src(%dma_wait3A_127 : memref<160x64xi32, #tpu.memory_space<hbm>>) dst(%arg7 : memref<160x64xi32, #tpu.memory_space<vmem>>)
      tpu.yield
    }) : () -> ()
    %mul3A_7 = arith.constant 640 : i32
    %mul3A_8 = arith.muli %arg1, %mul3A_7 : i32
    %add3A_9 = arith.constant 0 : i32
    %add3A_10 = arith.addi %mul3A_8, %add3A_9 : i32
    "tpu.region"() ({
      %run_scoped3A_113 = tpu.sem_alloc : memref<!tpu.dma_semaphore, #tpu.memory_space<semaphore_mem>>
      %dma_start3A = arith.constant 0 : i32
      %dma_start3A_114 = tpu.memref_slice %arg10[%add3A_10, %dma_start3A] : memref<10240x64xf32, #tpu.memory_space<vmem_shared>> -> memref<128x64xf32, #tpu.memory_space<vmem_shared>>
      %dma_start3A_115 = arith.constant 0 : i32
      %dma_start3A_116 = tpu.memref_slice %arg10[%add3A_10, %dma_start3A_115] : memref<10240x64xf32, #tpu.memory_space<vmem_shared>> -> memref<128x64xf32, #tpu.memory_space<vmem_shared>>
      tpu.enqueue_dma source(%arg9 : memref<128x64xf32, #tpu.memory_space<vmem>>) target(%dma_start3A_116 : memref<128x64xf32, #tpu.memory_space<vmem_shared>>) target_semaphore(%run_scoped3A_113 : memref<!tpu.dma_semaphore, #tpu.memory_space<semaphore_mem>>)
      %dma_wait3A = arith.constant 0 : i32
      %dma_wait3A_117 = tpu.memref_slice %arg10[%add3A_10, %dma_wait3A] : memref<10240x64xf32, #tpu.memory_space<vmem_shared>> -> memref<128x64xf32, #tpu.memory_space<vmem_shared>>
      %dma_wait3A_118 = arith.constant 0 : i32
      %dma_wait3A_119 = tpu.memref_slice %arg10[%add3A_10, %dma_wait3A_118] : memref<10240x64xf32, #tpu.memory_space<vmem_shared>> -> memref<128x64xf32, #tpu.memory_space<vmem_shared>>
      tpu.wait_dma2 semaphore(%run_scoped3A_113 : memref<!tpu.dma_semaphore, #tpu.memory_space<semaphore_mem>>) src(%arg9 : memref<128x64xf32, #tpu.memory_space<vmem>>) dst(%dma_wait3A_119 : memref<128x64xf32, #tpu.memory_space<vmem_shared>>)
      tpu.yield
    }) : () -> ()
    %mul3A_11 = arith.constant 640 : i32
    %mul3A_12 = arith.muli %arg1, %mul3A_11 : i32
    %add3A_13 = arith.constant 128 : i32
    %add3A_14 = arith.addi %mul3A_12, %add3A_13 : i32
    "tpu.region"() ({
      %run_scoped3A_113 = tpu.sem_alloc : memref<!tpu.dma_semaphore, #tpu.memory_space<semaphore_mem>>
      %dma_start3A = arith.constant 0 : i32
      %dma_start3A_114 = tpu.memref_slice %arg10[%add3A_14, %dma_start3A] : memref<10240x64xf32, #tpu.memory_space<vmem_shared>> -> memref<128x64xf32, #tpu.memory_space<vmem_shared>>
      %dma_start3A_115 = arith.constant 0 : i32
      %dma_start3A_116 = tpu.memref_slice %arg10[%add3A_14, %dma_start3A_115] : memref<10240x64xf32, #tpu.memory_space<vmem_shared>> -> memref<128x64xf32, #tpu.memory_space<vmem_shared>>
      tpu.enqueue_dma source(%arg9 : memref<128x64xf32, #tpu.memory_space<vmem>>) target(%dma_start3A_116 : memref<128x64xf32, #tpu.memory_space<vmem_shared>>) target_semaphore(%run_scoped3A_113 : memref<!tpu.dma_semaphore, #tpu.memory_space<semaphore_mem>>)
      %dma_wait3A = arith.constant 0 : i32
      %dma_wait3A_117 = tpu.memref_slice %arg10[%add3A_14, %dma_wait3A] : memref<10240x64xf32, #tpu.memory_space<vmem_shared>> -> memref<128x64xf32, #tpu.memory_space<vmem_shared>>
      %dma_wait3A_118 = arith.constant 0 : i32
      %dma_wait3A_119 = tpu.memref_slice %arg10[%add3A_14, %dma_wait3A_118] : memref<10240x64xf32, #tpu.memory_space<vmem_shared>> -> memref<128x64xf32, #tpu.memory_space<vmem_shared>>
      tpu.wait_dma2 semaphore(%run_scoped3A_113 : memref<!tpu.dma_semaphore, #tpu.memory_space<semaphore_mem>>) src(%arg9 : memref<128x64xf32, #tpu.memory_space<vmem>>) dst(%dma_wait3A_119 : memref<128x64xf32, #tpu.memory_space<vmem_shared>>)
      tpu.yield
    }) : () -> ()
    %mul3A_15 = arith.constant 640 : i32
    %mul3A_16 = arith.muli %arg1, %mul3A_15 : i32
    %add3A_17 = arith.constant 256 : i32
    %add3A_18 = arith.addi %mul3A_16, %add3A_17 : i32
    "tpu.region"() ({
      %run_scoped3A_113 = tpu.sem_alloc : memref<!tpu.dma_semaphore, #tpu.memory_space<semaphore_mem>>
      %dma_start3A = arith.constant 0 : i32
      %dma_start3A_114 = tpu.memref_slice %arg10[%add3A_18, %dma_start3A] : memref<10240x64xf32, #tpu.memory_space<vmem_shared>> -> memref<128x64xf32, #tpu.memory_space<vmem_shared>>
      %dma_start3A_115 = arith.constant 0 : i32
      %dma_start3A_116 = tpu.memref_slice %arg10[%add3A_18, %dma_start3A_115] : memref<10240x64xf32, #tpu.memory_space<vmem_shared>> -> memref<128x64xf32, #tpu.memory_space<vmem_shared>>
      tpu.enqueue_dma source(%arg9 : memref<128x64xf32, #tpu.memory_space<vmem>>) target(%dma_start3A_116 : memref<128x64xf32, #tpu.memory_space<vmem_shared>>) target_semaphore(%run_scoped3A_113 : memref<!tpu.dma_semaphore, #tpu.memory_space<semaphore_mem>>)
      %dma_wait3A = arith.constant 0 : i32
      %dma_wait3A_117 = tpu.memref_slice %arg10[%add3A_18, %dma_wait3A] : memref<10240x64xf32, #tpu.memory_space<vmem_shared>> -> memref<128x64xf32, #tpu.memory_space<vmem_shared>>
      %dma_wait3A_118 = arith.constant 0 : i32
      %dma_wait3A_119 = tpu.memref_slice %arg10[%add3A_18, %dma_wait3A_118] : memref<10240x64xf32, #tpu.memory_space<vmem_shared>> -> memref<128x64xf32, #tpu.memory_space<vmem_shared>>
      tpu.wait_dma2 semaphore(%run_scoped3A_113 : memref<!tpu.dma_semaphore, #tpu.memory_space<semaphore_mem>>) src(%arg9 : memref<128x64xf32, #tpu.memory_space<vmem>>) dst(%dma_wait3A_119 : memref<128x64xf32, #tpu.memory_space<vmem_shared>>)
      tpu.yield
    }) : () -> ()
    %mul3A_19 = arith.constant 640 : i32
    %mul3A_20 = arith.muli %arg1, %mul3A_19 : i32
    %add3A_21 = arith.constant 384 : i32
    %add3A_22 = arith.addi %mul3A_20, %add3A_21 : i32
    "tpu.region"() ({
      %run_scoped3A_113 = tpu.sem_alloc : memref<!tpu.dma_semaphore, #tpu.memory_space<semaphore_mem>>
      %dma_start3A = arith.constant 0 : i32
      %dma_start3A_114 = tpu.memref_slice %arg10[%add3A_22, %dma_start3A] : memref<10240x64xf32, #tpu.memory_space<vmem_shared>> -> memref<128x64xf32, #tpu.memory_space<vmem_shared>>
      %dma_start3A_115 = arith.constant 0 : i32
      %dma_start3A_116 = tpu.memref_slice %arg10[%add3A_22, %dma_start3A_115] : memref<10240x64xf32, #tpu.memory_space<vmem_shared>> -> memref<128x64xf32, #tpu.memory_space<vmem_shared>>
      tpu.enqueue_dma source(%arg9 : memref<128x64xf32, #tpu.memory_space<vmem>>) target(%dma_start3A_116 : memref<128x64xf32, #tpu.memory_space<vmem_shared>>) target_semaphore(%run_scoped3A_113 : memref<!tpu.dma_semaphore, #tpu.memory_space<semaphore_mem>>)
      %dma_wait3A = arith.constant 0 : i32
      %dma_wait3A_117 = tpu.memref_slice %arg10[%add3A_22, %dma_wait3A] : memref<10240x64xf32, #tpu.memory_space<vmem_shared>> -> memref<128x64xf32, #tpu.memory_space<vmem_shared>>
      %dma_wait3A_118 = arith.constant 0 : i32
      %dma_wait3A_119 = tpu.memref_slice %arg10[%add3A_22, %dma_wait3A_118] : memref<10240x64xf32, #tpu.memory_space<vmem_shared>> -> memref<128x64xf32, #tpu.memory_space<vmem_shared>>
      tpu.wait_dma2 semaphore(%run_scoped3A_113 : memref<!tpu.dma_semaphore, #tpu.memory_space<semaphore_mem>>) src(%arg9 : memref<128x64xf32, #tpu.memory_space<vmem>>) dst(%dma_wait3A_119 : memref<128x64xf32, #tpu.memory_space<vmem_shared>>)
      tpu.yield
    }) : () -> ()
    %mul3A_23 = arith.constant 640 : i32
    %mul3A_24 = arith.muli %arg1, %mul3A_23 : i32
    %add3A_25 = arith.constant 512 : i32
    %add3A_26 = arith.addi %mul3A_24, %add3A_25 : i32
    "tpu.region"() ({
      %run_scoped3A_113 = tpu.sem_alloc : memref<!tpu.dma_semaphore, #tpu.memory_space<semaphore_mem>>
      %dma_start3A = arith.constant 0 : i32
      %dma_start3A_114 = tpu.memref_slice %arg10[%add3A_26, %dma_start3A] : memref<10240x64xf32, #tpu.memory_space<vmem_shared>> -> memref<128x64xf32, #tpu.memory_space<vmem_shared>>
      %dma_start3A_115 = arith.constant 0 : i32
      %dma_start3A_116 = tpu.memref_slice %arg10[%add3A_26, %dma_start3A_115] : memref<10240x64xf32, #tpu.memory_space<vmem_shared>> -> memref<128x64xf32, #tpu.memory_space<vmem_shared>>
      tpu.enqueue_dma source(%arg9 : memref<128x64xf32, #tpu.memory_space<vmem>>) target(%dma_start3A_116 : memref<128x64xf32, #tpu.memory_space<vmem_shared>>) target_semaphore(%run_scoped3A_113 : memref<!tpu.dma_semaphore, #tpu.memory_space<semaphore_mem>>)
      %dma_wait3A = arith.constant 0 : i32
      %dma_wait3A_117 = tpu.memref_slice %arg10[%add3A_26, %dma_wait3A] : memref<10240x64xf32, #tpu.memory_space<vmem_shared>> -> memref<128x64xf32, #tpu.memory_space<vmem_shared>>
      %dma_wait3A_118 = arith.constant 0 : i32
      %dma_wait3A_119 = tpu.memref_slice %arg10[%add3A_26, %dma_wait3A_118] : memref<10240x64xf32, #tpu.memory_space<vmem_shared>> -> memref<128x64xf32, #tpu.memory_space<vmem_shared>>
      tpu.wait_dma2 semaphore(%run_scoped3A_113 : memref<!tpu.dma_semaphore, #tpu.memory_space<semaphore_mem>>) src(%arg9 : memref<128x64xf32, #tpu.memory_space<vmem>>) dst(%dma_wait3A_119 : memref<128x64xf32, #tpu.memory_space<vmem_shared>>)
      tpu.yield
    }) : () -> ()
    %barrier3A = arith.constant 0 : index
    tpu.barrier barrier_id(%barrier3A)
    %scan3A_27 = arith.constant 0 : i32
    %scan3A_28 = arith.constant 0 : i32
    %scan3A_29 = arith.constant 16 : i32
    %scan3A_30 = arith.addi %scan3A_28, %scan3A_29 : i32
    %scan3A_31 = arith.constant 1 : i32
    scf.for %scan3A_113 = %scan3A_28 to %scan3A_30 step %scan3A_31  : i32 {
      %mul3A_114 = arith.constant 10 : i32
      %mul3A_115 = arith.muli %scan3A_113, %mul3A_114 : i32
      %add3A_116 = arith.constant 0 : i32
      %add3A_117 = arith.addi %mul3A_115, %add3A_116 : i32
      %dma_start3A = arith.constant 0 : i32
      %dma_start3A_118 = arith.constant 0 : i32
      %dma_start3A_119 = arith.constant 0 : i32
      %dma_start3A_120 = arith.constant 0 : i32
      %dma_start3A_121 = tpu.memref_slice %arg8[%dma_start3A_118, %dma_start3A_119, %dma_start3A_120] : memref<10x64x64xf32, #tpu.memory_space<vmem>> -> memref<1x64x64xf32, #tpu.memory_space<vmem>>
      %dma_start3A_122 = tpu.memref_squeeze %dma_start3A_121 : memref<1x64x64xf32, #tpu.memory_space<vmem>> -> memref<64x64xf32, #tpu.memory_space<vmem>>
      %dma_start3A_123 = arith.constant 0 : i32
      %dma_start3A_124 = tpu.memref_slice %arg6[%add3A_117, %dma_start3A_123] : memref<160x64xi32, #tpu.memory_space<vmem>> -> memref<1x64xi32, #tpu.memory_space<vmem>>
      %dma_start3A_125 = tpu.memref_squeeze %dma_start3A_124 : memref<1x64xi32, #tpu.memory_space<vmem>> -> memref<64xi32, #tpu.memory_space<vmem>>
      %dma_start3A_126 = arith.constant 0 : i32
      %dma_start3A_127 = arith.constant 0 : i32
      %dma_start3A_128 = tpu.memref_slice %arg2[%dma_start3A, %dma_start3A_126, %dma_start3A_127] : memref<2x10000x64xf32, #tpu.memory_space<hbm>> -> memref<1x10000x64xf32, #tpu.memory_space<hbm>>
      %dma_start3A_129 = tpu.memref_squeeze %dma_start3A_128 : memref<1x10000x64xf32, #tpu.memory_space<hbm>> -> memref<10000x64xf32, #tpu.memory_space<hbm>>
      %dma_start3A_130 = arith.constant 0 : i32
      %dma_start3A_131 = arith.constant 0 : i32
      %dma_start3A_132 = tpu.memref_slice %dma_start3A_129[%dma_start3A_130, %dma_start3A_131] : memref<10000x64xf32, #tpu.memory_space<hbm>> -> memref<10000x64xf32, #tpu.memory_space<hbm>>
      tpu.enqueue_indirect_dma source(%dma_start3A_132 : memref<10000x64xf32, #tpu.memory_space<hbm>>) target(%dma_start3A_122 : memref<64x64xf32, #tpu.memory_space<vmem>>) offsets(%dma_start3A_125 : memref<64xi32, #tpu.memory_space<vmem>>) semaphore(%arg11 : memref<!tpu.dma_semaphore, #tpu.memory_space<semaphore_mem>>)
      %add3A_133 = arith.constant 1 : i32
      %add3A_134 = arith.addi %mul3A_115, %add3A_133 : i32
      %dma_start3A_135 = arith.constant 0 : i32
      %dma_start3A_136 = arith.constant 1 : i32
      %dma_start3A_137 = arith.constant 0 : i32
      %dma_start3A_138 = arith.constant 0 : i32
      %dma_start3A_139 = tpu.memref_slice %arg8[%dma_start3A_136, %dma_start3A_137, %dma_start3A_138] : memref<10x64x64xf32, #tpu.memory_space<vmem>> -> memref<1x64x64xf32, #tpu.memory_space<vmem>>
      %dma_start3A_140 = tpu.memref_squeeze %dma_start3A_139 : memref<1x64x64xf32, #tpu.memory_space<vmem>> -> memref<64x64xf32, #tpu.memory_space<vmem>>
      %dma_start3A_141 = arith.constant 0 : i32
      %dma_start3A_142 = tpu.memref_slice %arg6[%add3A_134, %dma_start3A_141] : memref<160x64xi32, #tpu.memory_space<vmem>> -> memref<1x64xi32, #tpu.memory_space<vmem>>
      %dma_start3A_143 = tpu.memref_squeeze %dma_start3A_142 : memref<1x64xi32, #tpu.memory_space<vmem>> -> memref<64xi32, #tpu.memory_space<vmem>>
      %dma_start3A_144 = arith.constant 0 : i32
      %dma_start3A_145 = arith.constant 0 : i32
      %dma_start3A_146 = tpu.memref_slice %arg2[%dma_start3A_135, %dma_start3A_144, %dma_start3A_145] : memref<2x10000x64xf32, #tpu.memory_space<hbm>> -> memref<1x10000x64xf32, #tpu.memory_space<hbm>>
      %dma_start3A_147 = tpu.memref_squeeze %dma_start3A_146 : memref<1x10000x64xf32, #tpu.memory_space<hbm>> -> memref<10000x64xf32, #tpu.memory_space<hbm>>
      %dma_start3A_148 = arith.constant 0 : i32
      %dma_start3A_149 = arith.constant 0 : i32
      %dma_start3A_150 = tpu.memref_slice %dma_start3A_147[%dma_start3A_148, %dma_start3A_149] : memref<10000x64xf32, #tpu.memory_space<hbm>> -> memref<10000x64xf32, #tpu.memory_space<hbm>>
      tpu.enqueue_indirect_dma source(%dma_start3A_150 : memref<10000x64xf32, #tpu.memory_space<hbm>>) target(%dma_start3A_140 : memref<64x64xf32, #tpu.memory_space<vmem>>) offsets(%dma_start3A_143 : memref<64xi32, #tpu.memory_space<vmem>>) semaphore(%arg12 : memref<!tpu.dma_semaphore, #tpu.memory_space<semaphore_mem>>)
      %add3A_151 = arith.constant 2 : i32
      %add3A_152 = arith.addi %mul3A_115, %add3A_151 : i32
      %dma_start3A_153 = arith.constant 0 : i32
      %dma_start3A_154 = arith.constant 2 : i32
      %dma_start3A_155 = arith.constant 0 : i32
      %dma_start3A_156 = arith.constant 0 : i32
      %dma_start3A_157 = tpu.memref_slice %arg8[%dma_start3A_154, %dma_start3A_155, %dma_start3A_156] : memref<10x64x64xf32, #tpu.memory_space<vmem>> -> memref<1x64x64xf32, #tpu.memory_space<vmem>>
      %dma_start3A_158 = tpu.memref_squeeze %dma_start3A_157 : memref<1x64x64xf32, #tpu.memory_space<vmem>> -> memref<64x64xf32, #tpu.memory_space<vmem>>
      %dma_start3A_159 = arith.constant 0 : i32
      %dma_start3A_160 = tpu.memref_slice %arg6[%add3A_152, %dma_start3A_159] : memref<160x64xi32, #tpu.memory_space<vmem>> -> memref<1x64xi32, #tpu.memory_space<vmem>>
      %dma_start3A_161 = tpu.memref_squeeze %dma_start3A_160 : memref<1x64xi32, #tpu.memory_space<vmem>> -> memref<64xi32, #tpu.memory_space<vmem>>
      %dma_start3A_162 = arith.constant 0 : i32
      %dma_start3A_163 = arith.constant 0 : i32
      %dma_start3A_164 = tpu.memref_slice %arg2[%dma_start3A_153, %dma_start3A_162, %dma_start3A_163] : memref<2x10000x64xf32, #tpu.memory_space<hbm>> -> memref<1x10000x64xf32, #tpu.memory_space<hbm>>
      %dma_start3A_165 = tpu.memref_squeeze %dma_start3A_164 : memref<1x10000x64xf32, #tpu.memory_space<hbm>> -> memref<10000x64xf32, #tpu.memory_space<hbm>>
      %dma_start3A_166 = arith.constant 0 : i32
      %dma_start3A_167 = arith.constant 0 : i32
      %dma_start3A_168 = tpu.memref_slice %dma_start3A_165[%dma_start3A_166, %dma_start3A_167] : memref<10000x64xf32, #tpu.memory_space<hbm>> -> memref<10000x64xf32, #tpu.memory_space<hbm>>
      tpu.enqueue_indirect_dma source(%dma_start3A_168 : memref<10000x64xf32, #tpu.memory_space<hbm>>) target(%dma_start3A_158 : memref<64x64xf32, #tpu.memory_space<vmem>>) offsets(%dma_start3A_161 : memref<64xi32, #tpu.memory_space<vmem>>) semaphore(%arg13 : memref<!tpu.dma_semaphore, #tpu.memory_space<semaphore_mem>>)
      %add3A_169 = arith.constant 3 : i32
      %add3A_170 = arith.addi %mul3A_115, %add3A_169 : i32
      %dma_start3A_171 = arith.constant 0 : i32
      %dma_start3A_172 = arith.constant 3 : i32
      %dma_start3A_173 = arith.constant 0 : i32
      %dma_start3A_174 = arith.constant 0 : i32
      %dma_start3A_175 = tpu.memref_slice %arg8[%dma_start3A_172, %dma_start3A_173, %dma_start3A_174] : memref<10x64x64xf32, #tpu.memory_space<vmem>> -> memref<1x64x64xf32, #tpu.memory_space<vmem>>
      %dma_start3A_176 = tpu.memref_squeeze %dma_start3A_175 : memref<1x64x64xf32, #tpu.memory_space<vmem>> -> memref<64x64xf32, #tpu.memory_space<vmem>>
      %dma_start3A_177 = arith.constant 0 : i32
      %dma_start3A_178 = tpu.memref_slice %arg6[%add3A_170, %dma_start3A_177] : memref<160x64xi32, #tpu.memory_space<vmem>> -> memref<1x64xi32, #tpu.memory_space<vmem>>
      %dma_start3A_179 = tpu.memref_squeeze %dma_start3A_178 : memref<1x64xi32, #tpu.memory_space<vmem>> -> memref<64xi32, #tpu.memory_space<vmem>>
      %dma_start3A_180 = arith.constant 0 : i32
      %dma_start3A_181 = arith.constant 0 : i32
      %dma_start3A_182 = tpu.memref_slice %arg2[%dma_start3A_171, %dma_start3A_180, %dma_start3A_181] : memref<2x10000x64xf32, #tpu.memory_space<hbm>> -> memref<1x10000x64xf32, #tpu.memory_space<hbm>>
      %dma_start3A_183 = tpu.memref_squeeze %dma_start3A_182 : memref<1x10000x64xf32, #tpu.memory_space<hbm>> -> memref<10000x64xf32, #tpu.memory_space<hbm>>
      %dma_start3A_184 = arith.constant 0 : i32
      %dma_start3A_185 = arith.constant 0 : i32
      %dma_start3A_186 = tpu.memref_slice %dma_start3A_183[%dma_start3A_184, %dma_start3A_185] : memref<10000x64xf32, #tpu.memory_space<hbm>> -> memref<10000x64xf32, #tpu.memory_space<hbm>>
      tpu.enqueue_indirect_dma source(%dma_start3A_186 : memref<10000x64xf32, #tpu.memory_space<hbm>>) target(%dma_start3A_176 : memref<64x64xf32, #tpu.memory_space<vmem>>) offsets(%dma_start3A_179 : memref<64xi32, #tpu.memory_space<vmem>>) semaphore(%arg14 : memref<!tpu.dma_semaphore, #tpu.memory_space<semaphore_mem>>)
      %add3A_187 = arith.constant 4 : i32
      %add3A_188 = arith.addi %mul3A_115, %add3A_187 : i32
      %dma_start3A_189 = arith.constant 0 : i32
      %dma_start3A_190 = arith.constant 4 : i32
      %dma_start3A_191 = arith.constant 0 : i32
      %dma_start3A_192 = arith.constant 0 : i32
      %dma_start3A_193 = tpu.memref_slice %arg8[%dma_start3A_190, %dma_start3A_191, %dma_start3A_192] : memref<10x64x64xf32, #tpu.memory_space<vmem>> -> memref<1x64x64xf32, #tpu.memory_space<vmem>>
      %dma_start3A_194 = tpu.memref_squeeze %dma_start3A_193 : memref<1x64x64xf32, #tpu.memory_space<vmem>> -> memref<64x64xf32, #tpu.memory_space<vmem>>
      %dma_start3A_195 = arith.constant 0 : i32
      %dma_start3A_196 = tpu.memref_slice %arg6[%add3A_188, %dma_start3A_195] : memref<160x64xi32, #tpu.memory_space<vmem>> -> memref<1x64xi32, #tpu.memory_space<vmem>>
      %dma_start3A_197 = tpu.memref_squeeze %dma_start3A_196 : memref<1x64xi32, #tpu.memory_space<vmem>> -> memref<64xi32, #tpu.memory_space<vmem>>
      %dma_start3A_198 = arith.constant 0 : i32
      %dma_start3A_199 = arith.constant 0 : i32
      %dma_start3A_200 = tpu.memref_slice %arg2[%dma_start3A_189, %dma_start3A_198, %dma_start3A_199] : memref<2x10000x64xf32, #tpu.memory_space<hbm>> -> memref<1x10000x64xf32, #tpu.memory_space<hbm>>
      %dma_start3A_201 = tpu.memref_squeeze %dma_start3A_200 : memref<1x10000x64xf32, #tpu.memory_space<hbm>> -> memref<10000x64xf32, #tpu.memory_space<hbm>>
      %dma_start3A_202 = arith.constant 0 : i32
      %dma_start3A_203 = arith.constant 0 : i32
      %dma_start3A_204 = tpu.memref_slice %dma_start3A_201[%dma_start3A_202, %dma_start3A_203] : memref<10000x64xf32, #tpu.memory_space<hbm>> -> memref<10000x64xf32, #tpu.memory_space<hbm>>
      tpu.enqueue_indirect_dma source(%dma_start3A_204 : memref<10000x64xf32, #tpu.memory_space<hbm>>) target(%dma_start3A_194 : memref<64x64xf32, #tpu.memory_space<vmem>>) offsets(%dma_start3A_197 : memref<64xi32, #tpu.memory_space<vmem>>) semaphore(%arg15 : memref<!tpu.dma_semaphore, #tpu.memory_space<semaphore_mem>>)
      %add3A_205 = arith.constant 5 : i32
      %add3A_206 = arith.addi %mul3A_115, %add3A_205 : i32
      %dma_start3A_207 = arith.constant 0 : i32
      %dma_start3A_208 = arith.constant 5 : i32
      %dma_start3A_209 = arith.constant 0 : i32
      %dma_start3A_210 = arith.constant 0 : i32
      %dma_start3A_211 = tpu.memref_slice %arg8[%dma_start3A_208, %dma_start3A_209, %dma_start3A_210] : memref<10x64x64xf32, #tpu.memory_space<vmem>> -> memref<1x64x64xf32, #tpu.memory_space<vmem>>
      %dma_start3A_212 = tpu.memref_squeeze %dma_start3A_211 : memref<1x64x64xf32, #tpu.memory_space<vmem>> -> memref<64x64xf32, #tpu.memory_space<vmem>>
      %dma_start3A_213 = arith.constant 0 : i32
      %dma_start3A_214 = tpu.memref_slice %arg6[%add3A_206, %dma_start3A_213] : memref<160x64xi32, #tpu.memory_space<vmem>> -> memref<1x64xi32, #tpu.memory_space<vmem>>
      %dma_start3A_215 = tpu.memref_squeeze %dma_start3A_214 : memref<1x64xi32, #tpu.memory_space<vmem>> -> memref<64xi32, #tpu.memory_space<vmem>>
      %dma_start3A_216 = arith.constant 0 : i32
      %dma_start3A_217 = arith.constant 0 : i32
      %dma_start3A_218 = tpu.memref_slice %arg2[%dma_start3A_207, %dma_start3A_216, %dma_start3A_217] : memref<2x10000x64xf32, #tpu.memory_space<hbm>> -> memref<1x10000x64xf32, #tpu.memory_space<hbm>>
      %dma_start3A_219 = tpu.memref_squeeze %dma_start3A_218 : memref<1x10000x64xf32, #tpu.memory_space<hbm>> -> memref<10000x64xf32, #tpu.memory_space<hbm>>
      %dma_start3A_220 = arith.constant 0 : i32
      %dma_start3A_221 = arith.constant 0 : i32
      %dma_start3A_222 = tpu.memref_slice %dma_start3A_219[%dma_start3A_220, %dma_start3A_221] : memref<10000x64xf32, #tpu.memory_space<hbm>> -> memref<10000x64xf32, #tpu.memory_space<hbm>>
      tpu.enqueue_indirect_dma source(%dma_start3A_222 : memref<10000x64xf32, #tpu.memory_space<hbm>>) target(%dma_start3A_212 : memref<64x64xf32, #tpu.memory_space<vmem>>) offsets(%dma_start3A_215 : memref<64xi32, #tpu.memory_space<vmem>>) semaphore(%arg16 : memref<!tpu.dma_semaphore, #tpu.memory_space<semaphore_mem>>)
      %add3A_223 = arith.constant 6 : i32
      %add3A_224 = arith.addi %mul3A_115, %add3A_223 : i32
      %dma_start3A_225 = arith.constant 0 : i32
      %dma_start3A_226 = arith.constant 6 : i32
      %dma_start3A_227 = arith.constant 0 : i32
      %dma_start3A_228 = arith.constant 0 : i32
      %dma_start3A_229 = tpu.memref_slice %arg8[%dma_start3A_226, %dma_start3A_227, %dma_start3A_228] : memref<10x64x64xf32, #tpu.memory_space<vmem>> -> memref<1x64x64xf32, #tpu.memory_space<vmem>>
      %dma_start3A_230 = tpu.memref_squeeze %dma_start3A_229 : memref<1x64x64xf32, #tpu.memory_space<vmem>> -> memref<64x64xf32, #tpu.memory_space<vmem>>
      %dma_start3A_231 = arith.constant 0 : i32
      %dma_start3A_232 = tpu.memref_slice %arg6[%add3A_224, %dma_start3A_231] : memref<160x64xi32, #tpu.memory_space<vmem>> -> memref<1x64xi32, #tpu.memory_space<vmem>>
      %dma_start3A_233 = tpu.memref_squeeze %dma_start3A_232 : memref<1x64xi32, #tpu.memory_space<vmem>> -> memref<64xi32, #tpu.memory_space<vmem>>
      %dma_start3A_234 = arith.constant 0 : i32
      %dma_start3A_235 = arith.constant 0 : i32
      %dma_start3A_236 = tpu.memref_slice %arg2[%dma_start3A_225, %dma_start3A_234, %dma_start3A_235] : memref<2x10000x64xf32, #tpu.memory_space<hbm>> -> memref<1x10000x64xf32, #tpu.memory_space<hbm>>
      %dma_start3A_237 = tpu.memref_squeeze %dma_start3A_236 : memref<1x10000x64xf32, #tpu.memory_space<hbm>> -> memref<10000x64xf32, #tpu.memory_space<hbm>>
      %dma_start3A_238 = arith.constant 0 : i32
      %dma_start3A_239 = arith.constant 0 : i32
      %dma_start3A_240 = tpu.memref_slice %dma_start3A_237[%dma_start3A_238, %dma_start3A_239] : memref<10000x64xf32, #tpu.memory_space<hbm>> -> memref<10000x64xf32, #tpu.memory_space<hbm>>
      tpu.enqueue_indirect_dma source(%dma_start3A_240 : memref<10000x64xf32, #tpu.memory_space<hbm>>) target(%dma_start3A_230 : memref<64x64xf32, #tpu.memory_space<vmem>>) offsets(%dma_start3A_233 : memref<64xi32, #tpu.memory_space<vmem>>) semaphore(%arg17 : memref<!tpu.dma_semaphore, #tpu.memory_space<semaphore_mem>>)
      %add3A_241 = arith.constant 7 : i32
      %add3A_242 = arith.addi %mul3A_115, %add3A_241 : i32
      %dma_start3A_243 = arith.constant 0 : i32
      %dma_start3A_244 = arith.constant 7 : i32
      %dma_start3A_245 = arith.constant 0 : i32
      %dma_start3A_246 = arith.constant 0 : i32
      %dma_start3A_247 = tpu.memref_slice %arg8[%dma_start3A_244, %dma_start3A_245, %dma_start3A_246] : memref<10x64x64xf32, #tpu.memory_space<vmem>> -> memref<1x64x64xf32, #tpu.memory_space<vmem>>
      %dma_start3A_248 = tpu.memref_squeeze %dma_start3A_247 : memref<1x64x64xf32, #tpu.memory_space<vmem>> -> memref<64x64xf32, #tpu.memory_space<vmem>>
      %dma_start3A_249 = arith.constant 0 : i32
      %dma_start3A_250 = tpu.memref_slice %arg6[%add3A_242, %dma_start3A_249] : memref<160x64xi32, #tpu.memory_space<vmem>> -> memref<1x64xi32, #tpu.memory_space<vmem>>
      %dma_start3A_251 = tpu.memref_squeeze %dma_start3A_250 : memref<1x64xi32, #tpu.memory_space<vmem>> -> memref<64xi32, #tpu.memory_space<vmem>>
      %dma_start3A_252 = arith.constant 0 : i32
      %dma_start3A_253 = arith.constant 0 : i32
      %dma_start3A_254 = tpu.memref_slice %arg2[%dma_start3A_243, %dma_start3A_252, %dma_start3A_253] : memref<2x10000x64xf32, #tpu.memory_space<hbm>> -> memref<1x10000x64xf32, #tpu.memory_space<hbm>>
      %dma_start3A_255 = tpu.memref_squeeze %dma_start3A_254 : memref<1x10000x64xf32, #tpu.memory_space<hbm>> -> memref<10000x64xf32, #tpu.memory_space<hbm>>
      %dma_start3A_256 = arith.constant 0 : i32
      %dma_start3A_257 = arith.constant 0 : i32
      %dma_start3A_258 = tpu.memref_slice %dma_start3A_255[%dma_start3A_256, %dma_start3A_257] : memref<10000x64xf32, #tpu.memory_space<hbm>> -> memref<10000x64xf32, #tpu.memory_space<hbm>>
      tpu.enqueue_indirect_dma source(%dma_start3A_258 : memref<10000x64xf32, #tpu.memory_space<hbm>>) target(%dma_start3A_248 : memref<64x64xf32, #tpu.memory_space<vmem>>) offsets(%dma_start3A_251 : memref<64xi32, #tpu.memory_space<vmem>>) semaphore(%arg18 : memref<!tpu.dma_semaphore, #tpu.memory_space<semaphore_mem>>)
      %add3A_259 = arith.constant 8 : i32
      %add3A_260 = arith.addi %mul3A_115, %add3A_259 : i32
      %dma_start3A_261 = arith.constant 0 : i32
      %dma_start3A_262 = arith.constant 8 : i32
      %dma_start3A_263 = arith.constant 0 : i32
      %dma_start3A_264 = arith.constant 0 : i32
      %dma_start3A_265 = tpu.memref_slice %arg8[%dma_start3A_262, %dma_start3A_263, %dma_start3A_264] : memref<10x64x64xf32, #tpu.memory_space<vmem>> -> memref<1x64x64xf32, #tpu.memory_space<vmem>>
      %dma_start3A_266 = tpu.memref_squeeze %dma_start3A_265 : memref<1x64x64xf32, #tpu.memory_space<vmem>> -> memref<64x64xf32, #tpu.memory_space<vmem>>
      %dma_start3A_267 = arith.constant 0 : i32
      %dma_start3A_268 = tpu.memref_slice %arg6[%add3A_260, %dma_start3A_267] : memref<160x64xi32, #tpu.memory_space<vmem>> -> memref<1x64xi32, #tpu.memory_space<vmem>>
      %dma_start3A_269 = tpu.memref_squeeze %dma_start3A_268 : memref<1x64xi32, #tpu.memory_space<vmem>> -> memref<64xi32, #tpu.memory_space<vmem>>
      %dma_start3A_270 = arith.constant 0 : i32
      %dma_start3A_271 = arith.constant 0 : i32
      %dma_start3A_272 = tpu.memref_slice %arg2[%dma_start3A_261, %dma_start3A_270, %dma_start3A_271] : memref<2x10000x64xf32, #tpu.memory_space<hbm>> -> memref<1x10000x64xf32, #tpu.memory_space<hbm>>
      %dma_start3A_273 = tpu.memref_squeeze %dma_start3A_272 : memref<1x10000x64xf32, #tpu.memory_space<hbm>> -> memref<10000x64xf32, #tpu.memory_space<hbm>>
      %dma_start3A_274 = arith.constant 0 : i32
      %dma_start3A_275 = arith.constant 0 : i32
      %dma_start3A_276 = tpu.memref_slice %dma_start3A_273[%dma_start3A_274, %dma_start3A_275] : memref<10000x64xf32, #tpu.memory_space<hbm>> -> memref<10000x64xf32, #tpu.memory_space<hbm>>
      tpu.enqueue_indirect_dma source(%dma_start3A_276 : memref<10000x64xf32, #tpu.memory_space<hbm>>) target(%dma_start3A_266 : memref<64x64xf32, #tpu.memory_space<vmem>>) offsets(%dma_start3A_269 : memref<64xi32, #tpu.memory_space<vmem>>) semaphore(%arg19 : memref<!tpu.dma_semaphore, #tpu.memory_space<semaphore_mem>>)
      %add3A_277 = arith.constant 9 : i32
      %add3A_278 = arith.addi %mul3A_115, %add3A_277 : i32
      %dma_start3A_279 = arith.constant 0 : i32
      %dma_start3A_280 = arith.constant 9 : i32
      %dma_start3A_281 = arith.constant 0 : i32
      %dma_start3A_282 = arith.constant 0 : i32
      %dma_start3A_283 = tpu.memref_slice %arg8[%dma_start3A_280, %dma_start3A_281, %dma_start3A_282] : memref<10x64x64xf32, #tpu.memory_space<vmem>> -> memref<1x64x64xf32, #tpu.memory_space<vmem>>
      %dma_start3A_284 = tpu.memref_squeeze %dma_start3A_283 : memref<1x64x64xf32, #tpu.memory_space<vmem>> -> memref<64x64xf32, #tpu.memory_space<vmem>>
      %dma_start3A_285 = arith.constant 0 : i32
      %dma_start3A_286 = tpu.memref_slice %arg6[%add3A_278, %dma_start3A_285] : memref<160x64xi32, #tpu.memory_space<vmem>> -> memref<1x64xi32, #tpu.memory_space<vmem>>
      %dma_start3A_287 = tpu.memref_squeeze %dma_start3A_286 : memref<1x64xi32, #tpu.memory_space<vmem>> -> memref<64xi32, #tpu.memory_space<vmem>>
      %dma_start3A_288 = arith.constant 0 : i32
      %dma_start3A_289 = arith.constant 0 : i32
      %dma_start3A_290 = tpu.memref_slice %arg2[%dma_start3A_279, %dma_start3A_288, %dma_start3A_289] : memref<2x10000x64xf32, #tpu.memory_space<hbm>> -> memref<1x10000x64xf32, #tpu.memory_space<hbm>>
      %dma_start3A_291 = tpu.memref_squeeze %dma_start3A_290 : memref<1x10000x64xf32, #tpu.memory_space<hbm>> -> memref<10000x64xf32, #tpu.memory_space<hbm>>
      %dma_start3A_292 = arith.constant 0 : i32
      %dma_start3A_293 = arith.constant 0 : i32
      %dma_start3A_294 = tpu.memref_slice %dma_start3A_291[%dma_start3A_292, %dma_start3A_293] : memref<10000x64xf32, #tpu.memory_space<hbm>> -> memref<10000x64xf32, #tpu.memory_space<hbm>>
      tpu.enqueue_indirect_dma source(%dma_start3A_294 : memref<10000x64xf32, #tpu.memory_space<hbm>>) target(%dma_start3A_284 : memref<64x64xf32, #tpu.memory_space<vmem>>) offsets(%dma_start3A_287 : memref<64xi32, #tpu.memory_space<vmem>>) semaphore(%arg20 : memref<!tpu.dma_semaphore, #tpu.memory_space<semaphore_mem>>)
      %dma_wait3A = arith.constant 0 : i32
      %dma_wait3A_295 = arith.constant 0 : i32
      %dma_wait3A_296 = arith.constant 0 : i32
      %dma_wait3A_297 = arith.constant 0 : i32
      %dma_wait3A_298 = tpu.memref_slice %arg8[%dma_wait3A_295, %dma_wait3A_296, %dma_wait3A_297] : memref<10x64x64xf32, #tpu.memory_space<vmem>> -> memref<1x64x64xf32, #tpu.memory_space<vmem>>
      %dma_wait3A_299 = tpu.memref_squeeze %dma_wait3A_298 : memref<1x64x64xf32, #tpu.memory_space<vmem>> -> memref<64x64xf32, #tpu.memory_space<vmem>>
      %dma_wait3A_300 = arith.constant 0 : i32
      %dma_wait3A_301 = tpu.memref_slice %arg6[%add3A_117, %dma_wait3A_300] : memref<160x64xi32, #tpu.memory_space<vmem>> -> memref<1x64xi32, #tpu.memory_space<vmem>>
      %dma_wait3A_302 = tpu.memref_squeeze %dma_wait3A_301 : memref<1x64xi32, #tpu.memory_space<vmem>> -> memref<64xi32, #tpu.memory_space<vmem>>
      %dma_wait3A_303 = arith.constant 0 : i32
      %dma_wait3A_304 = arith.constant 0 : i32
      %dma_wait3A_305 = tpu.memref_slice %arg2[%dma_wait3A, %dma_wait3A_303, %dma_wait3A_304] : memref<2x10000x64xf32, #tpu.memory_space<hbm>> -> memref<1x10000x64xf32, #tpu.memory_space<hbm>>
      %dma_wait3A_306 = tpu.memref_squeeze %dma_wait3A_305 : memref<1x10000x64xf32, #tpu.memory_space<hbm>> -> memref<10000x64xf32, #tpu.memory_space<hbm>>
      %dma_wait3A_307 = arith.constant 0 : i32
      %dma_wait3A_308 = arith.constant 0 : i32
      %dma_wait3A_309 = tpu.memref_slice %dma_wait3A_306[%dma_wait3A_307, %dma_wait3A_308] : memref<10000x64xf32, #tpu.memory_space<hbm>> -> memref<10000x64xf32, #tpu.memory_space<hbm>>
      tpu.wait_indirect_dma semaphore(%arg11 : memref<!tpu.dma_semaphore, #tpu.memory_space<semaphore_mem>>) src(%dma_wait3A_309 : memref<10000x64xf32, #tpu.memory_space<hbm>>) dst(%dma_wait3A_299 : memref<64x64xf32, #tpu.memory_space<vmem>>)
      %add3A_310 = arith.constant 0 : i32
      %add3A_311 = arith.addi %mul3A_115, %add3A_310 : i32
      %dma_start3A_312 = arith.constant 0 : i32
      %dma_start3A_313 = arith.constant 0 : i32
      %dma_start3A_314 = arith.constant 0 : i32
      %dma_start3A_315 = tpu.memref_slice %arg8[%dma_start3A_312, %dma_start3A_313, %dma_start3A_314] : memref<10x64x64xf32, #tpu.memory_space<vmem>> -> memref<1x64x64xf32, #tpu.memory_space<vmem>>
      %dma_start3A_316 = tpu.memref_squeeze %dma_start3A_315 : memref<1x64x64xf32, #tpu.memory_space<vmem>> -> memref<64x64xf32, #tpu.memory_space<vmem>>
      %dma_start3A_317 = arith.constant 0 : i32
      %dma_start3A_318 = tpu.memref_slice %arg7[%add3A_311, %dma_start3A_317] : memref<160x64xi32, #tpu.memory_space<vmem>> -> memref<1x64xi32, #tpu.memory_space<vmem>>
      %dma_start3A_319 = tpu.memref_squeeze %dma_start3A_318 : memref<1x64xi32, #tpu.memory_space<vmem>> -> memref<64xi32, #tpu.memory_space<vmem>>
      %dma_start3A_320 = arith.constant 0 : i32
      %dma_start3A_321 = arith.constant 0 : i32
      %dma_start3A_322 = tpu.memref_slice %arg10[%dma_start3A_320, %dma_start3A_321] : memref<10240x64xf32, #tpu.memory_space<vmem_shared>> -> memref<10240x64xf32, #tpu.memory_space<vmem_shared>>
      tpu.enqueue_indirect_dma source(%dma_start3A_316 : memref<64x64xf32, #tpu.memory_space<vmem>>) target(%dma_start3A_322 : memref<10240x64xf32, #tpu.memory_space<vmem_shared>>) offsets(%dma_start3A_319 : memref<64xi32, #tpu.memory_space<vmem>>) semaphore(%arg21 : memref<!tpu.dma_semaphore, #tpu.memory_space<semaphore_mem>>) {add = true}
      %dma_wait3A_323 = arith.constant 0 : i32
      %dma_wait3A_324 = arith.constant 1 : i32
      %dma_wait3A_325 = arith.constant 0 : i32
      %dma_wait3A_326 = arith.constant 0 : i32
      %dma_wait3A_327 = tpu.memref_slice %arg8[%dma_wait3A_324, %dma_wait3A_325, %dma_wait3A_326] : memref<10x64x64xf32, #tpu.memory_space<vmem>> -> memref<1x64x64xf32, #tpu.memory_space<vmem>>
      %dma_wait3A_328 = tpu.memref_squeeze %dma_wait3A_327 : memref<1x64x64xf32, #tpu.memory_space<vmem>> -> memref<64x64xf32, #tpu.memory_space<vmem>>
      %dma_wait3A_329 = arith.constant 0 : i32
      %dma_wait3A_330 = tpu.memref_slice %arg6[%add3A_134, %dma_wait3A_329] : memref<160x64xi32, #tpu.memory_space<vmem>> -> memref<1x64xi32, #tpu.memory_space<vmem>>
      %dma_wait3A_331 = tpu.memref_squeeze %dma_wait3A_330 : memref<1x64xi32, #tpu.memory_space<vmem>> -> memref<64xi32, #tpu.memory_space<vmem>>
      %dma_wait3A_332 = arith.constant 0 : i32
      %dma_wait3A_333 = arith.constant 0 : i32
      %dma_wait3A_334 = tpu.memref_slice %arg2[%dma_wait3A_323, %dma_wait3A_332, %dma_wait3A_333] : memref<2x10000x64xf32, #tpu.memory_space<hbm>> -> memref<1x10000x64xf32, #tpu.memory_space<hbm>>
      %dma_wait3A_335 = tpu.memref_squeeze %dma_wait3A_334 : memref<1x10000x64xf32, #tpu.memory_space<hbm>> -> memref<10000x64xf32, #tpu.memory_space<hbm>>
      %dma_wait3A_336 = arith.constant 0 : i32
      %dma_wait3A_337 = arith.constant 0 : i32
      %dma_wait3A_338 = tpu.memref_slice %dma_wait3A_335[%dma_wait3A_336, %dma_wait3A_337] : memref<10000x64xf32, #tpu.memory_space<hbm>> -> memref<10000x64xf32, #tpu.memory_space<hbm>>
      tpu.wait_indirect_dma semaphore(%arg12 : memref<!tpu.dma_semaphore, #tpu.memory_space<semaphore_mem>>) src(%dma_wait3A_338 : memref<10000x64xf32, #tpu.memory_space<hbm>>) dst(%dma_wait3A_328 : memref<64x64xf32, #tpu.memory_space<vmem>>)
      %add3A_339 = arith.constant 1 : i32
      %add3A_340 = arith.addi %mul3A_115, %add3A_339 : i32
      %dma_start3A_341 = arith.constant 1 : i32
      %dma_start3A_342 = arith.constant 0 : i32
      %dma_start3A_343 = arith.constant 0 : i32
      %dma_start3A_344 = tpu.memref_slice %arg8[%dma_start3A_341, %dma_start3A_342, %dma_start3A_343] : memref<10x64x64xf32, #tpu.memory_space<vmem>> -> memref<1x64x64xf32, #tpu.memory_space<vmem>>
      %dma_start3A_345 = tpu.memref_squeeze %dma_start3A_344 : memref<1x64x64xf32, #tpu.memory_space<vmem>> -> memref<64x64xf32, #tpu.memory_space<vmem>>
      %dma_start3A_346 = arith.constant 0 : i32
      %dma_start3A_347 = tpu.memref_slice %arg7[%add3A_340, %dma_start3A_346] : memref<160x64xi32, #tpu.memory_space<vmem>> -> memref<1x64xi32, #tpu.memory_space<vmem>>
      %dma_start3A_348 = tpu.memref_squeeze %dma_start3A_347 : memref<1x64xi32, #tpu.memory_space<vmem>> -> memref<64xi32, #tpu.memory_space<vmem>>
      %dma_start3A_349 = arith.constant 0 : i32
      %dma_start3A_350 = arith.constant 0 : i32
      %dma_start3A_351 = tpu.memref_slice %arg10[%dma_start3A_349, %dma_start3A_350] : memref<10240x64xf32, #tpu.memory_space<vmem_shared>> -> memref<10240x64xf32, #tpu.memory_space<vmem_shared>>
      tpu.enqueue_indirect_dma source(%dma_start3A_345 : memref<64x64xf32, #tpu.memory_space<vmem>>) target(%dma_start3A_351 : memref<10240x64xf32, #tpu.memory_space<vmem_shared>>) offsets(%dma_start3A_348 : memref<64xi32, #tpu.memory_space<vmem>>) semaphore(%arg22 : memref<!tpu.dma_semaphore, #tpu.memory_space<semaphore_mem>>) {add = true}
      %dma_wait3A_352 = arith.constant 0 : i32
      %dma_wait3A_353 = arith.constant 2 : i32
      %dma_wait3A_354 = arith.constant 0 : i32
      %dma_wait3A_355 = arith.constant 0 : i32
      %dma_wait3A_356 = tpu.memref_slice %arg8[%dma_wait3A_353, %dma_wait3A_354, %dma_wait3A_355] : memref<10x64x64xf32, #tpu.memory_space<vmem>> -> memref<1x64x64xf32, #tpu.memory_space<vmem>>
      %dma_wait3A_357 = tpu.memref_squeeze %dma_wait3A_356 : memref<1x64x64xf32, #tpu.memory_space<vmem>> -> memref<64x64xf32, #tpu.memory_space<vmem>>
      %dma_wait3A_358 = arith.constant 0 : i32
      %dma_wait3A_359 = tpu.memref_slice %arg6[%add3A_152, %dma_wait3A_358] : memref<160x64xi32, #tpu.memory_space<vmem>> -> memref<1x64xi32, #tpu.memory_space<vmem>>
      %dma_wait3A_360 = tpu.memref_squeeze %dma_wait3A_359 : memref<1x64xi32, #tpu.memory_space<vmem>> -> memref<64xi32, #tpu.memory_space<vmem>>
      %dma_wait3A_361 = arith.constant 0 : i32
      %dma_wait3A_362 = arith.constant 0 : i32
      %dma_wait3A_363 = tpu.memref_slice %arg2[%dma_wait3A_352, %dma_wait3A_361, %dma_wait3A_362] : memref<2x10000x64xf32, #tpu.memory_space<hbm>> -> memref<1x10000x64xf32, #tpu.memory_space<hbm>>
      %dma_wait3A_364 = tpu.memref_squeeze %dma_wait3A_363 : memref<1x10000x64xf32, #tpu.memory_space<hbm>> -> memref<10000x64xf32, #tpu.memory_space<hbm>>
      %dma_wait3A_365 = arith.constant 0 : i32
      %dma_wait3A_366 = arith.constant 0 : i32
      %dma_wait3A_367 = tpu.memref_slice %dma_wait3A_364[%dma_wait3A_365, %dma_wait3A_366] : memref<10000x64xf32, #tpu.memory_space<hbm>> -> memref<10000x64xf32, #tpu.memory_space<hbm>>
      tpu.wait_indirect_dma semaphore(%arg13 : memref<!tpu.dma_semaphore, #tpu.memory_space<semaphore_mem>>) src(%dma_wait3A_367 : memref<10000x64xf32, #tpu.memory_space<hbm>>) dst(%dma_wait3A_357 : memref<64x64xf32, #tpu.memory_space<vmem>>)
      %add3A_368 = arith.constant 2 : i32
      %add3A_369 = arith.addi %mul3A_115, %add3A_368 : i32
      %dma_start3A_370 = arith.constant 2 : i32
      %dma_start3A_371 = arith.constant 0 : i32
      %dma_start3A_372 = arith.constant 0 : i32
      %dma_start3A_373 = tpu.memref_slice %arg8[%dma_start3A_370, %dma_start3A_371, %dma_start3A_372] : memref<10x64x64xf32, #tpu.memory_space<vmem>> -> memref<1x64x64xf32, #tpu.memory_space<vmem>>
      %dma_start3A_374 = tpu.memref_squeeze %dma_start3A_373 : memref<1x64x64xf32, #tpu.memory_space<vmem>> -> memref<64x64xf32, #tpu.memory_space<vmem>>
      %dma_start3A_375 = arith.constant 0 : i32
      %dma_start3A_376 = tpu.memref_slice %arg7[%add3A_369, %dma_start3A_375] : memref<160x64xi32, #tpu.memory_space<vmem>> -> memref<1x64xi32, #tpu.memory_space<vmem>>
      %dma_start3A_377 = tpu.memref_squeeze %dma_start3A_376 : memref<1x64xi32, #tpu.memory_space<vmem>> -> memref<64xi32, #tpu.memory_space<vmem>>
      %dma_start3A_378 = arith.constant 0 : i32
      %dma_start3A_379 = arith.constant 0 : i32
      %dma_start3A_380 = tpu.memref_slice %arg10[%dma_start3A_378, %dma_start3A_379] : memref<10240x64xf32, #tpu.memory_space<vmem_shared>> -> memref<10240x64xf32, #tpu.memory_space<vmem_shared>>
      tpu.enqueue_indirect_dma source(%dma_start3A_374 : memref<64x64xf32, #tpu.memory_space<vmem>>) target(%dma_start3A_380 : memref<10240x64xf32, #tpu.memory_space<vmem_shared>>) offsets(%dma_start3A_377 : memref<64xi32, #tpu.memory_space<vmem>>) semaphore(%arg23 : memref<!tpu.dma_semaphore, #tpu.memory_space<semaphore_mem>>) {add = true}
      %dma_wait3A_381 = arith.constant 0 : i32
      %dma_wait3A_382 = arith.constant 3 : i32
      %dma_wait3A_383 = arith.constant 0 : i32
      %dma_wait3A_384 = arith.constant 0 : i32
      %dma_wait3A_385 = tpu.memref_slice %arg8[%dma_wait3A_382, %dma_wait3A_383, %dma_wait3A_384] : memref<10x64x64xf32, #tpu.memory_space<vmem>> -> memref<1x64x64xf32, #tpu.memory_space<vmem>>
      %dma_wait3A_386 = tpu.memref_squeeze %dma_wait3A_385 : memref<1x64x64xf32, #tpu.memory_space<vmem>> -> memref<64x64xf32, #tpu.memory_space<vmem>>
      %dma_wait3A_387 = arith.constant 0 : i32
      %dma_wait3A_388 = tpu.memref_slice %arg6[%add3A_170, %dma_wait3A_387] : memref<160x64xi32, #tpu.memory_space<vmem>> -> memref<1x64xi32, #tpu.memory_space<vmem>>
      %dma_wait3A_389 = tpu.memref_squeeze %dma_wait3A_388 : memref<1x64xi32, #tpu.memory_space<vmem>> -> memref<64xi32, #tpu.memory_space<vmem>>
      %dma_wait3A_390 = arith.constant 0 : i32
      %dma_wait3A_391 = arith.constant 0 : i32
      %dma_wait3A_392 = tpu.memref_slice %arg2[%dma_wait3A_381, %dma_wait3A_390, %dma_wait3A_391] : memref<2x10000x64xf32, #tpu.memory_space<hbm>> -> memref<1x10000x64xf32, #tpu.memory_space<hbm>>
      %dma_wait3A_393 = tpu.memref_squeeze %dma_wait3A_392 : memref<1x10000x64xf32, #tpu.memory_space<hbm>> -> memref<10000x64xf32, #tpu.memory_space<hbm>>
      %dma_wait3A_394 = arith.constant 0 : i32
      %dma_wait3A_395 = arith.constant 0 : i32
      %dma_wait3A_396 = tpu.memref_slice %dma_wait3A_393[%dma_wait3A_394, %dma_wait3A_395] : memref<10000x64xf32, #tpu.memory_space<hbm>> -> memref<10000x64xf32, #tpu.memory_space<hbm>>
      tpu.wait_indirect_dma semaphore(%arg14 : memref<!tpu.dma_semaphore, #tpu.memory_space<semaphore_mem>>) src(%dma_wait3A_396 : memref<10000x64xf32, #tpu.memory_space<hbm>>) dst(%dma_wait3A_386 : memref<64x64xf32, #tpu.memory_space<vmem>>)
      %add3A_397 = arith.constant 3 : i32
      %add3A_398 = arith.addi %mul3A_115, %add3A_397 : i32
      %dma_start3A_399 = arith.constant 3 : i32
      %dma_start3A_400 = arith.constant 0 : i32
      %dma_start3A_401 = arith.constant 0 : i32
      %dma_start3A_402 = tpu.memref_slice %arg8[%dma_start3A_399, %dma_start3A_400, %dma_start3A_401] : memref<10x64x64xf32, #tpu.memory_space<vmem>> -> memref<1x64x64xf32, #tpu.memory_space<vmem>>
      %dma_start3A_403 = tpu.memref_squeeze %dma_start3A_402 : memref<1x64x64xf32, #tpu.memory_space<vmem>> -> memref<64x64xf32, #tpu.memory_space<vmem>>
      %dma_start3A_404 = arith.constant 0 : i32
      %dma_start3A_405 = tpu.memref_slice %arg7[%add3A_398, %dma_start3A_404] : memref<160x64xi32, #tpu.memory_space<vmem>> -> memref<1x64xi32, #tpu.memory_space<vmem>>
      %dma_start3A_406 = tpu.memref_squeeze %dma_start3A_405 : memref<1x64xi32, #tpu.memory_space<vmem>> -> memref<64xi32, #tpu.memory_space<vmem>>
      %dma_start3A_407 = arith.constant 0 : i32
      %dma_start3A_408 = arith.constant 0 : i32
      %dma_start3A_409 = tpu.memref_slice %arg10[%dma_start3A_407, %dma_start3A_408] : memref<10240x64xf32, #tpu.memory_space<vmem_shared>> -> memref<10240x64xf32, #tpu.memory_space<vmem_shared>>
      tpu.enqueue_indirect_dma source(%dma_start3A_403 : memref<64x64xf32, #tpu.memory_space<vmem>>) target(%dma_start3A_409 : memref<10240x64xf32, #tpu.memory_space<vmem_shared>>) offsets(%dma_start3A_406 : memref<64xi32, #tpu.memory_space<vmem>>) semaphore(%arg24 : memref<!tpu.dma_semaphore, #tpu.memory_space<semaphore_mem>>) {add = true}
      %dma_wait3A_410 = arith.constant 0 : i32
      %dma_wait3A_411 = arith.constant 4 : i32
      %dma_wait3A_412 = arith.constant 0 : i32
      %dma_wait3A_413 = arith.constant 0 : i32
      %dma_wait3A_414 = tpu.memref_slice %arg8[%dma_wait3A_411, %dma_wait3A_412, %dma_wait3A_413] : memref<10x64x64xf32, #tpu.memory_space<vmem>> -> memref<1x64x64xf32, #tpu.memory_space<vmem>>
      %dma_wait3A_415 = tpu.memref_squeeze %dma_wait3A_414 : memref<1x64x64xf32, #tpu.memory_space<vmem>> -> memref<64x64xf32, #tpu.memory_space<vmem>>
      %dma_wait3A_416 = arith.constant 0 : i32
      %dma_wait3A_417 = tpu.memref_slice %arg6[%add3A_188, %dma_wait3A_416] : memref<160x64xi32, #tpu.memory_space<vmem>> -> memref<1x64xi32, #tpu.memory_space<vmem>>
      %dma_wait3A_418 = tpu.memref_squeeze %dma_wait3A_417 : memref<1x64xi32, #tpu.memory_space<vmem>> -> memref<64xi32, #tpu.memory_space<vmem>>
      %dma_wait3A_419 = arith.constant 0 : i32
      %dma_wait3A_420 = arith.constant 0 : i32
      %dma_wait3A_421 = tpu.memref_slice %arg2[%dma_wait3A_410, %dma_wait3A_419, %dma_wait3A_420] : memref<2x10000x64xf32, #tpu.memory_space<hbm>> -> memref<1x10000x64xf32, #tpu.memory_space<hbm>>
      %dma_wait3A_422 = tpu.memref_squeeze %dma_wait3A_421 : memref<1x10000x64xf32, #tpu.memory_space<hbm>> -> memref<10000x64xf32, #tpu.memory_space<hbm>>
      %dma_wait3A_423 = arith.constant 0 : i32
      %dma_wait3A_424 = arith.constant 0 : i32
      %dma_wait3A_425 = tpu.memref_slice %dma_wait3A_422[%dma_wait3A_423, %dma_wait3A_424] : memref<10000x64xf32, #tpu.memory_space<hbm>> -> memref<10000x64xf32, #tpu.memory_space<hbm>>
      tpu.wait_indirect_dma semaphore(%arg15 : memref<!tpu.dma_semaphore, #tpu.memory_space<semaphore_mem>>) src(%dma_wait3A_425 : memref<10000x64xf32, #tpu.memory_space<hbm>>) dst(%dma_wait3A_415 : memref<64x64xf32, #tpu.memory_space<vmem>>)
      %add3A_426 = arith.constant 4 : i32
      %add3A_427 = arith.addi %mul3A_115, %add3A_426 : i32
      %dma_start3A_428 = arith.constant 4 : i32
      %dma_start3A_429 = arith.constant 0 : i32
      %dma_start3A_430 = arith.constant 0 : i32
      %dma_start3A_431 = tpu.memref_slice %arg8[%dma_start3A_428, %dma_start3A_429, %dma_start3A_430] : memref<10x64x64xf32, #tpu.memory_space<vmem>> -> memref<1x64x64xf32, #tpu.memory_space<vmem>>
      %dma_start3A_432 = tpu.memref_squeeze %dma_start3A_431 : memref<1x64x64xf32, #tpu.memory_space<vmem>> -> memref<64x64xf32, #tpu.memory_space<vmem>>
      %dma_start3A_433 = arith.constant 0 : i32
      %dma_start3A_434 = tpu.memref_slice %arg7[%add3A_427, %dma_start3A_433] : memref<160x64xi32, #tpu.memory_space<vmem>> -> memref<1x64xi32, #tpu.memory_space<vmem>>
      %dma_start3A_435 = tpu.memref_squeeze %dma_start3A_434 : memref<1x64xi32, #tpu.memory_space<vmem>> -> memref<64xi32, #tpu.memory_space<vmem>>
      %dma_start3A_436 = arith.constant 0 : i32
      %dma_start3A_437 = arith.constant 0 : i32
      %dma_start3A_438 = tpu.memref_slice %arg10[%dma_start3A_436, %dma_start3A_437] : memref<10240x64xf32, #tpu.memory_space<vmem_shared>> -> memref<10240x64xf32, #tpu.memory_space<vmem_shared>>
      tpu.enqueue_indirect_dma source(%dma_start3A_432 : memref<64x64xf32, #tpu.memory_space<vmem>>) target(%dma_start3A_438 : memref<10240x64xf32, #tpu.memory_space<vmem_shared>>) offsets(%dma_start3A_435 : memref<64xi32, #tpu.memory_space<vmem>>) semaphore(%arg25 : memref<!tpu.dma_semaphore, #tpu.memory_space<semaphore_mem>>) {add = true}
      %dma_wait3A_439 = arith.constant 0 : i32
      %dma_wait3A_440 = arith.constant 5 : i32
      %dma_wait3A_441 = arith.constant 0 : i32
      %dma_wait3A_442 = arith.constant 0 : i32
      %dma_wait3A_443 = tpu.memref_slice %arg8[%dma_wait3A_440, %dma_wait3A_441, %dma_wait3A_442] : memref<10x64x64xf32, #tpu.memory_space<vmem>> -> memref<1x64x64xf32, #tpu.memory_space<vmem>>
      %dma_wait3A_444 = tpu.memref_squeeze %dma_wait3A_443 : memref<1x64x64xf32, #tpu.memory_space<vmem>> -> memref<64x64xf32, #tpu.memory_space<vmem>>
      %dma_wait3A_445 = arith.constant 0 : i32
      %dma_wait3A_446 = tpu.memref_slice %arg6[%add3A_206, %dma_wait3A_445] : memref<160x64xi32, #tpu.memory_space<vmem>> -> memref<1x64xi32, #tpu.memory_space<vmem>>
      %dma_wait3A_447 = tpu.memref_squeeze %dma_wait3A_446 : memref<1x64xi32, #tpu.memory_space<vmem>> -> memref<64xi32, #tpu.memory_space<vmem>>
      %dma_wait3A_448 = arith.constant 0 : i32
      %dma_wait3A_449 = arith.constant 0 : i32
      %dma_wait3A_450 = tpu.memref_slice %arg2[%dma_wait3A_439, %dma_wait3A_448, %dma_wait3A_449] : memref<2x10000x64xf32, #tpu.memory_space<hbm>> -> memref<1x10000x64xf32, #tpu.memory_space<hbm>>
      %dma_wait3A_451 = tpu.memref_squeeze %dma_wait3A_450 : memref<1x10000x64xf32, #tpu.memory_space<hbm>> -> memref<10000x64xf32, #tpu.memory_space<hbm>>
      %dma_wait3A_452 = arith.constant 0 : i32
      %dma_wait3A_453 = arith.constant 0 : i32
      %dma_wait3A_454 = tpu.memref_slice %dma_wait3A_451[%dma_wait3A_452, %dma_wait3A_453] : memref<10000x64xf32, #tpu.memory_space<hbm>> -> memref<10000x64xf32, #tpu.memory_space<hbm>>
      tpu.wait_indirect_dma semaphore(%arg16 : memref<!tpu.dma_semaphore, #tpu.memory_space<semaphore_mem>>) src(%dma_wait3A_454 : memref<10000x64xf32, #tpu.memory_space<hbm>>) dst(%dma_wait3A_444 : memref<64x64xf32, #tpu.memory_space<vmem>>)
      %add3A_455 = arith.constant 5 : i32
      %add3A_456 = arith.addi %mul3A_115, %add3A_455 : i32
      %dma_start3A_457 = arith.constant 5 : i32
      %dma_start3A_458 = arith.constant 0 : i32
      %dma_start3A_459 = arith.constant 0 : i32
      %dma_start3A_460 = tpu.memref_slice %arg8[%dma_start3A_457, %dma_start3A_458, %dma_start3A_459] : memref<10x64x64xf32, #tpu.memory_space<vmem>> -> memref<1x64x64xf32, #tpu.memory_space<vmem>>
      %dma_start3A_461 = tpu.memref_squeeze %dma_start3A_460 : memref<1x64x64xf32, #tpu.memory_space<vmem>> -> memref<64x64xf32, #tpu.memory_space<vmem>>
      %dma_start3A_462 = arith.constant 0 : i32
      %dma_start3A_463 = tpu.memref_slice %arg7[%add3A_456, %dma_start3A_462] : memref<160x64xi32, #tpu.memory_space<vmem>> -> memref<1x64xi32, #tpu.memory_space<vmem>>
      %dma_start3A_464 = tpu.memref_squeeze %dma_start3A_463 : memref<1x64xi32, #tpu.memory_space<vmem>> -> memref<64xi32, #tpu.memory_space<vmem>>
      %dma_start3A_465 = arith.constant 0 : i32
      %dma_start3A_466 = arith.constant 0 : i32
      %dma_start3A_467 = tpu.memref_slice %arg10[%dma_start3A_465, %dma_start3A_466] : memref<10240x64xf32, #tpu.memory_space<vmem_shared>> -> memref<10240x64xf32, #tpu.memory_space<vmem_shared>>
      tpu.enqueue_indirect_dma source(%dma_start3A_461 : memref<64x64xf32, #tpu.memory_space<vmem>>) target(%dma_start3A_467 : memref<10240x64xf32, #tpu.memory_space<vmem_shared>>) offsets(%dma_start3A_464 : memref<64xi32, #tpu.memory_space<vmem>>) semaphore(%arg26 : memref<!tpu.dma_semaphore, #tpu.memory_space<semaphore_mem>>) {add = true}
      %dma_wait3A_468 = arith.constant 0 : i32
      %dma_wait3A_469 = arith.constant 6 : i32
      %dma_wait3A_470 = arith.constant 0 : i32
      %dma_wait3A_471 = arith.constant 0 : i32
      %dma_wait3A_472 = tpu.memref_slice %arg8[%dma_wait3A_469, %dma_wait3A_470, %dma_wait3A_471] : memref<10x64x64xf32, #tpu.memory_space<vmem>> -> memref<1x64x64xf32, #tpu.memory_space<vmem>>
      %dma_wait3A_473 = tpu.memref_squeeze %dma_wait3A_472 : memref<1x64x64xf32, #tpu.memory_space<vmem>> -> memref<64x64xf32, #tpu.memory_space<vmem>>
      %dma_wait3A_474 = arith.constant 0 : i32
      %dma_wait3A_475 = tpu.memref_slice %arg6[%add3A_224, %dma_wait3A_474] : memref<160x64xi32, #tpu.memory_space<vmem>> -> memref<1x64xi32, #tpu.memory_space<vmem>>
      %dma_wait3A_476 = tpu.memref_squeeze %dma_wait3A_475 : memref<1x64xi32, #tpu.memory_space<vmem>> -> memref<64xi32, #tpu.memory_space<vmem>>
      %dma_wait3A_477 = arith.constant 0 : i32
      %dma_wait3A_478 = arith.constant 0 : i32
      %dma_wait3A_479 = tpu.memref_slice %arg2[%dma_wait3A_468, %dma_wait3A_477, %dma_wait3A_478] : memref<2x10000x64xf32, #tpu.memory_space<hbm>> -> memref<1x10000x64xf32, #tpu.memory_space<hbm>>
      %dma_wait3A_480 = tpu.memref_squeeze %dma_wait3A_479 : memref<1x10000x64xf32, #tpu.memory_space<hbm>> -> memref<10000x64xf32, #tpu.memory_space<hbm>>
      %dma_wait3A_481 = arith.constant 0 : i32
      %dma_wait3A_482 = arith.constant 0 : i32
      %dma_wait3A_483 = tpu.memref_slice %dma_wait3A_480[%dma_wait3A_481, %dma_wait3A_482] : memref<10000x64xf32, #tpu.memory_space<hbm>> -> memref<10000x64xf32, #tpu.memory_space<hbm>>
      tpu.wait_indirect_dma semaphore(%arg17 : memref<!tpu.dma_semaphore, #tpu.memory_space<semaphore_mem>>) src(%dma_wait3A_483 : memref<10000x64xf32, #tpu.memory_space<hbm>>) dst(%dma_wait3A_473 : memref<64x64xf32, #tpu.memory_space<vmem>>)
      %add3A_484 = arith.constant 6 : i32
      %add3A_485 = arith.addi %mul3A_115, %add3A_484 : i32
      %dma_start3A_486 = arith.constant 6 : i32
      %dma_start3A_487 = arith.constant 0 : i32
      %dma_start3A_488 = arith.constant 0 : i32
      %dma_start3A_489 = tpu.memref_slice %arg8[%dma_start3A_486, %dma_start3A_487, %dma_start3A_488] : memref<10x64x64xf32, #tpu.memory_space<vmem>> -> memref<1x64x64xf32, #tpu.memory_space<vmem>>
      %dma_start3A_490 = tpu.memref_squeeze %dma_start3A_489 : memref<1x64x64xf32, #tpu.memory_space<vmem>> -> memref<64x64xf32, #tpu.memory_space<vmem>>
      %dma_start3A_491 = arith.constant 0 : i32
      %dma_start3A_492 = tpu.memref_slice %arg7[%add3A_485, %dma_start3A_491] : memref<160x64xi32, #tpu.memory_space<vmem>> -> memref<1x64xi32, #tpu.memory_space<vmem>>
      %dma_start3A_493 = tpu.memref_squeeze %dma_start3A_492 : memref<1x64xi32, #tpu.memory_space<vmem>> -> memref<64xi32, #tpu.memory_space<vmem>>
      %dma_start3A_494 = arith.constant 0 : i32
      %dma_start3A_495 = arith.constant 0 : i32
      %dma_start3A_496 = tpu.memref_slice %arg10[%dma_start3A_494, %dma_start3A_495] : memref<10240x64xf32, #tpu.memory_space<vmem_shared>> -> memref<10240x64xf32, #tpu.memory_space<vmem_shared>>
      tpu.enqueue_indirect_dma source(%dma_start3A_490 : memref<64x64xf32, #tpu.memory_space<vmem>>) target(%dma_start3A_496 : memref<10240x64xf32, #tpu.memory_space<vmem_shared>>) offsets(%dma_start3A_493 : memref<64xi32, #tpu.memory_space<vmem>>) semaphore(%arg27 : memref<!tpu.dma_semaphore, #tpu.memory_space<semaphore_mem>>) {add = true}
      %dma_wait3A_497 = arith.constant 0 : i32
      %dma_wait3A_498 = arith.constant 7 : i32
      %dma_wait3A_499 = arith.constant 0 : i32
      %dma_wait3A_500 = arith.constant 0 : i32
      %dma_wait3A_501 = tpu.memref_slice %arg8[%dma_wait3A_498, %dma_wait3A_499, %dma_wait3A_500] : memref<10x64x64xf32, #tpu.memory_space<vmem>> -> memref<1x64x64xf32, #tpu.memory_space<vmem>>
      %dma_wait3A_502 = tpu.memref_squeeze %dma_wait3A_501 : memref<1x64x64xf32, #tpu.memory_space<vmem>> -> memref<64x64xf32, #tpu.memory_space<vmem>>
      %dma_wait3A_503 = arith.constant 0 : i32
      %dma_wait3A_504 = tpu.memref_slice %arg6[%add3A_242, %dma_wait3A_503] : memref<160x64xi32, #tpu.memory_space<vmem>> -> memref<1x64xi32, #tpu.memory_space<vmem>>
      %dma_wait3A_505 = tpu.memref_squeeze %dma_wait3A_504 : memref<1x64xi32, #tpu.memory_space<vmem>> -> memref<64xi32, #tpu.memory_space<vmem>>
      %dma_wait3A_506 = arith.constant 0 : i32
      %dma_wait3A_507 = arith.constant 0 : i32
      %dma_wait3A_508 = tpu.memref_slice %arg2[%dma_wait3A_497, %dma_wait3A_506, %dma_wait3A_507] : memref<2x10000x64xf32, #tpu.memory_space<hbm>> -> memref<1x10000x64xf32, #tpu.memory_space<hbm>>
      %dma_wait3A_509 = tpu.memref_squeeze %dma_wait3A_508 : memref<1x10000x64xf32, #tpu.memory_space<hbm>> -> memref<10000x64xf32, #tpu.memory_space<hbm>>
      %dma_wait3A_510 = arith.constant 0 : i32
      %dma_wait3A_511 = arith.constant 0 : i32
      %dma_wait3A_512 = tpu.memref_slice %dma_wait3A_509[%dma_wait3A_510, %dma_wait3A_511] : memref<10000x64xf32, #tpu.memory_space<hbm>> -> memref<10000x64xf32, #tpu.memory_space<hbm>>
      tpu.wait_indirect_dma semaphore(%arg18 : memref<!tpu.dma_semaphore, #tpu.memory_space<semaphore_mem>>) src(%dma_wait3A_512 : memref<10000x64xf32, #tpu.memory_space<hbm>>) dst(%dma_wait3A_502 : memref<64x64xf32, #tpu.memory_space<vmem>>)
      %add3A_513 = arith.constant 7 : i32
      %add3A_514 = arith.addi %mul3A_115, %add3A_513 : i32
      %dma_start3A_515 = arith.constant 7 : i32
      %dma_start3A_516 = arith.constant 0 : i32
      %dma_start3A_517 = arith.constant 0 : i32
      %dma_start3A_518 = tpu.memref_slice %arg8[%dma_start3A_515, %dma_start3A_516, %dma_start3A_517] : memref<10x64x64xf32, #tpu.memory_space<vmem>> -> memref<1x64x64xf32, #tpu.memory_space<vmem>>
      %dma_start3A_519 = tpu.memref_squeeze %dma_start3A_518 : memref<1x64x64xf32, #tpu.memory_space<vmem>> -> memref<64x64xf32, #tpu.memory_space<vmem>>
      %dma_start3A_520 = arith.constant 0 : i32
      %dma_start3A_521 = tpu.memref_slice %arg7[%add3A_514, %dma_start3A_520] : memref<160x64xi32, #tpu.memory_space<vmem>> -> memref<1x64xi32, #tpu.memory_space<vmem>>
      %dma_start3A_522 = tpu.memref_squeeze %dma_start3A_521 : memref<1x64xi32, #tpu.memory_space<vmem>> -> memref<64xi32, #tpu.memory_space<vmem>>
      %dma_start3A_523 = arith.constant 0 : i32
      %dma_start3A_524 = arith.constant 0 : i32
      %dma_start3A_525 = tpu.memref_slice %arg10[%dma_start3A_523, %dma_start3A_524] : memref<10240x64xf32, #tpu.memory_space<vmem_shared>> -> memref<10240x64xf32, #tpu.memory_space<vmem_shared>>
      tpu.enqueue_indirect_dma source(%dma_start3A_519 : memref<64x64xf32, #tpu.memory_space<vmem>>) target(%dma_start3A_525 : memref<10240x64xf32, #tpu.memory_space<vmem_shared>>) offsets(%dma_start3A_522 : memref<64xi32, #tpu.memory_space<vmem>>) semaphore(%arg28 : memref<!tpu.dma_semaphore, #tpu.memory_space<semaphore_mem>>) {add = true}
      %dma_wait3A_526 = arith.constant 0 : i32
      %dma_wait3A_527 = arith.constant 8 : i32
      %dma_wait3A_528 = arith.constant 0 : i32
      %dma_wait3A_529 = arith.constant 0 : i32
      %dma_wait3A_530 = tpu.memref_slice %arg8[%dma_wait3A_527, %dma_wait3A_528, %dma_wait3A_529] : memref<10x64x64xf32, #tpu.memory_space<vmem>> -> memref<1x64x64xf32, #tpu.memory_space<vmem>>
      %dma_wait3A_531 = tpu.memref_squeeze %dma_wait3A_530 : memref<1x64x64xf32, #tpu.memory_space<vmem>> -> memref<64x64xf32, #tpu.memory_space<vmem>>
      %dma_wait3A_532 = arith.constant 0 : i32
      %dma_wait3A_533 = tpu.memref_slice %arg6[%add3A_260, %dma_wait3A_532] : memref<160x64xi32, #tpu.memory_space<vmem>> -> memref<1x64xi32, #tpu.memory_space<vmem>>
      %dma_wait3A_534 = tpu.memref_squeeze %dma_wait3A_533 : memref<1x64xi32, #tpu.memory_space<vmem>> -> memref<64xi32, #tpu.memory_space<vmem>>
      %dma_wait3A_535 = arith.constant 0 : i32
      %dma_wait3A_536 = arith.constant 0 : i32
      %dma_wait3A_537 = tpu.memref_slice %arg2[%dma_wait3A_526, %dma_wait3A_535, %dma_wait3A_536] : memref<2x10000x64xf32, #tpu.memory_space<hbm>> -> memref<1x10000x64xf32, #tpu.memory_space<hbm>>
      %dma_wait3A_538 = tpu.memref_squeeze %dma_wait3A_537 : memref<1x10000x64xf32, #tpu.memory_space<hbm>> -> memref<10000x64xf32, #tpu.memory_space<hbm>>
      %dma_wait3A_539 = arith.constant 0 : i32
      %dma_wait3A_540 = arith.constant 0 : i32
      %dma_wait3A_541 = tpu.memref_slice %dma_wait3A_538[%dma_wait3A_539, %dma_wait3A_540] : memref<10000x64xf32, #tpu.memory_space<hbm>> -> memref<10000x64xf32, #tpu.memory_space<hbm>>
      tpu.wait_indirect_dma semaphore(%arg19 : memref<!tpu.dma_semaphore, #tpu.memory_space<semaphore_mem>>) src(%dma_wait3A_541 : memref<10000x64xf32, #tpu.memory_space<hbm>>) dst(%dma_wait3A_531 : memref<64x64xf32, #tpu.memory_space<vmem>>)
      %add3A_542 = arith.constant 8 : i32
      %add3A_543 = arith.addi %mul3A_115, %add3A_542 : i32
      %dma_start3A_544 = arith.constant 8 : i32
      %dma_start3A_545 = arith.constant 0 : i32
      %dma_start3A_546 = arith.constant 0 : i32
      %dma_start3A_547 = tpu.memref_slice %arg8[%dma_start3A_544, %dma_start3A_545, %dma_start3A_546] : memref<10x64x64xf32, #tpu.memory_space<vmem>> -> memref<1x64x64xf32, #tpu.memory_space<vmem>>
      %dma_start3A_548 = tpu.memref_squeeze %dma_start3A_547 : memref<1x64x64xf32, #tpu.memory_space<vmem>> -> memref<64x64xf32, #tpu.memory_space<vmem>>
      %dma_start3A_549 = arith.constant 0 : i32
      %dma_start3A_550 = tpu.memref_slice %arg7[%add3A_543, %dma_start3A_549] : memref<160x64xi32, #tpu.memory_space<vmem>> -> memref<1x64xi32, #tpu.memory_space<vmem>>
      %dma_start3A_551 = tpu.memref_squeeze %dma_start3A_550 : memref<1x64xi32, #tpu.memory_space<vmem>> -> memref<64xi32, #tpu.memory_space<vmem>>
      %dma_start3A_552 = arith.constant 0 : i32
      %dma_start3A_553 = arith.constant 0 : i32
      %dma_start3A_554 = tpu.memref_slice %arg10[%dma_start3A_552, %dma_start3A_553] : memref<10240x64xf32, #tpu.memory_space<vmem_shared>> -> memref<10240x64xf32, #tpu.memory_space<vmem_shared>>
      tpu.enqueue_indirect_dma source(%dma_start3A_548 : memref<64x64xf32, #tpu.memory_space<vmem>>) target(%dma_start3A_554 : memref<10240x64xf32, #tpu.memory_space<vmem_shared>>) offsets(%dma_start3A_551 : memref<64xi32, #tpu.memory_space<vmem>>) semaphore(%arg29 : memref<!tpu.dma_semaphore, #tpu.memory_space<semaphore_mem>>) {add = true}
      %dma_wait3A_555 = arith.constant 0 : i32
      %dma_wait3A_556 = arith.constant 9 : i32
      %dma_wait3A_557 = arith.constant 0 : i32
      %dma_wait3A_558 = arith.constant 0 : i32
      %dma_wait3A_559 = tpu.memref_slice %arg8[%dma_wait3A_556, %dma_wait3A_557, %dma_wait3A_558] : memref<10x64x64xf32, #tpu.memory_space<vmem>> -> memref<1x64x64xf32, #tpu.memory_space<vmem>>
      %dma_wait3A_560 = tpu.memref_squeeze %dma_wait3A_559 : memref<1x64x64xf32, #tpu.memory_space<vmem>> -> memref<64x64xf32, #tpu.memory_space<vmem>>
      %dma_wait3A_561 = arith.constant 0 : i32
      %dma_wait3A_562 = tpu.memref_slice %arg6[%add3A_278, %dma_wait3A_561] : memref<160x64xi32, #tpu.memory_space<vmem>> -> memref<1x64xi32, #tpu.memory_space<vmem>>
      %dma_wait3A_563 = tpu.memref_squeeze %dma_wait3A_562 : memref<1x64xi32, #tpu.memory_space<vmem>> -> memref<64xi32, #tpu.memory_space<vmem>>
      %dma_wait3A_564 = arith.constant 0 : i32
      %dma_wait3A_565 = arith.constant 0 : i32
      %dma_wait3A_566 = tpu.memref_slice %arg2[%dma_wait3A_555, %dma_wait3A_564, %dma_wait3A_565] : memref<2x10000x64xf32, #tpu.memory_space<hbm>> -> memref<1x10000x64xf32, #tpu.memory_space<hbm>>
      %dma_wait3A_567 = tpu.memref_squeeze %dma_wait3A_566 : memref<1x10000x64xf32, #tpu.memory_space<hbm>> -> memref<10000x64xf32, #tpu.memory_space<hbm>>
      %dma_wait3A_568 = arith.constant 0 : i32
      %dma_wait3A_569 = arith.constant 0 : i32
      %dma_wait3A_570 = tpu.memref_slice %dma_wait3A_567[%dma_wait3A_568, %dma_wait3A_569] : memref<10000x64xf32, #tpu.memory_space<hbm>> -> memref<10000x64xf32, #tpu.memory_space<hbm>>
      tpu.wait_indirect_dma semaphore(%arg20 : memref<!tpu.dma_semaphore, #tpu.memory_space<semaphore_mem>>) src(%dma_wait3A_570 : memref<10000x64xf32, #tpu.memory_space<hbm>>) dst(%dma_wait3A_560 : memref<64x64xf32, #tpu.memory_space<vmem>>)
      %add3A_571 = arith.constant 9 : i32
      %add3A_572 = arith.addi %mul3A_115, %add3A_571 : i32
      %dma_start3A_573 = arith.constant 9 : i32
      %dma_start3A_574 = arith.constant 0 : i32
      %dma_start3A_575 = arith.constant 0 : i32
      %dma_start3A_576 = tpu.memref_slice %arg8[%dma_start3A_573, %dma_start3A_574, %dma_start3A_575] : memref<10x64x64xf32, #tpu.memory_space<vmem>> -> memref<1x64x64xf32, #tpu.memory_space<vmem>>
      %dma_start3A_577 = tpu.memref_squeeze %dma_start3A_576 : memref<1x64x64xf32, #tpu.memory_space<vmem>> -> memref<64x64xf32, #tpu.memory_space<vmem>>
      %dma_start3A_578 = arith.constant 0 : i32
      %dma_start3A_579 = tpu.memref_slice %arg7[%add3A_572, %dma_start3A_578] : memref<160x64xi32, #tpu.memory_space<vmem>> -> memref<1x64xi32, #tpu.memory_space<vmem>>
      %dma_start3A_580 = tpu.memref_squeeze %dma_start3A_579 : memref<1x64xi32, #tpu.memory_space<vmem>> -> memref<64xi32, #tpu.memory_space<vmem>>
      %dma_start3A_581 = arith.constant 0 : i32
      %dma_start3A_582 = arith.constant 0 : i32
      %dma_start3A_583 = tpu.memref_slice %arg10[%dma_start3A_581, %dma_start3A_582] : memref<10240x64xf32, #tpu.memory_space<vmem_shared>> -> memref<10240x64xf32, #tpu.memory_space<vmem_shared>>
      tpu.enqueue_indirect_dma source(%dma_start3A_577 : memref<64x64xf32, #tpu.memory_space<vmem>>) target(%dma_start3A_583 : memref<10240x64xf32, #tpu.memory_space<vmem_shared>>) offsets(%dma_start3A_580 : memref<64xi32, #tpu.memory_space<vmem>>) semaphore(%arg30 : memref<!tpu.dma_semaphore, #tpu.memory_space<semaphore_mem>>) {add = true}
      %dma_wait3A_584 = arith.constant 0 : i32
      %dma_wait3A_585 = arith.constant 0 : i32
      %dma_wait3A_586 = arith.constant 0 : i32
      %dma_wait3A_587 = tpu.memref_slice %arg8[%dma_wait3A_584, %dma_wait3A_585, %dma_wait3A_586] : memref<10x64x64xf32, #tpu.memory_space<vmem>> -> memref<1x64x64xf32, #tpu.memory_space<vmem>>
      %dma_wait3A_588 = tpu.memref_squeeze %dma_wait3A_587 : memref<1x64x64xf32, #tpu.memory_space<vmem>> -> memref<64x64xf32, #tpu.memory_space<vmem>>
      %dma_wait3A_589 = arith.constant 0 : i32
      %dma_wait3A_590 = tpu.memref_slice %arg7[%add3A_311, %dma_wait3A_589] : memref<160x64xi32, #tpu.memory_space<vmem>> -> memref<1x64xi32, #tpu.memory_space<vmem>>
      %dma_wait3A_591 = tpu.memref_squeeze %dma_wait3A_590 : memref<1x64xi32, #tpu.memory_space<vmem>> -> memref<64xi32, #tpu.memory_space<vmem>>
      %dma_wait3A_592 = arith.constant 0 : i32
      %dma_wait3A_593 = arith.constant 0 : i32
      %dma_wait3A_594 = tpu.memref_slice %arg10[%dma_wait3A_592, %dma_wait3A_593] : memref<10240x64xf32, #tpu.memory_space<vmem_shared>> -> memref<10240x64xf32, #tpu.memory_space<vmem_shared>>
      tpu.wait_indirect_dma semaphore(%arg21 : memref<!tpu.dma_semaphore, #tpu.memory_space<semaphore_mem>>) src(%dma_wait3A_588 : memref<64x64xf32, #tpu.memory_space<vmem>>) dst(%dma_wait3A_594 : memref<10240x64xf32, #tpu.memory_space<vmem_shared>>)
      %dma_wait3A_595 = arith.constant 1 : i32
      %dma_wait3A_596 = arith.constant 0 : i32
      %dma_wait3A_597 = arith.constant 0 : i32
      %dma_wait3A_598 = tpu.memref_slice %arg8[%dma_wait3A_595, %dma_wait3A_596, %dma_wait3A_597] : memref<10x64x64xf32, #tpu.memory_space<vmem>> -> memref<1x64x64xf32, #tpu.memory_space<vmem>>
      %dma_wait3A_599 = tpu.memref_squeeze %dma_wait3A_598 : memref<1x64x64xf32, #tpu.memory_space<vmem>> -> memref<64x64xf32, #tpu.memory_space<vmem>>
      %dma_wait3A_600 = arith.constant 0 : i32
      %dma_wait3A_601 = tpu.memref_slice %arg7[%add3A_340, %dma_wait3A_600] : memref<160x64xi32, #tpu.memory_space<vmem>> -> memref<1x64xi32, #tpu.memory_space<vmem>>
      %dma_wait3A_602 = tpu.memref_squeeze %dma_wait3A_601 : memref<1x64xi32, #tpu.memory_space<vmem>> -> memref<64xi32, #tpu.memory_space<vmem>>
      %dma_wait3A_603 = arith.constant 0 : i32
      %dma_wait3A_604 = arith.constant 0 : i32
      %dma_wait3A_605 = tpu.memref_slice %arg10[%dma_wait3A_603, %dma_wait3A_604] : memref<10240x64xf32, #tpu.memory_space<vmem_shared>> -> memref<10240x64xf32, #tpu.memory_space<vmem_shared>>
      tpu.wait_indirect_dma semaphore(%arg22 : memref<!tpu.dma_semaphore, #tpu.memory_space<semaphore_mem>>) src(%dma_wait3A_599 : memref<64x64xf32, #tpu.memory_space<vmem>>) dst(%dma_wait3A_605 : memref<10240x64xf32, #tpu.memory_space<vmem_shared>>)
      %dma_wait3A_606 = arith.constant 2 : i32
      %dma_wait3A_607 = arith.constant 0 : i32
      %dma_wait3A_608 = arith.constant 0 : i32
      %dma_wait3A_609 = tpu.memref_slice %arg8[%dma_wait3A_606, %dma_wait3A_607, %dma_wait3A_608] : memref<10x64x64xf32, #tpu.memory_space<vmem>> -> memref<1x64x64xf32, #tpu.memory_space<vmem>>
      %dma_wait3A_610 = tpu.memref_squeeze %dma_wait3A_609 : memref<1x64x64xf32, #tpu.memory_space<vmem>> -> memref<64x64xf32, #tpu.memory_space<vmem>>
      %dma_wait3A_611 = arith.constant 0 : i32
      %dma_wait3A_612 = tpu.memref_slice %arg7[%add3A_369, %dma_wait3A_611] : memref<160x64xi32, #tpu.memory_space<vmem>> -> memref<1x64xi32, #tpu.memory_space<vmem>>
      %dma_wait3A_613 = tpu.memref_squeeze %dma_wait3A_612 : memref<1x64xi32, #tpu.memory_space<vmem>> -> memref<64xi32, #tpu.memory_space<vmem>>
      %dma_wait3A_614 = arith.constant 0 : i32
      %dma_wait3A_615 = arith.constant 0 : i32
      %dma_wait3A_616 = tpu.memref_slice %arg10[%dma_wait3A_614, %dma_wait3A_615] : memref<10240x64xf32, #tpu.memory_space<vmem_shared>> -> memref<10240x64xf32, #tpu.memory_space<vmem_shared>>
      tpu.wait_indirect_dma semaphore(%arg23 : memref<!tpu.dma_semaphore, #tpu.memory_space<semaphore_mem>>) src(%dma_wait3A_610 : memref<64x64xf32, #tpu.memory_space<vmem>>) dst(%dma_wait3A_616 : memref<10240x64xf32, #tpu.memory_space<vmem_shared>>)
      %dma_wait3A_617 = arith.constant 3 : i32
      %dma_wait3A_618 = arith.constant 0 : i32
      %dma_wait3A_619 = arith.constant 0 : i32
      %dma_wait3A_620 = tpu.memref_slice %arg8[%dma_wait3A_617, %dma_wait3A_618, %dma_wait3A_619] : memref<10x64x64xf32, #tpu.memory_space<vmem>> -> memref<1x64x64xf32, #tpu.memory_space<vmem>>
      %dma_wait3A_621 = tpu.memref_squeeze %dma_wait3A_620 : memref<1x64x64xf32, #tpu.memory_space<vmem>> -> memref<64x64xf32, #tpu.memory_space<vmem>>
      %dma_wait3A_622 = arith.constant 0 : i32
      %dma_wait3A_623 = tpu.memref_slice %arg7[%add3A_398, %dma_wait3A_622] : memref<160x64xi32, #tpu.memory_space<vmem>> -> memref<1x64xi32, #tpu.memory_space<vmem>>
      %dma_wait3A_624 = tpu.memref_squeeze %dma_wait3A_623 : memref<1x64xi32, #tpu.memory_space<vmem>> -> memref<64xi32, #tpu.memory_space<vmem>>
      %dma_wait3A_625 = arith.constant 0 : i32
      %dma_wait3A_626 = arith.constant 0 : i32
      %dma_wait3A_627 = tpu.memref_slice %arg10[%dma_wait3A_625, %dma_wait3A_626] : memref<10240x64xf32, #tpu.memory_space<vmem_shared>> -> memref<10240x64xf32, #tpu.memory_space<vmem_shared>>
      tpu.wait_indirect_dma semaphore(%arg24 : memref<!tpu.dma_semaphore, #tpu.memory_space<semaphore_mem>>) src(%dma_wait3A_621 : memref<64x64xf32, #tpu.memory_space<vmem>>) dst(%dma_wait3A_627 : memref<10240x64xf32, #tpu.memory_space<vmem_shared>>)
      %dma_wait3A_628 = arith.constant 4 : i32
      %dma_wait3A_629 = arith.constant 0 : i32
      %dma_wait3A_630 = arith.constant 0 : i32
      %dma_wait3A_631 = tpu.memref_slice %arg8[%dma_wait3A_628, %dma_wait3A_629, %dma_wait3A_630] : memref<10x64x64xf32, #tpu.memory_space<vmem>> -> memref<1x64x64xf32, #tpu.memory_space<vmem>>
      %dma_wait3A_632 = tpu.memref_squeeze %dma_wait3A_631 : memref<1x64x64xf32, #tpu.memory_space<vmem>> -> memref<64x64xf32, #tpu.memory_space<vmem>>
      %dma_wait3A_633 = arith.constant 0 : i32
      %dma_wait3A_634 = tpu.memref_slice %arg7[%add3A_427, %dma_wait3A_633] : memref<160x64xi32, #tpu.memory_space<vmem>> -> memref<1x64xi32, #tpu.memory_space<vmem>>
      %dma_wait3A_635 = tpu.memref_squeeze %dma_wait3A_634 : memref<1x64xi32, #tpu.memory_space<vmem>> -> memref<64xi32, #tpu.memory_space<vmem>>
      %dma_wait3A_636 = arith.constant 0 : i32
      %dma_wait3A_637 = arith.constant 0 : i32
      %dma_wait3A_638 = tpu.memref_slice %arg10[%dma_wait3A_636, %dma_wait3A_637] : memref<10240x64xf32, #tpu.memory_space<vmem_shared>> -> memref<10240x64xf32, #tpu.memory_space<vmem_shared>>
      tpu.wait_indirect_dma semaphore(%arg25 : memref<!tpu.dma_semaphore, #tpu.memory_space<semaphore_mem>>) src(%dma_wait3A_632 : memref<64x64xf32, #tpu.memory_space<vmem>>) dst(%dma_wait3A_638 : memref<10240x64xf32, #tpu.memory_space<vmem_shared>>)
      %dma_wait3A_639 = arith.constant 5 : i32
      %dma_wait3A_640 = arith.constant 0 : i32
      %dma_wait3A_641 = arith.constant 0 : i32
      %dma_wait3A_642 = tpu.memref_slice %arg8[%dma_wait3A_639, %dma_wait3A_640, %dma_wait3A_641] : memref<10x64x64xf32, #tpu.memory_space<vmem>> -> memref<1x64x64xf32, #tpu.memory_space<vmem>>
      %dma_wait3A_643 = tpu.memref_squeeze %dma_wait3A_642 : memref<1x64x64xf32, #tpu.memory_space<vmem>> -> memref<64x64xf32, #tpu.memory_space<vmem>>
      %dma_wait3A_644 = arith.constant 0 : i32
      %dma_wait3A_645 = tpu.memref_slice %arg7[%add3A_456, %dma_wait3A_644] : memref<160x64xi32, #tpu.memory_space<vmem>> -> memref<1x64xi32, #tpu.memory_space<vmem>>
      %dma_wait3A_646 = tpu.memref_squeeze %dma_wait3A_645 : memref<1x64xi32, #tpu.memory_space<vmem>> -> memref<64xi32, #tpu.memory_space<vmem>>
      %dma_wait3A_647 = arith.constant 0 : i32
      %dma_wait3A_648 = arith.constant 0 : i32
      %dma_wait3A_649 = tpu.memref_slice %arg10[%dma_wait3A_647, %dma_wait3A_648] : memref<10240x64xf32, #tpu.memory_space<vmem_shared>> -> memref<10240x64xf32, #tpu.memory_space<vmem_shared>>
      tpu.wait_indirect_dma semaphore(%arg26 : memref<!tpu.dma_semaphore, #tpu.memory_space<semaphore_mem>>) src(%dma_wait3A_643 : memref<64x64xf32, #tpu.memory_space<vmem>>) dst(%dma_wait3A_649 : memref<10240x64xf32, #tpu.memory_space<vmem_shared>>)
      %dma_wait3A_650 = arith.constant 6 : i32
      %dma_wait3A_651 = arith.constant 0 : i32
      %dma_wait3A_652 = arith.constant 0 : i32
      %dma_wait3A_653 = tpu.memref_slice %arg8[%dma_wait3A_650, %dma_wait3A_651, %dma_wait3A_652] : memref<10x64x64xf32, #tpu.memory_space<vmem>> -> memref<1x64x64xf32, #tpu.memory_space<vmem>>
      %dma_wait3A_654 = tpu.memref_squeeze %dma_wait3A_653 : memref<1x64x64xf32, #tpu.memory_space<vmem>> -> memref<64x64xf32, #tpu.memory_space<vmem>>
      %dma_wait3A_655 = arith.constant 0 : i32
      %dma_wait3A_656 = tpu.memref_slice %arg7[%add3A_485, %dma_wait3A_655] : memref<160x64xi32, #tpu.memory_space<vmem>> -> memref<1x64xi32, #tpu.memory_space<vmem>>
      %dma_wait3A_657 = tpu.memref_squeeze %dma_wait3A_656 : memref<1x64xi32, #tpu.memory_space<vmem>> -> memref<64xi32, #tpu.memory_space<vmem>>
      %dma_wait3A_658 = arith.constant 0 : i32
      %dma_wait3A_659 = arith.constant 0 : i32
      %dma_wait3A_660 = tpu.memref_slice %arg10[%dma_wait3A_658, %dma_wait3A_659] : memref<10240x64xf32, #tpu.memory_space<vmem_shared>> -> memref<10240x64xf32, #tpu.memory_space<vmem_shared>>
      tpu.wait_indirect_dma semaphore(%arg27 : memref<!tpu.dma_semaphore, #tpu.memory_space<semaphore_mem>>) src(%dma_wait3A_654 : memref<64x64xf32, #tpu.memory_space<vmem>>) dst(%dma_wait3A_660 : memref<10240x64xf32, #tpu.memory_space<vmem_shared>>)
      %dma_wait3A_661 = arith.constant 7 : i32
      %dma_wait3A_662 = arith.constant 0 : i32
      %dma_wait3A_663 = arith.constant 0 : i32
      %dma_wait3A_664 = tpu.memref_slice %arg8[%dma_wait3A_661, %dma_wait3A_662, %dma_wait3A_663] : memref<10x64x64xf32, #tpu.memory_space<vmem>> -> memref<1x64x64xf32, #tpu.memory_space<vmem>>
      %dma_wait3A_665 = tpu.memref_squeeze %dma_wait3A_664 : memref<1x64x64xf32, #tpu.memory_space<vmem>> -> memref<64x64xf32, #tpu.memory_space<vmem>>
      %dma_wait3A_666 = arith.constant 0 : i32
      %dma_wait3A_667 = tpu.memref_slice %arg7[%add3A_514, %dma_wait3A_666] : memref<160x64xi32, #tpu.memory_space<vmem>> -> memref<1x64xi32, #tpu.memory_space<vmem>>
      %dma_wait3A_668 = tpu.memref_squeeze %dma_wait3A_667 : memref<1x64xi32, #tpu.memory_space<vmem>> -> memref<64xi32, #tpu.memory_space<vmem>>
      %dma_wait3A_669 = arith.constant 0 : i32
      %dma_wait3A_670 = arith.constant 0 : i32
      %dma_wait3A_671 = tpu.memref_slice %arg10[%dma_wait3A_669, %dma_wait3A_670] : memref<10240x64xf32, #tpu.memory_space<vmem_shared>> -> memref<10240x64xf32, #tpu.memory_space<vmem_shared>>
      tpu.wait_indirect_dma semaphore(%arg28 : memref<!tpu.dma_semaphore, #tpu.memory_space<semaphore_mem>>) src(%dma_wait3A_665 : memref<64x64xf32, #tpu.memory_space<vmem>>) dst(%dma_wait3A_671 : memref<10240x64xf32, #tpu.memory_space<vmem_shared>>)
      %dma_wait3A_672 = arith.constant 8 : i32
      %dma_wait3A_673 = arith.constant 0 : i32
      %dma_wait3A_674 = arith.constant 0 : i32
      %dma_wait3A_675 = tpu.memref_slice %arg8[%dma_wait3A_672, %dma_wait3A_673, %dma_wait3A_674] : memref<10x64x64xf32, #tpu.memory_space<vmem>> -> memref<1x64x64xf32, #tpu.memory_space<vmem>>
      %dma_wait3A_676 = tpu.memref_squeeze %dma_wait3A_675 : memref<1x64x64xf32, #tpu.memory_space<vmem>> -> memref<64x64xf32, #tpu.memory_space<vmem>>
      %dma_wait3A_677 = arith.constant 0 : i32
      %dma_wait3A_678 = tpu.memref_slice %arg7[%add3A_543, %dma_wait3A_677] : memref<160x64xi32, #tpu.memory_space<vmem>> -> memref<1x64xi32, #tpu.memory_space<vmem>>
      %dma_wait3A_679 = tpu.memref_squeeze %dma_wait3A_678 : memref<1x64xi32, #tpu.memory_space<vmem>> -> memref<64xi32, #tpu.memory_space<vmem>>
      %dma_wait3A_680 = arith.constant 0 : i32
      %dma_wait3A_681 = arith.constant 0 : i32
      %dma_wait3A_682 = tpu.memref_slice %arg10[%dma_wait3A_680, %dma_wait3A_681] : memref<10240x64xf32, #tpu.memory_space<vmem_shared>> -> memref<10240x64xf32, #tpu.memory_space<vmem_shared>>
      tpu.wait_indirect_dma semaphore(%arg29 : memref<!tpu.dma_semaphore, #tpu.memory_space<semaphore_mem>>) src(%dma_wait3A_676 : memref<64x64xf32, #tpu.memory_space<vmem>>) dst(%dma_wait3A_682 : memref<10240x64xf32, #tpu.memory_space<vmem_shared>>)
      %dma_wait3A_683 = arith.constant 9 : i32
      %dma_wait3A_684 = arith.constant 0 : i32
      %dma_wait3A_685 = arith.constant 0 : i32
      %dma_wait3A_686 = tpu.memref_slice %arg8[%dma_wait3A_683, %dma_wait3A_684, %dma_wait3A_685] : memref<10x64x64xf32, #tpu.memory_space<vmem>> -> memref<1x64x64xf32, #tpu.memory_space<vmem>>
      %dma_wait3A_687 = tpu.memref_squeeze %dma_wait3A_686 : memref<1x64x64xf32, #tpu.memory_space<vmem>> -> memref<64x64xf32, #tpu.memory_space<vmem>>
      %dma_wait3A_688 = arith.constant 0 : i32
      %dma_wait3A_689 = tpu.memref_slice %arg7[%add3A_572, %dma_wait3A_688] : memref<160x64xi32, #tpu.memory_space<vmem>> -> memref<1x64xi32, #tpu.memory_space<vmem>>
      %dma_wait3A_690 = tpu.memref_squeeze %dma_wait3A_689 : memref<1x64xi32, #tpu.memory_space<vmem>> -> memref<64xi32, #tpu.memory_space<vmem>>
      %dma_wait3A_691 = arith.constant 0 : i32
      %dma_wait3A_692 = arith.constant 0 : i32
      %dma_wait3A_693 = tpu.memref_slice %arg10[%dma_wait3A_691, %dma_wait3A_692] : memref<10240x64xf32, #tpu.memory_space<vmem_shared>> -> memref<10240x64xf32, #tpu.memory_space<vmem_shared>>
      tpu.wait_indirect_dma semaphore(%arg30 : memref<!tpu.dma_semaphore, #tpu.memory_space<semaphore_mem>>) src(%dma_wait3A_687 : memref<64x64xf32, #tpu.memory_space<vmem>>) dst(%dma_wait3A_693 : memref<10240x64xf32, #tpu.memory_space<vmem_shared>>)
    }
    %scan3A_32 = arith.constant 16 : i32
    %barrier3A_33 = arith.constant 0 : index
    tpu.barrier barrier_id(%barrier3A_33)
    %mul3A_34 = arith.constant 640 : i32
    %mul3A_35 = arith.muli %arg1, %mul3A_34 : i32
    %add3A_36 = arith.constant 0 : i32
    %add3A_37 = arith.addi %mul3A_35, %add3A_36 : i32
    %run_scoped3A = arith.constant 0 : i32
    "tpu.region"() ({
      %run_scoped3A_113 = tpu.sem_alloc : memref<!tpu.dma_semaphore, #tpu.memory_space<semaphore_mem>>
      %dma_start3A = arith.constant 0 : i32
      %dma_start3A_114 = tpu.memref_slice %arg5[%arg0, %run_scoped3A, %add3A_37, %dma_start3A] : memref<2x2x10240x64xf32, #tpu.memory_space<hbm>> -> memref<1x1x128x64xf32, #tpu.memory_space<hbm>>
      %dma_start3A_115 = tpu.memref_squeeze %dma_start3A_114 : memref<1x1x128x64xf32, #tpu.memory_space<hbm>> -> memref<128x64xf32, #tpu.memory_space<hbm>>
      %dma_start3A_116 = arith.constant 0 : i32
      %dma_start3A_117 = tpu.memref_slice %arg10[%add3A_37, %dma_start3A_116] : memref<10240x64xf32, #tpu.memory_space<vmem_shared>> -> memref<128x64xf32, #tpu.memory_space<vmem_shared>>
      tpu.enqueue_dma source(%dma_start3A_117 : memref<128x64xf32, #tpu.memory_space<vmem_shared>>) target(%dma_start3A_115 : memref<128x64xf32, #tpu.memory_space<hbm>>) target_semaphore(%run_scoped3A_113 : memref<!tpu.dma_semaphore, #tpu.memory_space<semaphore_mem>>)
      %dma_wait3A = arith.constant 0 : i32
      %dma_wait3A_118 = tpu.memref_slice %arg5[%arg0, %run_scoped3A, %add3A_37, %dma_wait3A] : memref<2x2x10240x64xf32, #tpu.memory_space<hbm>> -> memref<1x1x128x64xf32, #tpu.memory_space<hbm>>
      %dma_wait3A_119 = tpu.memref_squeeze %dma_wait3A_118 : memref<1x1x128x64xf32, #tpu.memory_space<hbm>> -> memref<128x64xf32, #tpu.memory_space<hbm>>
      %dma_wait3A_120 = arith.constant 0 : i32
      %dma_wait3A_121 = tpu.memref_slice %arg10[%add3A_37, %dma_wait3A_120] : memref<10240x64xf32, #tpu.memory_space<vmem_shared>> -> memref<128x64xf32, #tpu.memory_space<vmem_shared>>
      tpu.wait_dma2 semaphore(%run_scoped3A_113 : memref<!tpu.dma_semaphore, #tpu.memory_space<semaphore_mem>>) src(%dma_wait3A_121 : memref<128x64xf32, #tpu.memory_space<vmem_shared>>) dst(%dma_wait3A_119 : memref<128x64xf32, #tpu.memory_space<hbm>>)
      tpu.yield
    }) : () -> ()
    %mul3A_38 = arith.constant 640 : i32
    %mul3A_39 = arith.muli %arg1, %mul3A_38 : i32
    %add3A_40 = arith.constant 128 : i32
    %add3A_41 = arith.addi %mul3A_39, %add3A_40 : i32
    %run_scoped3A_42 = arith.constant 0 : i32
    "tpu.region"() ({
      %run_scoped3A_113 = tpu.sem_alloc : memref<!tpu.dma_semaphore, #tpu.memory_space<semaphore_mem>>
      %dma_start3A = arith.constant 0 : i32
      %dma_start3A_114 = tpu.memref_slice %arg5[%arg0, %run_scoped3A_42, %add3A_41, %dma_start3A] : memref<2x2x10240x64xf32, #tpu.memory_space<hbm>> -> memref<1x1x128x64xf32, #tpu.memory_space<hbm>>
      %dma_start3A_115 = tpu.memref_squeeze %dma_start3A_114 : memref<1x1x128x64xf32, #tpu.memory_space<hbm>> -> memref<128x64xf32, #tpu.memory_space<hbm>>
      %dma_start3A_116 = arith.constant 0 : i32
      %dma_start3A_117 = tpu.memref_slice %arg10[%add3A_41, %dma_start3A_116] : memref<10240x64xf32, #tpu.memory_space<vmem_shared>> -> memref<128x64xf32, #tpu.memory_space<vmem_shared>>
      tpu.enqueue_dma source(%dma_start3A_117 : memref<128x64xf32, #tpu.memory_space<vmem_shared>>) target(%dma_start3A_115 : memref<128x64xf32, #tpu.memory_space<hbm>>) target_semaphore(%run_scoped3A_113 : memref<!tpu.dma_semaphore, #tpu.memory_space<semaphore_mem>>)
      %dma_wait3A = arith.constant 0 : i32
      %dma_wait3A_118 = tpu.memref_slice %arg5[%arg0, %run_scoped3A_42, %add3A_41, %dma_wait3A] : memref<2x2x10240x64xf32, #tpu.memory_space<hbm>> -> memref<1x1x128x64xf32, #tpu.memory_space<hbm>>
      %dma_wait3A_119 = tpu.memref_squeeze %dma_wait3A_118 : memref<1x1x128x64xf32, #tpu.memory_space<hbm>> -> memref<128x64xf32, #tpu.memory_space<hbm>>
      %dma_wait3A_120 = arith.constant 0 : i32
      %dma_wait3A_121 = tpu.memref_slice %arg10[%add3A_41, %dma_wait3A_120] : memref<10240x64xf32, #tpu.memory_space<vmem_shared>> -> memref<128x64xf32, #tpu.memory_space<vmem_shared>>
      tpu.wait_dma2 semaphore(%run_scoped3A_113 : memref<!tpu.dma_semaphore, #tpu.memory_space<semaphore_mem>>) src(%dma_wait3A_121 : memref<128x64xf32, #tpu.memory_space<vmem_shared>>) dst(%dma_wait3A_119 : memref<128x64xf32, #tpu.memory_space<hbm>>)
      tpu.yield
    }) : () -> ()
    %mul3A_43 = arith.constant 640 : i32
    %mul3A_44 = arith.muli %arg1, %mul3A_43 : i32
    %add3A_45 = arith.constant 256 : i32
    %add3A_46 = arith.addi %mul3A_44, %add3A_45 : i32
    %run_scoped3A_47 = arith.constant 0 : i32
    "tpu.region"() ({
      %run_scoped3A_113 = tpu.sem_alloc : memref<!tpu.dma_semaphore, #tpu.memory_space<semaphore_mem>>
      %dma_start3A = arith.constant 0 : i32
      %dma_start3A_114 = tpu.memref_slice %arg5[%arg0, %run_scoped3A_47, %add3A_46, %dma_start3A] : memref<2x2x10240x64xf32, #tpu.memory_space<hbm>> -> memref<1x1x128x64xf32, #tpu.memory_space<hbm>>
      %dma_start3A_115 = tpu.memref_squeeze %dma_start3A_114 : memref<1x1x128x64xf32, #tpu.memory_space<hbm>> -> memref<128x64xf32, #tpu.memory_space<hbm>>
      %dma_start3A_116 = arith.constant 0 : i32
      %dma_start3A_117 = tpu.memref_slice %arg10[%add3A_46, %dma_start3A_116] : memref<10240x64xf32, #tpu.memory_space<vmem_shared>> -> memref<128x64xf32, #tpu.memory_space<vmem_shared>>
      tpu.enqueue_dma source(%dma_start3A_117 : memref<128x64xf32, #tpu.memory_space<vmem_shared>>) target(%dma_start3A_115 : memref<128x64xf32, #tpu.memory_space<hbm>>) target_semaphore(%run_scoped3A_113 : memref<!tpu.dma_semaphore, #tpu.memory_space<semaphore_mem>>)
      %dma_wait3A = arith.constant 0 : i32
      %dma_wait3A_118 = tpu.memref_slice %arg5[%arg0, %run_scoped3A_47, %add3A_46, %dma_wait3A] : memref<2x2x10240x64xf32, #tpu.memory_space<hbm>> -> memref<1x1x128x64xf32, #tpu.memory_space<hbm>>
      %dma_wait3A_119 = tpu.memref_squeeze %dma_wait3A_118 : memref<1x1x128x64xf32, #tpu.memory_space<hbm>> -> memref<128x64xf32, #tpu.memory_space<hbm>>
      %dma_wait3A_120 = arith.constant 0 : i32
      %dma_wait3A_121 = tpu.memref_slice %arg10[%add3A_46, %dma_wait3A_120] : memref<10240x64xf32, #tpu.memory_space<vmem_shared>> -> memref<128x64xf32, #tpu.memory_space<vmem_shared>>
      tpu.wait_dma2 semaphore(%run_scoped3A_113 : memref<!tpu.dma_semaphore, #tpu.memory_space<semaphore_mem>>) src(%dma_wait3A_121 : memref<128x64xf32, #tpu.memory_space<vmem_shared>>) dst(%dma_wait3A_119 : memref<128x64xf32, #tpu.memory_space<hbm>>)
      tpu.yield
    }) : () -> ()
    %mul3A_48 = arith.constant 640 : i32
    %mul3A_49 = arith.muli %arg1, %mul3A_48 : i32
    %add3A_50 = arith.constant 384 : i32
    %add3A_51 = arith.addi %mul3A_49, %add3A_50 : i32
    %run_scoped3A_52 = arith.constant 0 : i32
    "tpu.region"() ({
      %run_scoped3A_113 = tpu.sem_alloc : memref<!tpu.dma_semaphore, #tpu.memory_space<semaphore_mem>>
      %dma_start3A = arith.constant 0 : i32
      %dma_start3A_114 = tpu.memref_slice %arg5[%arg0, %run_scoped3A_52, %add3A_51, %dma_start3A] : memref<2x2x10240x64xf32, #tpu.memory_space<hbm>> -> memref<1x1x128x64xf32, #tpu.memory_space<hbm>>
      %dma_start3A_115 = tpu.memref_squeeze %dma_start3A_114 : memref<1x1x128x64xf32, #tpu.memory_space<hbm>> -> memref<128x64xf32, #tpu.memory_space<hbm>>
      %dma_start3A_116 = arith.constant 0 : i32
      %dma_start3A_117 = tpu.memref_slice %arg10[%add3A_51, %dma_start3A_116] : memref<10240x64xf32, #tpu.memory_space<vmem_shared>> -> memref<128x64xf32, #tpu.memory_space<vmem_shared>>
      tpu.enqueue_dma source(%dma_start3A_117 : memref<128x64xf32, #tpu.memory_space<vmem_shared>>) target(%dma_start3A_115 : memref<128x64xf32, #tpu.memory_space<hbm>>) target_semaphore(%run_scoped3A_113 : memref<!tpu.dma_semaphore, #tpu.memory_space<semaphore_mem>>)
      %dma_wait3A = arith.constant 0 : i32
      %dma_wait3A_118 = tpu.memref_slice %arg5[%arg0, %run_scoped3A_52, %add3A_51, %dma_wait3A] : memref<2x2x10240x64xf32, #tpu.memory_space<hbm>> -> memref<1x1x128x64xf32, #tpu.memory_space<hbm>>
      %dma_wait3A_119 = tpu.memref_squeeze %dma_wait3A_118 : memref<1x1x128x64xf32, #tpu.memory_space<hbm>> -> memref<128x64xf32, #tpu.memory_space<hbm>>
      %dma_wait3A_120 = arith.constant 0 : i32
      %dma_wait3A_121 = tpu.memref_slice %arg10[%add3A_51, %dma_wait3A_120] : memref<10240x64xf32, #tpu.memory_space<vmem_shared>> -> memref<128x64xf32, #tpu.memory_space<vmem_shared>>
      tpu.wait_dma2 semaphore(%run_scoped3A_113 : memref<!tpu.dma_semaphore, #tpu.memory_space<semaphore_mem>>) src(%dma_wait3A_121 : memref<128x64xf32, #tpu.memory_space<vmem_shared>>) dst(%dma_wait3A_119 : memref<128x64xf32, #tpu.memory_space<hbm>>)
      tpu.yield
    }) : () -> ()
    %mul3A_53 = arith.constant 640 : i32
    %mul3A_54 = arith.muli %arg1, %mul3A_53 : i32
    %add3A_55 = arith.constant 512 : i32
    %add3A_56 = arith.addi %mul3A_54, %add3A_55 : i32
    %run_scoped3A_57 = arith.constant 0 : i32
    "tpu.region"() ({
      %run_scoped3A_113 = tpu.sem_alloc : memref<!tpu.dma_semaphore, #tpu.memory_space<semaphore_mem>>
      %dma_start3A = arith.constant 0 : i32
      %dma_start3A_114 = tpu.memref_slice %arg5[%arg0, %run_scoped3A_57, %add3A_56, %dma_start3A] : memref<2x2x10240x64xf32, #tpu.memory_space<hbm>> -> memref<1x1x128x64xf32, #tpu.memory_space<hbm>>
      %dma_start3A_115 = tpu.memref_squeeze %dma_start3A_114 : memref<1x1x128x64xf32, #tpu.memory_space<hbm>> -> memref<128x64xf32, #tpu.memory_space<hbm>>
      %dma_start3A_116 = arith.constant 0 : i32
      %dma_start3A_117 = tpu.memref_slice %arg10[%add3A_56, %dma_start3A_116] : memref<10240x64xf32, #tpu.memory_space<vmem_shared>> -> memref<128x64xf32, #tpu.memory_space<vmem_shared>>
      tpu.enqueue_dma source(%dma_start3A_117 : memref<128x64xf32, #tpu.memory_space<vmem_shared>>) target(%dma_start3A_115 : memref<128x64xf32, #tpu.memory_space<hbm>>) target_semaphore(%run_scoped3A_113 : memref<!tpu.dma_semaphore, #tpu.memory_space<semaphore_mem>>)
      %dma_wait3A = arith.constant 0 : i32
      %dma_wait3A_118 = tpu.memref_slice %arg5[%arg0, %run_scoped3A_57, %add3A_56, %dma_wait3A] : memref<2x2x10240x64xf32, #tpu.memory_space<hbm>> -> memref<1x1x128x64xf32, #tpu.memory_space<hbm>>
      %dma_wait3A_119 = tpu.memref_squeeze %dma_wait3A_118 : memref<1x1x128x64xf32, #tpu.memory_space<hbm>> -> memref<128x64xf32, #tpu.memory_space<hbm>>
      %dma_wait3A_120 = arith.constant 0 : i32
      %dma_wait3A_121 = tpu.memref_slice %arg10[%add3A_56, %dma_wait3A_120] : memref<10240x64xf32, #tpu.memory_space<vmem_shared>> -> memref<128x64xf32, #tpu.memory_space<vmem_shared>>
      tpu.wait_dma2 semaphore(%run_scoped3A_113 : memref<!tpu.dma_semaphore, #tpu.memory_space<semaphore_mem>>) src(%dma_wait3A_121 : memref<128x64xf32, #tpu.memory_space<vmem_shared>>) dst(%dma_wait3A_119 : memref<128x64xf32, #tpu.memory_space<hbm>>)
      tpu.yield
    }) : () -> ()
    %barrier3A_58 = arith.constant 0 : index
    tpu.barrier barrier_id(%barrier3A_58)
    %mul3A_59 = arith.constant 640 : i32
    %mul3A_60 = arith.muli %arg1, %mul3A_59 : i32
    %add3A_61 = arith.constant 0 : i32
    %add3A_62 = arith.addi %mul3A_60, %add3A_61 : i32
    "tpu.region"() ({
      %run_scoped3A_113 = tpu.sem_alloc : memref<!tpu.dma_semaphore, #tpu.memory_space<semaphore_mem>>
      %dma_start3A = arith.constant 0 : i32
      %dma_start3A_114 = tpu.memref_slice %arg10[%add3A_62, %dma_start3A] : memref<10240x64xf32, #tpu.memory_space<vmem_shared>> -> memref<128x64xf32, #tpu.memory_space<vmem_shared>>
      %dma_start3A_115 = arith.constant 0 : i32
      %dma_start3A_116 = tpu.memref_slice %arg10[%add3A_62, %dma_start3A_115] : memref<10240x64xf32, #tpu.memory_space<vmem_shared>> -> memref<128x64xf32, #tpu.memory_space<vmem_shared>>
      tpu.enqueue_dma source(%arg9 : memref<128x64xf32, #tpu.memory_space<vmem>>) target(%dma_start3A_116 : memref<128x64xf32, #tpu.memory_space<vmem_shared>>) target_semaphore(%run_scoped3A_113 : memref<!tpu.dma_semaphore, #tpu.memory_space<semaphore_mem>>)
      %dma_wait3A = arith.constant 0 : i32
      %dma_wait3A_117 = tpu.memref_slice %arg10[%add3A_62, %dma_wait3A] : memref<10240x64xf32, #tpu.memory_space<vmem_shared>> -> memref<128x64xf32, #tpu.memory_space<vmem_shared>>
      %dma_wait3A_118 = arith.constant 0 : i32
      %dma_wait3A_119 = tpu.memref_slice %arg10[%add3A_62, %dma_wait3A_118] : memref<10240x64xf32, #tpu.memory_space<vmem_shared>> -> memref<128x64xf32, #tpu.memory_space<vmem_shared>>
      tpu.wait_dma2 semaphore(%run_scoped3A_113 : memref<!tpu.dma_semaphore, #tpu.memory_space<semaphore_mem>>) src(%arg9 : memref<128x64xf32, #tpu.memory_space<vmem>>) dst(%dma_wait3A_119 : memref<128x64xf32, #tpu.memory_space<vmem_shared>>)
      tpu.yield
    }) : () -> ()
    %mul3A_63 = arith.constant 640 : i32
    %mul3A_64 = arith.muli %arg1, %mul3A_63 : i32
    %add3A_65 = arith.constant 128 : i32
    %add3A_66 = arith.addi %mul3A_64, %add3A_65 : i32
    "tpu.region"() ({
      %run_scoped3A_113 = tpu.sem_alloc : memref<!tpu.dma_semaphore, #tpu.memory_space<semaphore_mem>>
      %dma_start3A = arith.constant 0 : i32
      %dma_start3A_114 = tpu.memref_slice %arg10[%add3A_66, %dma_start3A] : memref<10240x64xf32, #tpu.memory_space<vmem_shared>> -> memref<128x64xf32, #tpu.memory_space<vmem_shared>>
      %dma_start3A_115 = arith.constant 0 : i32
      %dma_start3A_116 = tpu.memref_slice %arg10[%add3A_66, %dma_start3A_115] : memref<10240x64xf32, #tpu.memory_space<vmem_shared>> -> memref<128x64xf32, #tpu.memory_space<vmem_shared>>
      tpu.enqueue_dma source(%arg9 : memref<128x64xf32, #tpu.memory_space<vmem>>) target(%dma_start3A_116 : memref<128x64xf32, #tpu.memory_space<vmem_shared>>) target_semaphore(%run_scoped3A_113 : memref<!tpu.dma_semaphore, #tpu.memory_space<semaphore_mem>>)
      %dma_wait3A = arith.constant 0 : i32
      %dma_wait3A_117 = tpu.memref_slice %arg10[%add3A_66, %dma_wait3A] : memref<10240x64xf32, #tpu.memory_space<vmem_shared>> -> memref<128x64xf32, #tpu.memory_space<vmem_shared>>
      %dma_wait3A_118 = arith.constant 0 : i32
      %dma_wait3A_119 = tpu.memref_slice %arg10[%add3A_66, %dma_wait3A_118] : memref<10240x64xf32, #tpu.memory_space<vmem_shared>> -> memref<128x64xf32, #tpu.memory_space<vmem_shared>>
      tpu.wait_dma2 semaphore(%run_scoped3A_113 : memref<!tpu.dma_semaphore, #tpu.memory_space<semaphore_mem>>) src(%arg9 : memref<128x64xf32, #tpu.memory_space<vmem>>) dst(%dma_wait3A_119 : memref<128x64xf32, #tpu.memory_space<vmem_shared>>)
      tpu.yield
    }) : () -> ()
    %mul3A_67 = arith.constant 640 : i32
    %mul3A_68 = arith.muli %arg1, %mul3A_67 : i32
    %add3A_69 = arith.constant 256 : i32
    %add3A_70 = arith.addi %mul3A_68, %add3A_69 : i32
    "tpu.region"() ({
      %run_scoped3A_113 = tpu.sem_alloc : memref<!tpu.dma_semaphore, #tpu.memory_space<semaphore_mem>>
      %dma_start3A = arith.constant 0 : i32
      %dma_start3A_114 = tpu.memref_slice %arg10[%add3A_70, %dma_start3A] : memref<10240x64xf32, #tpu.memory_space<vmem_shared>> -> memref<128x64xf32, #tpu.memory_space<vmem_shared>>
      %dma_start3A_115 = arith.constant 0 : i32
      %dma_start3A_116 = tpu.memref_slice %arg10[%add3A_70, %dma_start3A_115] : memref<10240x64xf32, #tpu.memory_space<vmem_shared>> -> memref<128x64xf32, #tpu.memory_space<vmem_shared>>
      tpu.enqueue_dma source(%arg9 : memref<128x64xf32, #tpu.memory_space<vmem>>) target(%dma_start3A_116 : memref<128x64xf32, #tpu.memory_space<vmem_shared>>) target_semaphore(%run_scoped3A_113 : memref<!tpu.dma_semaphore, #tpu.memory_space<semaphore_mem>>)
      %dma_wait3A = arith.constant 0 : i32
      %dma_wait3A_117 = tpu.memref_slice %arg10[%add3A_70, %dma_wait3A] : memref<10240x64xf32, #tpu.memory_space<vmem_shared>> -> memref<128x64xf32, #tpu.memory_space<vmem_shared>>
      %dma_wait3A_118 = arith.constant 0 : i32
      %dma_wait3A_119 = tpu.memref_slice %arg10[%add3A_70, %dma_wait3A_118] : memref<10240x64xf32, #tpu.memory_space<vmem_shared>> -> memref<128x64xf32, #tpu.memory_space<vmem_shared>>
      tpu.wait_dma2 semaphore(%run_scoped3A_113 : memref<!tpu.dma_semaphore, #tpu.memory_space<semaphore_mem>>) src(%arg9 : memref<128x64xf32, #tpu.memory_space<vmem>>) dst(%dma_wait3A_119 : memref<128x64xf32, #tpu.memory_space<vmem_shared>>)
      tpu.yield
    }) : () -> ()
    %mul3A_71 = arith.constant 640 : i32
    %mul3A_72 = arith.muli %arg1, %mul3A_71 : i32
    %add3A_73 = arith.constant 384 : i32
    %add3A_74 = arith.addi %mul3A_72, %add3A_73 : i32
    "tpu.region"() ({
      %run_scoped3A_113 = tpu.sem_alloc : memref<!tpu.dma_semaphore, #tpu.memory_space<semaphore_mem>>
      %dma_start3A = arith.constant 0 : i32
      %dma_start3A_114 = tpu.memref_slice %arg10[%add3A_74, %dma_start3A] : memref<10240x64xf32, #tpu.memory_space<vmem_shared>> -> memref<128x64xf32, #tpu.memory_space<vmem_shared>>
      %dma_start3A_115 = arith.constant 0 : i32
      %dma_start3A_116 = tpu.memref_slice %arg10[%add3A_74, %dma_start3A_115] : memref<10240x64xf32, #tpu.memory_space<vmem_shared>> -> memref<128x64xf32, #tpu.memory_space<vmem_shared>>
      tpu.enqueue_dma source(%arg9 : memref<128x64xf32, #tpu.memory_space<vmem>>) target(%dma_start3A_116 : memref<128x64xf32, #tpu.memory_space<vmem_shared>>) target_semaphore(%run_scoped3A_113 : memref<!tpu.dma_semaphore, #tpu.memory_space<semaphore_mem>>)
      %dma_wait3A = arith.constant 0 : i32
      %dma_wait3A_117 = tpu.memref_slice %arg10[%add3A_74, %dma_wait3A] : memref<10240x64xf32, #tpu.memory_space<vmem_shared>> -> memref<128x64xf32, #tpu.memory_space<vmem_shared>>
      %dma_wait3A_118 = arith.constant 0 : i32
      %dma_wait3A_119 = tpu.memref_slice %arg10[%add3A_74, %dma_wait3A_118] : memref<10240x64xf32, #tpu.memory_space<vmem_shared>> -> memref<128x64xf32, #tpu.memory_space<vmem_shared>>
      tpu.wait_dma2 semaphore(%run_scoped3A_113 : memref<!tpu.dma_semaphore, #tpu.memory_space<semaphore_mem>>) src(%arg9 : memref<128x64xf32, #tpu.memory_space<vmem>>) dst(%dma_wait3A_119 : memref<128x64xf32, #tpu.memory_space<vmem_shared>>)
      tpu.yield
    }) : () -> ()
    %mul3A_75 = arith.constant 640 : i32
    %mul3A_76 = arith.muli %arg1, %mul3A_75 : i32
    %add3A_77 = arith.constant 512 : i32
    %add3A_78 = arith.addi %mul3A_76, %add3A_77 : i32
    "tpu.region"() ({
      %run_scoped3A_113 = tpu.sem_alloc : memref<!tpu.dma_semaphore, #tpu.memory_space<semaphore_mem>>
      %dma_start3A = arith.constant 0 : i32
      %dma_start3A_114 = tpu.memref_slice %arg10[%add3A_78, %dma_start3A] : memref<10240x64xf32, #tpu.memory_space<vmem_shared>> -> memref<128x64xf32, #tpu.memory_space<vmem_shared>>
      %dma_start3A_115 = arith.constant 0 : i32
      %dma_start3A_116 = tpu.memref_slice %arg10[%add3A_78, %dma_start3A_115] : memref<10240x64xf32, #tpu.memory_space<vmem_shared>> -> memref<128x64xf32, #tpu.memory_space<vmem_shared>>
      tpu.enqueue_dma source(%arg9 : memref<128x64xf32, #tpu.memory_space<vmem>>) target(%dma_start3A_116 : memref<128x64xf32, #tpu.memory_space<vmem_shared>>) target_semaphore(%run_scoped3A_113 : memref<!tpu.dma_semaphore, #tpu.memory_space<semaphore_mem>>)
      %dma_wait3A = arith.constant 0 : i32
      %dma_wait3A_117 = tpu.memref_slice %arg10[%add3A_78, %dma_wait3A] : memref<10240x64xf32, #tpu.memory_space<vmem_shared>> -> memref<128x64xf32, #tpu.memory_space<vmem_shared>>
      %dma_wait3A_118 = arith.constant 0 : i32
      %dma_wait3A_119 = tpu.memref_slice %arg10[%add3A_78, %dma_wait3A_118] : memref<10240x64xf32, #tpu.memory_space<vmem_shared>> -> memref<128x64xf32, #tpu.memory_space<vmem_shared>>
      tpu.wait_dma2 semaphore(%run_scoped3A_113 : memref<!tpu.dma_semaphore, #tpu.memory_space<semaphore_mem>>) src(%arg9 : memref<128x64xf32, #tpu.memory_space<vmem>>) dst(%dma_wait3A_119 : memref<128x64xf32, #tpu.memory_space<vmem_shared>>)
      tpu.yield
    }) : () -> ()
    %barrier3A_79 = arith.constant 0 : index
    tpu.barrier barrier_id(%barrier3A_79)
    %scan3A_80 = arith.constant 0 : i32
    %scan3A_81 = arith.constant 0 : i32
    %scan3A_82 = arith.constant 16 : i32
    %scan3A_83 = arith.addi %scan3A_81, %scan3A_82 : i32
    %scan3A_84 = arith.constant 1 : i32
    scf.for %scan3A_113 = %scan3A_81 to %scan3A_83 step %scan3A_84  : i32 {
      %mul3A_114 = arith.constant 10 : i32
      %mul3A_115 = arith.muli %scan3A_113, %mul3A_114 : i32
      %add3A_116 = arith.constant 0 : i32
      %add3A_117 = arith.addi %mul3A_115, %add3A_116 : i32
      %dma_start3A = arith.constant 1 : i32
      %dma_start3A_118 = arith.constant 0 : i32
      %dma_start3A_119 = arith.constant 0 : i32
      %dma_start3A_120 = arith.constant 0 : i32
      %dma_start3A_121 = tpu.memref_slice %arg8[%dma_start3A_118, %dma_start3A_119, %dma_start3A_120] : memref<10x64x64xf32, #tpu.memory_space<vmem>> -> memref<1x64x64xf32, #tpu.memory_space<vmem>>
      %dma_start3A_122 = tpu.memref_squeeze %dma_start3A_121 : memref<1x64x64xf32, #tpu.memory_space<vmem>> -> memref<64x64xf32, #tpu.memory_space<vmem>>
      %dma_start3A_123 = arith.constant 0 : i32
      %dma_start3A_124 = tpu.memref_slice %arg6[%add3A_117, %dma_start3A_123] : memref<160x64xi32, #tpu.memory_space<vmem>> -> memref<1x64xi32, #tpu.memory_space<vmem>>
      %dma_start3A_125 = tpu.memref_squeeze %dma_start3A_124 : memref<1x64xi32, #tpu.memory_space<vmem>> -> memref<64xi32, #tpu.memory_space<vmem>>
      %dma_start3A_126 = arith.constant 0 : i32
      %dma_start3A_127 = arith.constant 0 : i32
      %dma_start3A_128 = tpu.memref_slice %arg2[%dma_start3A, %dma_start3A_126, %dma_start3A_127] : memref<2x10000x64xf32, #tpu.memory_space<hbm>> -> memref<1x10000x64xf32, #tpu.memory_space<hbm>>
      %dma_start3A_129 = tpu.memref_squeeze %dma_start3A_128 : memref<1x10000x64xf32, #tpu.memory_space<hbm>> -> memref<10000x64xf32, #tpu.memory_space<hbm>>
      %dma_start3A_130 = arith.constant 0 : i32
      %dma_start3A_131 = arith.constant 0 : i32
      %dma_start3A_132 = tpu.memref_slice %dma_start3A_129[%dma_start3A_130, %dma_start3A_131] : memref<10000x64xf32, #tpu.memory_space<hbm>> -> memref<10000x64xf32, #tpu.memory_space<hbm>>
      tpu.enqueue_indirect_dma source(%dma_start3A_132 : memref<10000x64xf32, #tpu.memory_space<hbm>>) target(%dma_start3A_122 : memref<64x64xf32, #tpu.memory_space<vmem>>) offsets(%dma_start3A_125 : memref<64xi32, #tpu.memory_space<vmem>>) semaphore(%arg11 : memref<!tpu.dma_semaphore, #tpu.memory_space<semaphore_mem>>)
      %add3A_133 = arith.constant 1 : i32
      %add3A_134 = arith.addi %mul3A_115, %add3A_133 : i32
      %dma_start3A_135 = arith.constant 1 : i32
      %dma_start3A_136 = arith.constant 1 : i32
      %dma_start3A_137 = arith.constant 0 : i32
      %dma_start3A_138 = arith.constant 0 : i32
      %dma_start3A_139 = tpu.memref_slice %arg8[%dma_start3A_136, %dma_start3A_137, %dma_start3A_138] : memref<10x64x64xf32, #tpu.memory_space<vmem>> -> memref<1x64x64xf32, #tpu.memory_space<vmem>>
      %dma_start3A_140 = tpu.memref_squeeze %dma_start3A_139 : memref<1x64x64xf32, #tpu.memory_space<vmem>> -> memref<64x64xf32, #tpu.memory_space<vmem>>
      %dma_start3A_141 = arith.constant 0 : i32
      %dma_start3A_142 = tpu.memref_slice %arg6[%add3A_134, %dma_start3A_141] : memref<160x64xi32, #tpu.memory_space<vmem>> -> memref<1x64xi32, #tpu.memory_space<vmem>>
      %dma_start3A_143 = tpu.memref_squeeze %dma_start3A_142 : memref<1x64xi32, #tpu.memory_space<vmem>> -> memref<64xi32, #tpu.memory_space<vmem>>
      %dma_start3A_144 = arith.constant 0 : i32
      %dma_start3A_145 = arith.constant 0 : i32
      %dma_start3A_146 = tpu.memref_slice %arg2[%dma_start3A_135, %dma_start3A_144, %dma_start3A_145] : memref<2x10000x64xf32, #tpu.memory_space<hbm>> -> memref<1x10000x64xf32, #tpu.memory_space<hbm>>
      %dma_start3A_147 = tpu.memref_squeeze %dma_start3A_146 : memref<1x10000x64xf32, #tpu.memory_space<hbm>> -> memref<10000x64xf32, #tpu.memory_space<hbm>>
      %dma_start3A_148 = arith.constant 0 : i32
      %dma_start3A_149 = arith.constant 0 : i32
      %dma_start3A_150 = tpu.memref_slice %dma_start3A_147[%dma_start3A_148, %dma_start3A_149] : memref<10000x64xf32, #tpu.memory_space<hbm>> -> memref<10000x64xf32, #tpu.memory_space<hbm>>
      tpu.enqueue_indirect_dma source(%dma_start3A_150 : memref<10000x64xf32, #tpu.memory_space<hbm>>) target(%dma_start3A_140 : memref<64x64xf32, #tpu.memory_space<vmem>>) offsets(%dma_start3A_143 : memref<64xi32, #tpu.memory_space<vmem>>) semaphore(%arg12 : memref<!tpu.dma_semaphore, #tpu.memory_space<semaphore_mem>>)
      %add3A_151 = arith.constant 2 : i32
      %add3A_152 = arith.addi %mul3A_115, %add3A_151 : i32
      %dma_start3A_153 = arith.constant 1 : i32
      %dma_start3A_154 = arith.constant 2 : i32
      %dma_start3A_155 = arith.constant 0 : i32
      %dma_start3A_156 = arith.constant 0 : i32
      %dma_start3A_157 = tpu.memref_slice %arg8[%dma_start3A_154, %dma_start3A_155, %dma_start3A_156] : memref<10x64x64xf32, #tpu.memory_space<vmem>> -> memref<1x64x64xf32, #tpu.memory_space<vmem>>
      %dma_start3A_158 = tpu.memref_squeeze %dma_start3A_157 : memref<1x64x64xf32, #tpu.memory_space<vmem>> -> memref<64x64xf32, #tpu.memory_space<vmem>>
      %dma_start3A_159 = arith.constant 0 : i32
      %dma_start3A_160 = tpu.memref_slice %arg6[%add3A_152, %dma_start3A_159] : memref<160x64xi32, #tpu.memory_space<vmem>> -> memref<1x64xi32, #tpu.memory_space<vmem>>
      %dma_start3A_161 = tpu.memref_squeeze %dma_start3A_160 : memref<1x64xi32, #tpu.memory_space<vmem>> -> memref<64xi32, #tpu.memory_space<vmem>>
      %dma_start3A_162 = arith.constant 0 : i32
      %dma_start3A_163 = arith.constant 0 : i32
      %dma_start3A_164 = tpu.memref_slice %arg2[%dma_start3A_153, %dma_start3A_162, %dma_start3A_163] : memref<2x10000x64xf32, #tpu.memory_space<hbm>> -> memref<1x10000x64xf32, #tpu.memory_space<hbm>>
      %dma_start3A_165 = tpu.memref_squeeze %dma_start3A_164 : memref<1x10000x64xf32, #tpu.memory_space<hbm>> -> memref<10000x64xf32, #tpu.memory_space<hbm>>
      %dma_start3A_166 = arith.constant 0 : i32
      %dma_start3A_167 = arith.constant 0 : i32
      %dma_start3A_168 = tpu.memref_slice %dma_start3A_165[%dma_start3A_166, %dma_start3A_167] : memref<10000x64xf32, #tpu.memory_space<hbm>> -> memref<10000x64xf32, #tpu.memory_space<hbm>>
      tpu.enqueue_indirect_dma source(%dma_start3A_168 : memref<10000x64xf32, #tpu.memory_space<hbm>>) target(%dma_start3A_158 : memref<64x64xf32, #tpu.memory_space<vmem>>) offsets(%dma_start3A_161 : memref<64xi32, #tpu.memory_space<vmem>>) semaphore(%arg13 : memref<!tpu.dma_semaphore, #tpu.memory_space<semaphore_mem>>)
      %add3A_169 = arith.constant 3 : i32
      %add3A_170 = arith.addi %mul3A_115, %add3A_169 : i32
      %dma_start3A_171 = arith.constant 1 : i32
      %dma_start3A_172 = arith.constant 3 : i32
      %dma_start3A_173 = arith.constant 0 : i32
      %dma_start3A_174 = arith.constant 0 : i32
      %dma_start3A_175 = tpu.memref_slice %arg8[%dma_start3A_172, %dma_start3A_173, %dma_start3A_174] : memref<10x64x64xf32, #tpu.memory_space<vmem>> -> memref<1x64x64xf32, #tpu.memory_space<vmem>>
      %dma_start3A_176 = tpu.memref_squeeze %dma_start3A_175 : memref<1x64x64xf32, #tpu.memory_space<vmem>> -> memref<64x64xf32, #tpu.memory_space<vmem>>
      %dma_start3A_177 = arith.constant 0 : i32
      %dma_start3A_178 = tpu.memref_slice %arg6[%add3A_170, %dma_start3A_177] : memref<160x64xi32, #tpu.memory_space<vmem>> -> memref<1x64xi32, #tpu.memory_space<vmem>>
      %dma_start3A_179 = tpu.memref_squeeze %dma_start3A_178 : memref<1x64xi32, #tpu.memory_space<vmem>> -> memref<64xi32, #tpu.memory_space<vmem>>
      %dma_start3A_180 = arith.constant 0 : i32
      %dma_start3A_181 = arith.constant 0 : i32
      %dma_start3A_182 = tpu.memref_slice %arg2[%dma_start3A_171, %dma_start3A_180, %dma_start3A_181] : memref<2x10000x64xf32, #tpu.memory_space<hbm>> -> memref<1x10000x64xf32, #tpu.memory_space<hbm>>
      %dma_start3A_183 = tpu.memref_squeeze %dma_start3A_182 : memref<1x10000x64xf32, #tpu.memory_space<hbm>> -> memref<10000x64xf32, #tpu.memory_space<hbm>>
      %dma_start3A_184 = arith.constant 0 : i32
      %dma_start3A_185 = arith.constant 0 : i32
      %dma_start3A_186 = tpu.memref_slice %dma_start3A_183[%dma_start3A_184, %dma_start3A_185] : memref<10000x64xf32, #tpu.memory_space<hbm>> -> memref<10000x64xf32, #tpu.memory_space<hbm>>
      tpu.enqueue_indirect_dma source(%dma_start3A_186 : memref<10000x64xf32, #tpu.memory_space<hbm>>) target(%dma_start3A_176 : memref<64x64xf32, #tpu.memory_space<vmem>>) offsets(%dma_start3A_179 : memref<64xi32, #tpu.memory_space<vmem>>) semaphore(%arg14 : memref<!tpu.dma_semaphore, #tpu.memory_space<semaphore_mem>>)
      %add3A_187 = arith.constant 4 : i32
      %add3A_188 = arith.addi %mul3A_115, %add3A_187 : i32
      %dma_start3A_189 = arith.constant 1 : i32
      %dma_start3A_190 = arith.constant 4 : i32
      %dma_start3A_191 = arith.constant 0 : i32
      %dma_start3A_192 = arith.constant 0 : i32
      %dma_start3A_193 = tpu.memref_slice %arg8[%dma_start3A_190, %dma_start3A_191, %dma_start3A_192] : memref<10x64x64xf32, #tpu.memory_space<vmem>> -> memref<1x64x64xf32, #tpu.memory_space<vmem>>
      %dma_start3A_194 = tpu.memref_squeeze %dma_start3A_193 : memref<1x64x64xf32, #tpu.memory_space<vmem>> -> memref<64x64xf32, #tpu.memory_space<vmem>>
      %dma_start3A_195 = arith.constant 0 : i32
      %dma_start3A_196 = tpu.memref_slice %arg6[%add3A_188, %dma_start3A_195] : memref<160x64xi32, #tpu.memory_space<vmem>> -> memref<1x64xi32, #tpu.memory_space<vmem>>
      %dma_start3A_197 = tpu.memref_squeeze %dma_start3A_196 : memref<1x64xi32, #tpu.memory_space<vmem>> -> memref<64xi32, #tpu.memory_space<vmem>>
      %dma_start3A_198 = arith.constant 0 : i32
      %dma_start3A_199 = arith.constant 0 : i32
      %dma_start3A_200 = tpu.memref_slice %arg2[%dma_start3A_189, %dma_start3A_198, %dma_start3A_199] : memref<2x10000x64xf32, #tpu.memory_space<hbm>> -> memref<1x10000x64xf32, #tpu.memory_space<hbm>>
      %dma_start3A_201 = tpu.memref_squeeze %dma_start3A_200 : memref<1x10000x64xf32, #tpu.memory_space<hbm>> -> memref<10000x64xf32, #tpu.memory_space<hbm>>
      %dma_start3A_202 = arith.constant 0 : i32
      %dma_start3A_203 = arith.constant 0 : i32
      %dma_start3A_204 = tpu.memref_slice %dma_start3A_201[%dma_start3A_202, %dma_start3A_203] : memref<10000x64xf32, #tpu.memory_space<hbm>> -> memref<10000x64xf32, #tpu.memory_space<hbm>>
      tpu.enqueue_indirect_dma source(%dma_start3A_204 : memref<10000x64xf32, #tpu.memory_space<hbm>>) target(%dma_start3A_194 : memref<64x64xf32, #tpu.memory_space<vmem>>) offsets(%dma_start3A_197 : memref<64xi32, #tpu.memory_space<vmem>>) semaphore(%arg15 : memref<!tpu.dma_semaphore, #tpu.memory_space<semaphore_mem>>)
      %add3A_205 = arith.constant 5 : i32
      %add3A_206 = arith.addi %mul3A_115, %add3A_205 : i32
      %dma_start3A_207 = arith.constant 1 : i32
      %dma_start3A_208 = arith.constant 5 : i32
      %dma_start3A_209 = arith.constant 0 : i32
      %dma_start3A_210 = arith.constant 0 : i32
      %dma_start3A_211 = tpu.memref_slice %arg8[%dma_start3A_208, %dma_start3A_209, %dma_start3A_210] : memref<10x64x64xf32, #tpu.memory_space<vmem>> -> memref<1x64x64xf32, #tpu.memory_space<vmem>>
      %dma_start3A_212 = tpu.memref_squeeze %dma_start3A_211 : memref<1x64x64xf32, #tpu.memory_space<vmem>> -> memref<64x64xf32, #tpu.memory_space<vmem>>
      %dma_start3A_213 = arith.constant 0 : i32
      %dma_start3A_214 = tpu.memref_slice %arg6[%add3A_206, %dma_start3A_213] : memref<160x64xi32, #tpu.memory_space<vmem>> -> memref<1x64xi32, #tpu.memory_space<vmem>>
      %dma_start3A_215 = tpu.memref_squeeze %dma_start3A_214 : memref<1x64xi32, #tpu.memory_space<vmem>> -> memref<64xi32, #tpu.memory_space<vmem>>
      %dma_start3A_216 = arith.constant 0 : i32
      %dma_start3A_217 = arith.constant 0 : i32
      %dma_start3A_218 = tpu.memref_slice %arg2[%dma_start3A_207, %dma_start3A_216, %dma_start3A_217] : memref<2x10000x64xf32, #tpu.memory_space<hbm>> -> memref<1x10000x64xf32, #tpu.memory_space<hbm>>
      %dma_start3A_219 = tpu.memref_squeeze %dma_start3A_218 : memref<1x10000x64xf32, #tpu.memory_space<hbm>> -> memref<10000x64xf32, #tpu.memory_space<hbm>>
      %dma_start3A_220 = arith.constant 0 : i32
      %dma_start3A_221 = arith.constant 0 : i32
      %dma_start3A_222 = tpu.memref_slice %dma_start3A_219[%dma_start3A_220, %dma_start3A_221] : memref<10000x64xf32, #tpu.memory_space<hbm>> -> memref<10000x64xf32, #tpu.memory_space<hbm>>
      tpu.enqueue_indirect_dma source(%dma_start3A_222 : memref<10000x64xf32, #tpu.memory_space<hbm>>) target(%dma_start3A_212 : memref<64x64xf32, #tpu.memory_space<vmem>>) offsets(%dma_start3A_215 : memref<64xi32, #tpu.memory_space<vmem>>) semaphore(%arg16 : memref<!tpu.dma_semaphore, #tpu.memory_space<semaphore_mem>>)
      %add3A_223 = arith.constant 6 : i32
      %add3A_224 = arith.addi %mul3A_115, %add3A_223 : i32
      %dma_start3A_225 = arith.constant 1 : i32
      %dma_start3A_226 = arith.constant 6 : i32
      %dma_start3A_227 = arith.constant 0 : i32
      %dma_start3A_228 = arith.constant 0 : i32
      %dma_start3A_229 = tpu.memref_slice %arg8[%dma_start3A_226, %dma_start3A_227, %dma_start3A_228] : memref<10x64x64xf32, #tpu.memory_space<vmem>> -> memref<1x64x64xf32, #tpu.memory_space<vmem>>
      %dma_start3A_230 = tpu.memref_squeeze %dma_start3A_229 : memref<1x64x64xf32, #tpu.memory_space<vmem>> -> memref<64x64xf32, #tpu.memory_space<vmem>>
      %dma_start3A_231 = arith.constant 0 : i32
      %dma_start3A_232 = tpu.memref_slice %arg6[%add3A_224, %dma_start3A_231] : memref<160x64xi32, #tpu.memory_space<vmem>> -> memref<1x64xi32, #tpu.memory_space<vmem>>
      %dma_start3A_233 = tpu.memref_squeeze %dma_start3A_232 : memref<1x64xi32, #tpu.memory_space<vmem>> -> memref<64xi32, #tpu.memory_space<vmem>>
      %dma_start3A_234 = arith.constant 0 : i32
      %dma_start3A_235 = arith.constant 0 : i32
      %dma_start3A_236 = tpu.memref_slice %arg2[%dma_start3A_225, %dma_start3A_234, %dma_start3A_235] : memref<2x10000x64xf32, #tpu.memory_space<hbm>> -> memref<1x10000x64xf32, #tpu.memory_space<hbm>>
      %dma_start3A_237 = tpu.memref_squeeze %dma_start3A_236 : memref<1x10000x64xf32, #tpu.memory_space<hbm>> -> memref<10000x64xf32, #tpu.memory_space<hbm>>
      %dma_start3A_238 = arith.constant 0 : i32
      %dma_start3A_239 = arith.constant 0 : i32
      %dma_start3A_240 = tpu.memref_slice %dma_start3A_237[%dma_start3A_238, %dma_start3A_239] : memref<10000x64xf32, #tpu.memory_space<hbm>> -> memref<10000x64xf32, #tpu.memory_space<hbm>>
      tpu.enqueue_indirect_dma source(%dma_start3A_240 : memref<10000x64xf32, #tpu.memory_space<hbm>>) target(%dma_start3A_230 : memref<64x64xf32, #tpu.memory_space<vmem>>) offsets(%dma_start3A_233 : memref<64xi32, #tpu.memory_space<vmem>>) semaphore(%arg17 : memref<!tpu.dma_semaphore, #tpu.memory_space<semaphore_mem>>)
      %add3A_241 = arith.constant 7 : i32
      %add3A_242 = arith.addi %mul3A_115, %add3A_241 : i32
      %dma_start3A_243 = arith.constant 1 : i32
      %dma_start3A_244 = arith.constant 7 : i32
      %dma_start3A_245 = arith.constant 0 : i32
      %dma_start3A_246 = arith.constant 0 : i32
      %dma_start3A_247 = tpu.memref_slice %arg8[%dma_start3A_244, %dma_start3A_245, %dma_start3A_246] : memref<10x64x64xf32, #tpu.memory_space<vmem>> -> memref<1x64x64xf32, #tpu.memory_space<vmem>>
      %dma_start3A_248 = tpu.memref_squeeze %dma_start3A_247 : memref<1x64x64xf32, #tpu.memory_space<vmem>> -> memref<64x64xf32, #tpu.memory_space<vmem>>
      %dma_start3A_249 = arith.constant 0 : i32
      %dma_start3A_250 = tpu.memref_slice %arg6[%add3A_242, %dma_start3A_249] : memref<160x64xi32, #tpu.memory_space<vmem>> -> memref<1x64xi32, #tpu.memory_space<vmem>>
      %dma_start3A_251 = tpu.memref_squeeze %dma_start3A_250 : memref<1x64xi32, #tpu.memory_space<vmem>> -> memref<64xi32, #tpu.memory_space<vmem>>
      %dma_start3A_252 = arith.constant 0 : i32
      %dma_start3A_253 = arith.constant 0 : i32
      %dma_start3A_254 = tpu.memref_slice %arg2[%dma_start3A_243, %dma_start3A_252, %dma_start3A_253] : memref<2x10000x64xf32, #tpu.memory_space<hbm>> -> memref<1x10000x64xf32, #tpu.memory_space<hbm>>
      %dma_start3A_255 = tpu.memref_squeeze %dma_start3A_254 : memref<1x10000x64xf32, #tpu.memory_space<hbm>> -> memref<10000x64xf32, #tpu.memory_space<hbm>>
      %dma_start3A_256 = arith.constant 0 : i32
      %dma_start3A_257 = arith.constant 0 : i32
      %dma_start3A_258 = tpu.memref_slice %dma_start3A_255[%dma_start3A_256, %dma_start3A_257] : memref<10000x64xf32, #tpu.memory_space<hbm>> -> memref<10000x64xf32, #tpu.memory_space<hbm>>
      tpu.enqueue_indirect_dma source(%dma_start3A_258 : memref<10000x64xf32, #tpu.memory_space<hbm>>) target(%dma_start3A_248 : memref<64x64xf32, #tpu.memory_space<vmem>>) offsets(%dma_start3A_251 : memref<64xi32, #tpu.memory_space<vmem>>) semaphore(%arg18 : memref<!tpu.dma_semaphore, #tpu.memory_space<semaphore_mem>>)
      %add3A_259 = arith.constant 8 : i32
      %add3A_260 = arith.addi %mul3A_115, %add3A_259 : i32
      %dma_start3A_261 = arith.constant 1 : i32
      %dma_start3A_262 = arith.constant 8 : i32
      %dma_start3A_263 = arith.constant 0 : i32
      %dma_start3A_264 = arith.constant 0 : i32
      %dma_start3A_265 = tpu.memref_slice %arg8[%dma_start3A_262, %dma_start3A_263, %dma_start3A_264] : memref<10x64x64xf32, #tpu.memory_space<vmem>> -> memref<1x64x64xf32, #tpu.memory_space<vmem>>
      %dma_start3A_266 = tpu.memref_squeeze %dma_start3A_265 : memref<1x64x64xf32, #tpu.memory_space<vmem>> -> memref<64x64xf32, #tpu.memory_space<vmem>>
      %dma_start3A_267 = arith.constant 0 : i32
      %dma_start3A_268 = tpu.memref_slice %arg6[%add3A_260, %dma_start3A_267] : memref<160x64xi32, #tpu.memory_space<vmem>> -> memref<1x64xi32, #tpu.memory_space<vmem>>
      %dma_start3A_269 = tpu.memref_squeeze %dma_start3A_268 : memref<1x64xi32, #tpu.memory_space<vmem>> -> memref<64xi32, #tpu.memory_space<vmem>>
      %dma_start3A_270 = arith.constant 0 : i32
      %dma_start3A_271 = arith.constant 0 : i32
      %dma_start3A_272 = tpu.memref_slice %arg2[%dma_start3A_261, %dma_start3A_270, %dma_start3A_271] : memref<2x10000x64xf32, #tpu.memory_space<hbm>> -> memref<1x10000x64xf32, #tpu.memory_space<hbm>>
      %dma_start3A_273 = tpu.memref_squeeze %dma_start3A_272 : memref<1x10000x64xf32, #tpu.memory_space<hbm>> -> memref<10000x64xf32, #tpu.memory_space<hbm>>
      %dma_start3A_274 = arith.constant 0 : i32
      %dma_start3A_275 = arith.constant 0 : i32
      %dma_start3A_276 = tpu.memref_slice %dma_start3A_273[%dma_start3A_274, %dma_start3A_275] : memref<10000x64xf32, #tpu.memory_space<hbm>> -> memref<10000x64xf32, #tpu.memory_space<hbm>>
      tpu.enqueue_indirect_dma source(%dma_start3A_276 : memref<10000x64xf32, #tpu.memory_space<hbm>>) target(%dma_start3A_266 : memref<64x64xf32, #tpu.memory_space<vmem>>) offsets(%dma_start3A_269 : memref<64xi32, #tpu.memory_space<vmem>>) semaphore(%arg19 : memref<!tpu.dma_semaphore, #tpu.memory_space<semaphore_mem>>)
      %add3A_277 = arith.constant 9 : i32
      %add3A_278 = arith.addi %mul3A_115, %add3A_277 : i32
      %dma_start3A_279 = arith.constant 1 : i32
      %dma_start3A_280 = arith.constant 9 : i32
      %dma_start3A_281 = arith.constant 0 : i32
      %dma_start3A_282 = arith.constant 0 : i32
      %dma_start3A_283 = tpu.memref_slice %arg8[%dma_start3A_280, %dma_start3A_281, %dma_start3A_282] : memref<10x64x64xf32, #tpu.memory_space<vmem>> -> memref<1x64x64xf32, #tpu.memory_space<vmem>>
      %dma_start3A_284 = tpu.memref_squeeze %dma_start3A_283 : memref<1x64x64xf32, #tpu.memory_space<vmem>> -> memref<64x64xf32, #tpu.memory_space<vmem>>
      %dma_start3A_285 = arith.constant 0 : i32
      %dma_start3A_286 = tpu.memref_slice %arg6[%add3A_278, %dma_start3A_285] : memref<160x64xi32, #tpu.memory_space<vmem>> -> memref<1x64xi32, #tpu.memory_space<vmem>>
      %dma_start3A_287 = tpu.memref_squeeze %dma_start3A_286 : memref<1x64xi32, #tpu.memory_space<vmem>> -> memref<64xi32, #tpu.memory_space<vmem>>
      %dma_start3A_288 = arith.constant 0 : i32
      %dma_start3A_289 = arith.constant 0 : i32
      %dma_start3A_290 = tpu.memref_slice %arg2[%dma_start3A_279, %dma_start3A_288, %dma_start3A_289] : memref<2x10000x64xf32, #tpu.memory_space<hbm>> -> memref<1x10000x64xf32, #tpu.memory_space<hbm>>
      %dma_start3A_291 = tpu.memref_squeeze %dma_start3A_290 : memref<1x10000x64xf32, #tpu.memory_space<hbm>> -> memref<10000x64xf32, #tpu.memory_space<hbm>>
      %dma_start3A_292 = arith.constant 0 : i32
      %dma_start3A_293 = arith.constant 0 : i32
      %dma_start3A_294 = tpu.memref_slice %dma_start3A_291[%dma_start3A_292, %dma_start3A_293] : memref<10000x64xf32, #tpu.memory_space<hbm>> -> memref<10000x64xf32, #tpu.memory_space<hbm>>
      tpu.enqueue_indirect_dma source(%dma_start3A_294 : memref<10000x64xf32, #tpu.memory_space<hbm>>) target(%dma_start3A_284 : memref<64x64xf32, #tpu.memory_space<vmem>>) offsets(%dma_start3A_287 : memref<64xi32, #tpu.memory_space<vmem>>) semaphore(%arg20 : memref<!tpu.dma_semaphore, #tpu.memory_space<semaphore_mem>>)
      %dma_wait3A = arith.constant 1 : i32
      %dma_wait3A_295 = arith.constant 0 : i32
      %dma_wait3A_296 = arith.constant 0 : i32
      %dma_wait3A_297 = arith.constant 0 : i32
      %dma_wait3A_298 = tpu.memref_slice %arg8[%dma_wait3A_295, %dma_wait3A_296, %dma_wait3A_297] : memref<10x64x64xf32, #tpu.memory_space<vmem>> -> memref<1x64x64xf32, #tpu.memory_space<vmem>>
      %dma_wait3A_299 = tpu.memref_squeeze %dma_wait3A_298 : memref<1x64x64xf32, #tpu.memory_space<vmem>> -> memref<64x64xf32, #tpu.memory_space<vmem>>
      %dma_wait3A_300 = arith.constant 0 : i32
      %dma_wait3A_301 = tpu.memref_slice %arg6[%add3A_117, %dma_wait3A_300] : memref<160x64xi32, #tpu.memory_space<vmem>> -> memref<1x64xi32, #tpu.memory_space<vmem>>
      %dma_wait3A_302 = tpu.memref_squeeze %dma_wait3A_301 : memref<1x64xi32, #tpu.memory_space<vmem>> -> memref<64xi32, #tpu.memory_space<vmem>>
      %dma_wait3A_303 = arith.constant 0 : i32
      %dma_wait3A_304 = arith.constant 0 : i32
      %dma_wait3A_305 = tpu.memref_slice %arg2[%dma_wait3A, %dma_wait3A_303, %dma_wait3A_304] : memref<2x10000x64xf32, #tpu.memory_space<hbm>> -> memref<1x10000x64xf32, #tpu.memory_space<hbm>>
      %dma_wait3A_306 = tpu.memref_squeeze %dma_wait3A_305 : memref<1x10000x64xf32, #tpu.memory_space<hbm>> -> memref<10000x64xf32, #tpu.memory_space<hbm>>
      %dma_wait3A_307 = arith.constant 0 : i32
      %dma_wait3A_308 = arith.constant 0 : i32
      %dma_wait3A_309 = tpu.memref_slice %dma_wait3A_306[%dma_wait3A_307, %dma_wait3A_308] : memref<10000x64xf32, #tpu.memory_space<hbm>> -> memref<10000x64xf32, #tpu.memory_space<hbm>>
      tpu.wait_indirect_dma semaphore(%arg11 : memref<!tpu.dma_semaphore, #tpu.memory_space<semaphore_mem>>) src(%dma_wait3A_309 : memref<10000x64xf32, #tpu.memory_space<hbm>>) dst(%dma_wait3A_299 : memref<64x64xf32, #tpu.memory_space<vmem>>)
      %add3A_310 = arith.constant 0 : i32
      %add3A_311 = arith.addi %mul3A_115, %add3A_310 : i32
      %dma_start3A_312 = arith.constant 0 : i32
      %dma_start3A_313 = arith.constant 0 : i32
      %dma_start3A_314 = arith.constant 0 : i32
      %dma_start3A_315 = tpu.memref_slice %arg8[%dma_start3A_312, %dma_start3A_313, %dma_start3A_314] : memref<10x64x64xf32, #tpu.memory_space<vmem>> -> memref<1x64x64xf32, #tpu.memory_space<vmem>>
      %dma_start3A_316 = tpu.memref_squeeze %dma_start3A_315 : memref<1x64x64xf32, #tpu.memory_space<vmem>> -> memref<64x64xf32, #tpu.memory_space<vmem>>
      %dma_start3A_317 = arith.constant 0 : i32
      %dma_start3A_318 = tpu.memref_slice %arg7[%add3A_311, %dma_start3A_317] : memref<160x64xi32, #tpu.memory_space<vmem>> -> memref<1x64xi32, #tpu.memory_space<vmem>>
      %dma_start3A_319 = tpu.memref_squeeze %dma_start3A_318 : memref<1x64xi32, #tpu.memory_space<vmem>> -> memref<64xi32, #tpu.memory_space<vmem>>
      %dma_start3A_320 = arith.constant 0 : i32
      %dma_start3A_321 = arith.constant 0 : i32
      %dma_start3A_322 = tpu.memref_slice %arg10[%dma_start3A_320, %dma_start3A_321] : memref<10240x64xf32, #tpu.memory_space<vmem_shared>> -> memref<10240x64xf32, #tpu.memory_space<vmem_shared>>
      tpu.enqueue_indirect_dma source(%dma_start3A_316 : memref<64x64xf32, #tpu.memory_space<vmem>>) target(%dma_start3A_322 : memref<10240x64xf32, #tpu.memory_space<vmem_shared>>) offsets(%dma_start3A_319 : memref<64xi32, #tpu.memory_space<vmem>>) semaphore(%arg21 : memref<!tpu.dma_semaphore, #tpu.memory_space<semaphore_mem>>) {add = true}
      %dma_wait3A_323 = arith.constant 1 : i32
      %dma_wait3A_324 = arith.constant 1 : i32
      %dma_wait3A_325 = arith.constant 0 : i32
      %dma_wait3A_326 = arith.constant 0 : i32
      %dma_wait3A_327 = tpu.memref_slice %arg8[%dma_wait3A_324, %dma_wait3A_325, %dma_wait3A_326] : memref<10x64x64xf32, #tpu.memory_space<vmem>> -> memref<1x64x64xf32, #tpu.memory_space<vmem>>
      %dma_wait3A_328 = tpu.memref_squeeze %dma_wait3A_327 : memref<1x64x64xf32, #tpu.memory_space<vmem>> -> memref<64x64xf32, #tpu.memory_space<vmem>>
      %dma_wait3A_329 = arith.constant 0 : i32
      %dma_wait3A_330 = tpu.memref_slice %arg6[%add3A_134, %dma_wait3A_329] : memref<160x64xi32, #tpu.memory_space<vmem>> -> memref<1x64xi32, #tpu.memory_space<vmem>>
      %dma_wait3A_331 = tpu.memref_squeeze %dma_wait3A_330 : memref<1x64xi32, #tpu.memory_space<vmem>> -> memref<64xi32, #tpu.memory_space<vmem>>
      %dma_wait3A_332 = arith.constant 0 : i32
      %dma_wait3A_333 = arith.constant 0 : i32
      %dma_wait3A_334 = tpu.memref_slice %arg2[%dma_wait3A_323, %dma_wait3A_332, %dma_wait3A_333] : memref<2x10000x64xf32, #tpu.memory_space<hbm>> -> memref<1x10000x64xf32, #tpu.memory_space<hbm>>
      %dma_wait3A_335 = tpu.memref_squeeze %dma_wait3A_334 : memref<1x10000x64xf32, #tpu.memory_space<hbm>> -> memref<10000x64xf32, #tpu.memory_space<hbm>>
      %dma_wait3A_336 = arith.constant 0 : i32
      %dma_wait3A_337 = arith.constant 0 : i32
      %dma_wait3A_338 = tpu.memref_slice %dma_wait3A_335[%dma_wait3A_336, %dma_wait3A_337] : memref<10000x64xf32, #tpu.memory_space<hbm>> -> memref<10000x64xf32, #tpu.memory_space<hbm>>
      tpu.wait_indirect_dma semaphore(%arg12 : memref<!tpu.dma_semaphore, #tpu.memory_space<semaphore_mem>>) src(%dma_wait3A_338 : memref<10000x64xf32, #tpu.memory_space<hbm>>) dst(%dma_wait3A_328 : memref<64x64xf32, #tpu.memory_space<vmem>>)
      %add3A_339 = arith.constant 1 : i32
      %add3A_340 = arith.addi %mul3A_115, %add3A_339 : i32
      %dma_start3A_341 = arith.constant 1 : i32
      %dma_start3A_342 = arith.constant 0 : i32
      %dma_start3A_343 = arith.constant 0 : i32
      %dma_start3A_344 = tpu.memref_slice %arg8[%dma_start3A_341, %dma_start3A_342, %dma_start3A_343] : memref<10x64x64xf32, #tpu.memory_space<vmem>> -> memref<1x64x64xf32, #tpu.memory_space<vmem>>
      %dma_start3A_345 = tpu.memref_squeeze %dma_start3A_344 : memref<1x64x64xf32, #tpu.memory_space<vmem>> -> memref<64x64xf32, #tpu.memory_space<vmem>>
      %dma_start3A_346 = arith.constant 0 : i32
      %dma_start3A_347 = tpu.memref_slice %arg7[%add3A_340, %dma_start3A_346] : memref<160x64xi32, #tpu.memory_space<vmem>> -> memref<1x64xi32, #tpu.memory_space<vmem>>
      %dma_start3A_348 = tpu.memref_squeeze %dma_start3A_347 : memref<1x64xi32, #tpu.memory_space<vmem>> -> memref<64xi32, #tpu.memory_space<vmem>>
      %dma_start3A_349 = arith.constant 0 : i32
      %dma_start3A_350 = arith.constant 0 : i32
      %dma_start3A_351 = tpu.memref_slice %arg10[%dma_start3A_349, %dma_start3A_350] : memref<10240x64xf32, #tpu.memory_space<vmem_shared>> -> memref<10240x64xf32, #tpu.memory_space<vmem_shared>>
      tpu.enqueue_indirect_dma source(%dma_start3A_345 : memref<64x64xf32, #tpu.memory_space<vmem>>) target(%dma_start3A_351 : memref<10240x64xf32, #tpu.memory_space<vmem_shared>>) offsets(%dma_start3A_348 : memref<64xi32, #tpu.memory_space<vmem>>) semaphore(%arg22 : memref<!tpu.dma_semaphore, #tpu.memory_space<semaphore_mem>>) {add = true}
      %dma_wait3A_352 = arith.constant 1 : i32
      %dma_wait3A_353 = arith.constant 2 : i32
      %dma_wait3A_354 = arith.constant 0 : i32
      %dma_wait3A_355 = arith.constant 0 : i32
      %dma_wait3A_356 = tpu.memref_slice %arg8[%dma_wait3A_353, %dma_wait3A_354, %dma_wait3A_355] : memref<10x64x64xf32, #tpu.memory_space<vmem>> -> memref<1x64x64xf32, #tpu.memory_space<vmem>>
      %dma_wait3A_357 = tpu.memref_squeeze %dma_wait3A_356 : memref<1x64x64xf32, #tpu.memory_space<vmem>> -> memref<64x64xf32, #tpu.memory_space<vmem>>
      %dma_wait3A_358 = arith.constant 0 : i32
      %dma_wait3A_359 = tpu.memref_slice %arg6[%add3A_152, %dma_wait3A_358] : memref<160x64xi32, #tpu.memory_space<vmem>> -> memref<1x64xi32, #tpu.memory_space<vmem>>
      %dma_wait3A_360 = tpu.memref_squeeze %dma_wait3A_359 : memref<1x64xi32, #tpu.memory_space<vmem>> -> memref<64xi32, #tpu.memory_space<vmem>>
      %dma_wait3A_361 = arith.constant 0 : i32
      %dma_wait3A_362 = arith.constant 0 : i32
      %dma_wait3A_363 = tpu.memref_slice %arg2[%dma_wait3A_352, %dma_wait3A_361, %dma_wait3A_362] : memref<2x10000x64xf32, #tpu.memory_space<hbm>> -> memref<1x10000x64xf32, #tpu.memory_space<hbm>>
      %dma_wait3A_364 = tpu.memref_squeeze %dma_wait3A_363 : memref<1x10000x64xf32, #tpu.memory_space<hbm>> -> memref<10000x64xf32, #tpu.memory_space<hbm>>
      %dma_wait3A_365 = arith.constant 0 : i32
      %dma_wait3A_366 = arith.constant 0 : i32
      %dma_wait3A_367 = tpu.memref_slice %dma_wait3A_364[%dma_wait3A_365, %dma_wait3A_366] : memref<10000x64xf32, #tpu.memory_space<hbm>> -> memref<10000x64xf32, #tpu.memory_space<hbm>>
      tpu.wait_indirect_dma semaphore(%arg13 : memref<!tpu.dma_semaphore, #tpu.memory_space<semaphore_mem>>) src(%dma_wait3A_367 : memref<10000x64xf32, #tpu.memory_space<hbm>>) dst(%dma_wait3A_357 : memref<64x64xf32, #tpu.memory_space<vmem>>)
      %add3A_368 = arith.constant 2 : i32
      %add3A_369 = arith.addi %mul3A_115, %add3A_368 : i32
      %dma_start3A_370 = arith.constant 2 : i32
      %dma_start3A_371 = arith.constant 0 : i32
      %dma_start3A_372 = arith.constant 0 : i32
      %dma_start3A_373 = tpu.memref_slice %arg8[%dma_start3A_370, %dma_start3A_371, %dma_start3A_372] : memref<10x64x64xf32, #tpu.memory_space<vmem>> -> memref<1x64x64xf32, #tpu.memory_space<vmem>>
      %dma_start3A_374 = tpu.memref_squeeze %dma_start3A_373 : memref<1x64x64xf32, #tpu.memory_space<vmem>> -> memref<64x64xf32, #tpu.memory_space<vmem>>
      %dma_start3A_375 = arith.constant 0 : i32
      %dma_start3A_376 = tpu.memref_slice %arg7[%add3A_369, %dma_start3A_375] : memref<160x64xi32, #tpu.memory_space<vmem>> -> memref<1x64xi32, #tpu.memory_space<vmem>>
      %dma_start3A_377 = tpu.memref_squeeze %dma_start3A_376 : memref<1x64xi32, #tpu.memory_space<vmem>> -> memref<64xi32, #tpu.memory_space<vmem>>
      %dma_start3A_378 = arith.constant 0 : i32
      %dma_start3A_379 = arith.constant 0 : i32
      %dma_start3A_380 = tpu.memref_slice %arg10[%dma_start3A_378, %dma_start3A_379] : memref<10240x64xf32, #tpu.memory_space<vmem_shared>> -> memref<10240x64xf32, #tpu.memory_space<vmem_shared>>
      tpu.enqueue_indirect_dma source(%dma_start3A_374 : memref<64x64xf32, #tpu.memory_space<vmem>>) target(%dma_start3A_380 : memref<10240x64xf32, #tpu.memory_space<vmem_shared>>) offsets(%dma_start3A_377 : memref<64xi32, #tpu.memory_space<vmem>>) semaphore(%arg23 : memref<!tpu.dma_semaphore, #tpu.memory_space<semaphore_mem>>) {add = true}
      %dma_wait3A_381 = arith.constant 1 : i32
      %dma_wait3A_382 = arith.constant 3 : i32
      %dma_wait3A_383 = arith.constant 0 : i32
      %dma_wait3A_384 = arith.constant 0 : i32
      %dma_wait3A_385 = tpu.memref_slice %arg8[%dma_wait3A_382, %dma_wait3A_383, %dma_wait3A_384] : memref<10x64x64xf32, #tpu.memory_space<vmem>> -> memref<1x64x64xf32, #tpu.memory_space<vmem>>
      %dma_wait3A_386 = tpu.memref_squeeze %dma_wait3A_385 : memref<1x64x64xf32, #tpu.memory_space<vmem>> -> memref<64x64xf32, #tpu.memory_space<vmem>>
      %dma_wait3A_387 = arith.constant 0 : i32
      %dma_wait3A_388 = tpu.memref_slice %arg6[%add3A_170, %dma_wait3A_387] : memref<160x64xi32, #tpu.memory_space<vmem>> -> memref<1x64xi32, #tpu.memory_space<vmem>>
      %dma_wait3A_389 = tpu.memref_squeeze %dma_wait3A_388 : memref<1x64xi32, #tpu.memory_space<vmem>> -> memref<64xi32, #tpu.memory_space<vmem>>
      %dma_wait3A_390 = arith.constant 0 : i32
      %dma_wait3A_391 = arith.constant 0 : i32
      %dma_wait3A_392 = tpu.memref_slice %arg2[%dma_wait3A_381, %dma_wait3A_390, %dma_wait3A_391] : memref<2x10000x64xf32, #tpu.memory_space<hbm>> -> memref<1x10000x64xf32, #tpu.memory_space<hbm>>
      %dma_wait3A_393 = tpu.memref_squeeze %dma_wait3A_392 : memref<1x10000x64xf32, #tpu.memory_space<hbm>> -> memref<10000x64xf32, #tpu.memory_space<hbm>>
      %dma_wait3A_394 = arith.constant 0 : i32
      %dma_wait3A_395 = arith.constant 0 : i32
      %dma_wait3A_396 = tpu.memref_slice %dma_wait3A_393[%dma_wait3A_394, %dma_wait3A_395] : memref<10000x64xf32, #tpu.memory_space<hbm>> -> memref<10000x64xf32, #tpu.memory_space<hbm>>
      tpu.wait_indirect_dma semaphore(%arg14 : memref<!tpu.dma_semaphore, #tpu.memory_space<semaphore_mem>>) src(%dma_wait3A_396 : memref<10000x64xf32, #tpu.memory_space<hbm>>) dst(%dma_wait3A_386 : memref<64x64xf32, #tpu.memory_space<vmem>>)
      %add3A_397 = arith.constant 3 : i32
      %add3A_398 = arith.addi %mul3A_115, %add3A_397 : i32
      %dma_start3A_399 = arith.constant 3 : i32
      %dma_start3A_400 = arith.constant 0 : i32
      %dma_start3A_401 = arith.constant 0 : i32
      %dma_start3A_402 = tpu.memref_slice %arg8[%dma_start3A_399, %dma_start3A_400, %dma_start3A_401] : memref<10x64x64xf32, #tpu.memory_space<vmem>> -> memref<1x64x64xf32, #tpu.memory_space<vmem>>
      %dma_start3A_403 = tpu.memref_squeeze %dma_start3A_402 : memref<1x64x64xf32, #tpu.memory_space<vmem>> -> memref<64x64xf32, #tpu.memory_space<vmem>>
      %dma_start3A_404 = arith.constant 0 : i32
      %dma_start3A_405 = tpu.memref_slice %arg7[%add3A_398, %dma_start3A_404] : memref<160x64xi32, #tpu.memory_space<vmem>> -> memref<1x64xi32, #tpu.memory_space<vmem>>
      %dma_start3A_406 = tpu.memref_squeeze %dma_start3A_405 : memref<1x64xi32, #tpu.memory_space<vmem>> -> memref<64xi32, #tpu.memory_space<vmem>>
      %dma_start3A_407 = arith.constant 0 : i32
      %dma_start3A_408 = arith.constant 0 : i32
      %dma_start3A_409 = tpu.memref_slice %arg10[%dma_start3A_407, %dma_start3A_408] : memref<10240x64xf32, #tpu.memory_space<vmem_shared>> -> memref<10240x64xf32, #tpu.memory_space<vmem_shared>>
      tpu.enqueue_indirect_dma source(%dma_start3A_403 : memref<64x64xf32, #tpu.memory_space<vmem>>) target(%dma_start3A_409 : memref<10240x64xf32, #tpu.memory_space<vmem_shared>>) offsets(%dma_start3A_406 : memref<64xi32, #tpu.memory_space<vmem>>) semaphore(%arg24 : memref<!tpu.dma_semaphore, #tpu.memory_space<semaphore_mem>>) {add = true}
      %dma_wait3A_410 = arith.constant 1 : i32
      %dma_wait3A_411 = arith.constant 4 : i32
      %dma_wait3A_412 = arith.constant 0 : i32
      %dma_wait3A_413 = arith.constant 0 : i32
      %dma_wait3A_414 = tpu.memref_slice %arg8[%dma_wait3A_411, %dma_wait3A_412, %dma_wait3A_413] : memref<10x64x64xf32, #tpu.memory_space<vmem>> -> memref<1x64x64xf32, #tpu.memory_space<vmem>>
      %dma_wait3A_415 = tpu.memref_squeeze %dma_wait3A_414 : memref<1x64x64xf32, #tpu.memory_space<vmem>> -> memref<64x64xf32, #tpu.memory_space<vmem>>
      %dma_wait3A_416 = arith.constant 0 : i32
      %dma_wait3A_417 = tpu.memref_slice %arg6[%add3A_188, %dma_wait3A_416] : memref<160x64xi32, #tpu.memory_space<vmem>> -> memref<1x64xi32, #tpu.memory_space<vmem>>
      %dma_wait3A_418 = tpu.memref_squeeze %dma_wait3A_417 : memref<1x64xi32, #tpu.memory_space<vmem>> -> memref<64xi32, #tpu.memory_space<vmem>>
      %dma_wait3A_419 = arith.constant 0 : i32
      %dma_wait3A_420 = arith.constant 0 : i32
      %dma_wait3A_421 = tpu.memref_slice %arg2[%dma_wait3A_410, %dma_wait3A_419, %dma_wait3A_420] : memref<2x10000x64xf32, #tpu.memory_space<hbm>> -> memref<1x10000x64xf32, #tpu.memory_space<hbm>>
      %dma_wait3A_422 = tpu.memref_squeeze %dma_wait3A_421 : memref<1x10000x64xf32, #tpu.memory_space<hbm>> -> memref<10000x64xf32, #tpu.memory_space<hbm>>
      %dma_wait3A_423 = arith.constant 0 : i32
      %dma_wait3A_424 = arith.constant 0 : i32
      %dma_wait3A_425 = tpu.memref_slice %dma_wait3A_422[%dma_wait3A_423, %dma_wait3A_424] : memref<10000x64xf32, #tpu.memory_space<hbm>> -> memref<10000x64xf32, #tpu.memory_space<hbm>>
      tpu.wait_indirect_dma semaphore(%arg15 : memref<!tpu.dma_semaphore, #tpu.memory_space<semaphore_mem>>) src(%dma_wait3A_425 : memref<10000x64xf32, #tpu.memory_space<hbm>>) dst(%dma_wait3A_415 : memref<64x64xf32, #tpu.memory_space<vmem>>)
      %add3A_426 = arith.constant 4 : i32
      %add3A_427 = arith.addi %mul3A_115, %add3A_426 : i32
      %dma_start3A_428 = arith.constant 4 : i32
      %dma_start3A_429 = arith.constant 0 : i32
      %dma_start3A_430 = arith.constant 0 : i32
      %dma_start3A_431 = tpu.memref_slice %arg8[%dma_start3A_428, %dma_start3A_429, %dma_start3A_430] : memref<10x64x64xf32, #tpu.memory_space<vmem>> -> memref<1x64x64xf32, #tpu.memory_space<vmem>>
      %dma_start3A_432 = tpu.memref_squeeze %dma_start3A_431 : memref<1x64x64xf32, #tpu.memory_space<vmem>> -> memref<64x64xf32, #tpu.memory_space<vmem>>
      %dma_start3A_433 = arith.constant 0 : i32
      %dma_start3A_434 = tpu.memref_slice %arg7[%add3A_427, %dma_start3A_433] : memref<160x64xi32, #tpu.memory_space<vmem>> -> memref<1x64xi32, #tpu.memory_space<vmem>>
      %dma_start3A_435 = tpu.memref_squeeze %dma_start3A_434 : memref<1x64xi32, #tpu.memory_space<vmem>> -> memref<64xi32, #tpu.memory_space<vmem>>
      %dma_start3A_436 = arith.constant 0 : i32
      %dma_start3A_437 = arith.constant 0 : i32
      %dma_start3A_438 = tpu.memref_slice %arg10[%dma_start3A_436, %dma_start3A_437] : memref<10240x64xf32, #tpu.memory_space<vmem_shared>> -> memref<10240x64xf32, #tpu.memory_space<vmem_shared>>
      tpu.enqueue_indirect_dma source(%dma_start3A_432 : memref<64x64xf32, #tpu.memory_space<vmem>>) target(%dma_start3A_438 : memref<10240x64xf32, #tpu.memory_space<vmem_shared>>) offsets(%dma_start3A_435 : memref<64xi32, #tpu.memory_space<vmem>>) semaphore(%arg25 : memref<!tpu.dma_semaphore, #tpu.memory_space<semaphore_mem>>) {add = true}
      %dma_wait3A_439 = arith.constant 1 : i32
      %dma_wait3A_440 = arith.constant 5 : i32
      %dma_wait3A_441 = arith.constant 0 : i32
      %dma_wait3A_442 = arith.constant 0 : i32
      %dma_wait3A_443 = tpu.memref_slice %arg8[%dma_wait3A_440, %dma_wait3A_441, %dma_wait3A_442] : memref<10x64x64xf32, #tpu.memory_space<vmem>> -> memref<1x64x64xf32, #tpu.memory_space<vmem>>
      %dma_wait3A_444 = tpu.memref_squeeze %dma_wait3A_443 : memref<1x64x64xf32, #tpu.memory_space<vmem>> -> memref<64x64xf32, #tpu.memory_space<vmem>>
      %dma_wait3A_445 = arith.constant 0 : i32
      %dma_wait3A_446 = tpu.memref_slice %arg6[%add3A_206, %dma_wait3A_445] : memref<160x64xi32, #tpu.memory_space<vmem>> -> memref<1x64xi32, #tpu.memory_space<vmem>>
      %dma_wait3A_447 = tpu.memref_squeeze %dma_wait3A_446 : memref<1x64xi32, #tpu.memory_space<vmem>> -> memref<64xi32, #tpu.memory_space<vmem>>
      %dma_wait3A_448 = arith.constant 0 : i32
      %dma_wait3A_449 = arith.constant 0 : i32
      %dma_wait3A_450 = tpu.memref_slice %arg2[%dma_wait3A_439, %dma_wait3A_448, %dma_wait3A_449] : memref<2x10000x64xf32, #tpu.memory_space<hbm>> -> memref<1x10000x64xf32, #tpu.memory_space<hbm>>
      %dma_wait3A_451 = tpu.memref_squeeze %dma_wait3A_450 : memref<1x10000x64xf32, #tpu.memory_space<hbm>> -> memref<10000x64xf32, #tpu.memory_space<hbm>>
      %dma_wait3A_452 = arith.constant 0 : i32
      %dma_wait3A_453 = arith.constant 0 : i32
      %dma_wait3A_454 = tpu.memref_slice %dma_wait3A_451[%dma_wait3A_452, %dma_wait3A_453] : memref<10000x64xf32, #tpu.memory_space<hbm>> -> memref<10000x64xf32, #tpu.memory_space<hbm>>
      tpu.wait_indirect_dma semaphore(%arg16 : memref<!tpu.dma_semaphore, #tpu.memory_space<semaphore_mem>>) src(%dma_wait3A_454 : memref<10000x64xf32, #tpu.memory_space<hbm>>) dst(%dma_wait3A_444 : memref<64x64xf32, #tpu.memory_space<vmem>>)
      %add3A_455 = arith.constant 5 : i32
      %add3A_456 = arith.addi %mul3A_115, %add3A_455 : i32
      %dma_start3A_457 = arith.constant 5 : i32
      %dma_start3A_458 = arith.constant 0 : i32
      %dma_start3A_459 = arith.constant 0 : i32
      %dma_start3A_460 = tpu.memref_slice %arg8[%dma_start3A_457, %dma_start3A_458, %dma_start3A_459] : memref<10x64x64xf32, #tpu.memory_space<vmem>> -> memref<1x64x64xf32, #tpu.memory_space<vmem>>
      %dma_start3A_461 = tpu.memref_squeeze %dma_start3A_460 : memref<1x64x64xf32, #tpu.memory_space<vmem>> -> memref<64x64xf32, #tpu.memory_space<vmem>>
      %dma_start3A_462 = arith.constant 0 : i32
      %dma_start3A_463 = tpu.memref_slice %arg7[%add3A_456, %dma_start3A_462] : memref<160x64xi32, #tpu.memory_space<vmem>> -> memref<1x64xi32, #tpu.memory_space<vmem>>
      %dma_start3A_464 = tpu.memref_squeeze %dma_start3A_463 : memref<1x64xi32, #tpu.memory_space<vmem>> -> memref<64xi32, #tpu.memory_space<vmem>>
      %dma_start3A_465 = arith.constant 0 : i32
      %dma_start3A_466 = arith.constant 0 : i32
      %dma_start3A_467 = tpu.memref_slice %arg10[%dma_start3A_465, %dma_start3A_466] : memref<10240x64xf32, #tpu.memory_space<vmem_shared>> -> memref<10240x64xf32, #tpu.memory_space<vmem_shared>>
      tpu.enqueue_indirect_dma source(%dma_start3A_461 : memref<64x64xf32, #tpu.memory_space<vmem>>) target(%dma_start3A_467 : memref<10240x64xf32, #tpu.memory_space<vmem_shared>>) offsets(%dma_start3A_464 : memref<64xi32, #tpu.memory_space<vmem>>) semaphore(%arg26 : memref<!tpu.dma_semaphore, #tpu.memory_space<semaphore_mem>>) {add = true}
      %dma_wait3A_468 = arith.constant 1 : i32
      %dma_wait3A_469 = arith.constant 6 : i32
      %dma_wait3A_470 = arith.constant 0 : i32
      %dma_wait3A_471 = arith.constant 0 : i32
      %dma_wait3A_472 = tpu.memref_slice %arg8[%dma_wait3A_469, %dma_wait3A_470, %dma_wait3A_471] : memref<10x64x64xf32, #tpu.memory_space<vmem>> -> memref<1x64x64xf32, #tpu.memory_space<vmem>>
      %dma_wait3A_473 = tpu.memref_squeeze %dma_wait3A_472 : memref<1x64x64xf32, #tpu.memory_space<vmem>> -> memref<64x64xf32, #tpu.memory_space<vmem>>
      %dma_wait3A_474 = arith.constant 0 : i32
      %dma_wait3A_475 = tpu.memref_slice %arg6[%add3A_224, %dma_wait3A_474] : memref<160x64xi32, #tpu.memory_space<vmem>> -> memref<1x64xi32, #tpu.memory_space<vmem>>
      %dma_wait3A_476 = tpu.memref_squeeze %dma_wait3A_475 : memref<1x64xi32, #tpu.memory_space<vmem>> -> memref<64xi32, #tpu.memory_space<vmem>>
      %dma_wait3A_477 = arith.constant 0 : i32
      %dma_wait3A_478 = arith.constant 0 : i32
      %dma_wait3A_479 = tpu.memref_slice %arg2[%dma_wait3A_468, %dma_wait3A_477, %dma_wait3A_478] : memref<2x10000x64xf32, #tpu.memory_space<hbm>> -> memref<1x10000x64xf32, #tpu.memory_space<hbm>>
      %dma_wait3A_480 = tpu.memref_squeeze %dma_wait3A_479 : memref<1x10000x64xf32, #tpu.memory_space<hbm>> -> memref<10000x64xf32, #tpu.memory_space<hbm>>
      %dma_wait3A_481 = arith.constant 0 : i32
      %dma_wait3A_482 = arith.constant 0 : i32
      %dma_wait3A_483 = tpu.memref_slice %dma_wait3A_480[%dma_wait3A_481, %dma_wait3A_482] : memref<10000x64xf32, #tpu.memory_space<hbm>> -> memref<10000x64xf32, #tpu.memory_space<hbm>>
      tpu.wait_indirect_dma semaphore(%arg17 : memref<!tpu.dma_semaphore, #tpu.memory_space<semaphore_mem>>) src(%dma_wait3A_483 : memref<10000x64xf32, #tpu.memory_space<hbm>>) dst(%dma_wait3A_473 : memref<64x64xf32, #tpu.memory_space<vmem>>)
      %add3A_484 = arith.constant 6 : i32
      %add3A_485 = arith.addi %mul3A_115, %add3A_484 : i32
      %dma_start3A_486 = arith.constant 6 : i32
      %dma_start3A_487 = arith.constant 0 : i32
      %dma_start3A_488 = arith.constant 0 : i32
      %dma_start3A_489 = tpu.memref_slice %arg8[%dma_start3A_486, %dma_start3A_487, %dma_start3A_488] : memref<10x64x64xf32, #tpu.memory_space<vmem>> -> memref<1x64x64xf32, #tpu.memory_space<vmem>>
      %dma_start3A_490 = tpu.memref_squeeze %dma_start3A_489 : memref<1x64x64xf32, #tpu.memory_space<vmem>> -> memref<64x64xf32, #tpu.memory_space<vmem>>
      %dma_start3A_491 = arith.constant 0 : i32
      %dma_start3A_492 = tpu.memref_slice %arg7[%add3A_485, %dma_start3A_491] : memref<160x64xi32, #tpu.memory_space<vmem>> -> memref<1x64xi32, #tpu.memory_space<vmem>>
      %dma_start3A_493 = tpu.memref_squeeze %dma_start3A_492 : memref<1x64xi32, #tpu.memory_space<vmem>> -> memref<64xi32, #tpu.memory_space<vmem>>
      %dma_start3A_494 = arith.constant 0 : i32
      %dma_start3A_495 = arith.constant 0 : i32
      %dma_start3A_496 = tpu.memref_slice %arg10[%dma_start3A_494, %dma_start3A_495] : memref<10240x64xf32, #tpu.memory_space<vmem_shared>> -> memref<10240x64xf32, #tpu.memory_space<vmem_shared>>
      tpu.enqueue_indirect_dma source(%dma_start3A_490 : memref<64x64xf32, #tpu.memory_space<vmem>>) target(%dma_start3A_496 : memref<10240x64xf32, #tpu.memory_space<vmem_shared>>) offsets(%dma_start3A_493 : memref<64xi32, #tpu.memory_space<vmem>>) semaphore(%arg27 : memref<!tpu.dma_semaphore, #tpu.memory_space<semaphore_mem>>) {add = true}
      %dma_wait3A_497 = arith.constant 1 : i32
      %dma_wait3A_498 = arith.constant 7 : i32
      %dma_wait3A_499 = arith.constant 0 : i32
      %dma_wait3A_500 = arith.constant 0 : i32
      %dma_wait3A_501 = tpu.memref_slice %arg8[%dma_wait3A_498, %dma_wait3A_499, %dma_wait3A_500] : memref<10x64x64xf32, #tpu.memory_space<vmem>> -> memref<1x64x64xf32, #tpu.memory_space<vmem>>
      %dma_wait3A_502 = tpu.memref_squeeze %dma_wait3A_501 : memref<1x64x64xf32, #tpu.memory_space<vmem>> -> memref<64x64xf32, #tpu.memory_space<vmem>>
      %dma_wait3A_503 = arith.constant 0 : i32
      %dma_wait3A_504 = tpu.memref_slice %arg6[%add3A_242, %dma_wait3A_503] : memref<160x64xi32, #tpu.memory_space<vmem>> -> memref<1x64xi32, #tpu.memory_space<vmem>>
      %dma_wait3A_505 = tpu.memref_squeeze %dma_wait3A_504 : memref<1x64xi32, #tpu.memory_space<vmem>> -> memref<64xi32, #tpu.memory_space<vmem>>
      %dma_wait3A_506 = arith.constant 0 : i32
      %dma_wait3A_507 = arith.constant 0 : i32
      %dma_wait3A_508 = tpu.memref_slice %arg2[%dma_wait3A_497, %dma_wait3A_506, %dma_wait3A_507] : memref<2x10000x64xf32, #tpu.memory_space<hbm>> -> memref<1x10000x64xf32, #tpu.memory_space<hbm>>
      %dma_wait3A_509 = tpu.memref_squeeze %dma_wait3A_508 : memref<1x10000x64xf32, #tpu.memory_space<hbm>> -> memref<10000x64xf32, #tpu.memory_space<hbm>>
      %dma_wait3A_510 = arith.constant 0 : i32
      %dma_wait3A_511 = arith.constant 0 : i32
      %dma_wait3A_512 = tpu.memref_slice %dma_wait3A_509[%dma_wait3A_510, %dma_wait3A_511] : memref<10000x64xf32, #tpu.memory_space<hbm>> -> memref<10000x64xf32, #tpu.memory_space<hbm>>
      tpu.wait_indirect_dma semaphore(%arg18 : memref<!tpu.dma_semaphore, #tpu.memory_space<semaphore_mem>>) src(%dma_wait3A_512 : memref<10000x64xf32, #tpu.memory_space<hbm>>) dst(%dma_wait3A_502 : memref<64x64xf32, #tpu.memory_space<vmem>>)
      %add3A_513 = arith.constant 7 : i32
      %add3A_514 = arith.addi %mul3A_115, %add3A_513 : i32
      %dma_start3A_515 = arith.constant 7 : i32
      %dma_start3A_516 = arith.constant 0 : i32
      %dma_start3A_517 = arith.constant 0 : i32
      %dma_start3A_518 = tpu.memref_slice %arg8[%dma_start3A_515, %dma_start3A_516, %dma_start3A_517] : memref<10x64x64xf32, #tpu.memory_space<vmem>> -> memref<1x64x64xf32, #tpu.memory_space<vmem>>
      %dma_start3A_519 = tpu.memref_squeeze %dma_start3A_518 : memref<1x64x64xf32, #tpu.memory_space<vmem>> -> memref<64x64xf32, #tpu.memory_space<vmem>>
      %dma_start3A_520 = arith.constant 0 : i32
      %dma_start3A_521 = tpu.memref_slice %arg7[%add3A_514, %dma_start3A_520] : memref<160x64xi32, #tpu.memory_space<vmem>> -> memref<1x64xi32, #tpu.memory_space<vmem>>
      %dma_start3A_522 = tpu.memref_squeeze %dma_start3A_521 : memref<1x64xi32, #tpu.memory_space<vmem>> -> memref<64xi32, #tpu.memory_space<vmem>>
      %dma_start3A_523 = arith.constant 0 : i32
      %dma_start3A_524 = arith.constant 0 : i32
      %dma_start3A_525 = tpu.memref_slice %arg10[%dma_start3A_523, %dma_start3A_524] : memref<10240x64xf32, #tpu.memory_space<vmem_shared>> -> memref<10240x64xf32, #tpu.memory_space<vmem_shared>>
      tpu.enqueue_indirect_dma source(%dma_start3A_519 : memref<64x64xf32, #tpu.memory_space<vmem>>) target(%dma_start3A_525 : memref<10240x64xf32, #tpu.memory_space<vmem_shared>>) offsets(%dma_start3A_522 : memref<64xi32, #tpu.memory_space<vmem>>) semaphore(%arg28 : memref<!tpu.dma_semaphore, #tpu.memory_space<semaphore_mem>>) {add = true}
      %dma_wait3A_526 = arith.constant 1 : i32
      %dma_wait3A_527 = arith.constant 8 : i32
      %dma_wait3A_528 = arith.constant 0 : i32
      %dma_wait3A_529 = arith.constant 0 : i32
      %dma_wait3A_530 = tpu.memref_slice %arg8[%dma_wait3A_527, %dma_wait3A_528, %dma_wait3A_529] : memref<10x64x64xf32, #tpu.memory_space<vmem>> -> memref<1x64x64xf32, #tpu.memory_space<vmem>>
      %dma_wait3A_531 = tpu.memref_squeeze %dma_wait3A_530 : memref<1x64x64xf32, #tpu.memory_space<vmem>> -> memref<64x64xf32, #tpu.memory_space<vmem>>
      %dma_wait3A_532 = arith.constant 0 : i32
      %dma_wait3A_533 = tpu.memref_slice %arg6[%add3A_260, %dma_wait3A_532] : memref<160x64xi32, #tpu.memory_space<vmem>> -> memref<1x64xi32, #tpu.memory_space<vmem>>
      %dma_wait3A_534 = tpu.memref_squeeze %dma_wait3A_533 : memref<1x64xi32, #tpu.memory_space<vmem>> -> memref<64xi32, #tpu.memory_space<vmem>>
      %dma_wait3A_535 = arith.constant 0 : i32
      %dma_wait3A_536 = arith.constant 0 : i32
      %dma_wait3A_537 = tpu.memref_slice %arg2[%dma_wait3A_526, %dma_wait3A_535, %dma_wait3A_536] : memref<2x10000x64xf32, #tpu.memory_space<hbm>> -> memref<1x10000x64xf32, #tpu.memory_space<hbm>>
      %dma_wait3A_538 = tpu.memref_squeeze %dma_wait3A_537 : memref<1x10000x64xf32, #tpu.memory_space<hbm>> -> memref<10000x64xf32, #tpu.memory_space<hbm>>
      %dma_wait3A_539 = arith.constant 0 : i32
      %dma_wait3A_540 = arith.constant 0 : i32
      %dma_wait3A_541 = tpu.memref_slice %dma_wait3A_538[%dma_wait3A_539, %dma_wait3A_540] : memref<10000x64xf32, #tpu.memory_space<hbm>> -> memref<10000x64xf32, #tpu.memory_space<hbm>>
      tpu.wait_indirect_dma semaphore(%arg19 : memref<!tpu.dma_semaphore, #tpu.memory_space<semaphore_mem>>) src(%dma_wait3A_541 : memref<10000x64xf32, #tpu.memory_space<hbm>>) dst(%dma_wait3A_531 : memref<64x64xf32, #tpu.memory_space<vmem>>)
      %add3A_542 = arith.constant 8 : i32
      %add3A_543 = arith.addi %mul3A_115, %add3A_542 : i32
      %dma_start3A_544 = arith.constant 8 : i32
      %dma_start3A_545 = arith.constant 0 : i32
      %dma_start3A_546 = arith.constant 0 : i32
      %dma_start3A_547 = tpu.memref_slice %arg8[%dma_start3A_544, %dma_start3A_545, %dma_start3A_546] : memref<10x64x64xf32, #tpu.memory_space<vmem>> -> memref<1x64x64xf32, #tpu.memory_space<vmem>>
      %dma_start3A_548 = tpu.memref_squeeze %dma_start3A_547 : memref<1x64x64xf32, #tpu.memory_space<vmem>> -> memref<64x64xf32, #tpu.memory_space<vmem>>
      %dma_start3A_549 = arith.constant 0 : i32
      %dma_start3A_550 = tpu.memref_slice %arg7[%add3A_543, %dma_start3A_549] : memref<160x64xi32, #tpu.memory_space<vmem>> -> memref<1x64xi32, #tpu.memory_space<vmem>>
      %dma_start3A_551 = tpu.memref_squeeze %dma_start3A_550 : memref<1x64xi32, #tpu.memory_space<vmem>> -> memref<64xi32, #tpu.memory_space<vmem>>
      %dma_start3A_552 = arith.constant 0 : i32
      %dma_start3A_553 = arith.constant 0 : i32
      %dma_start3A_554 = tpu.memref_slice %arg10[%dma_start3A_552, %dma_start3A_553] : memref<10240x64xf32, #tpu.memory_space<vmem_shared>> -> memref<10240x64xf32, #tpu.memory_space<vmem_shared>>
      tpu.enqueue_indirect_dma source(%dma_start3A_548 : memref<64x64xf32, #tpu.memory_space<vmem>>) target(%dma_start3A_554 : memref<10240x64xf32, #tpu.memory_space<vmem_shared>>) offsets(%dma_start3A_551 : memref<64xi32, #tpu.memory_space<vmem>>) semaphore(%arg29 : memref<!tpu.dma_semaphore, #tpu.memory_space<semaphore_mem>>) {add = true}
      %dma_wait3A_555 = arith.constant 1 : i32
      %dma_wait3A_556 = arith.constant 9 : i32
      %dma_wait3A_557 = arith.constant 0 : i32
      %dma_wait3A_558 = arith.constant 0 : i32
      %dma_wait3A_559 = tpu.memref_slice %arg8[%dma_wait3A_556, %dma_wait3A_557, %dma_wait3A_558] : memref<10x64x64xf32, #tpu.memory_space<vmem>> -> memref<1x64x64xf32, #tpu.memory_space<vmem>>
      %dma_wait3A_560 = tpu.memref_squeeze %dma_wait3A_559 : memref<1x64x64xf32, #tpu.memory_space<vmem>> -> memref<64x64xf32, #tpu.memory_space<vmem>>
      %dma_wait3A_561 = arith.constant 0 : i32
      %dma_wait3A_562 = tpu.memref_slice %arg6[%add3A_278, %dma_wait3A_561] : memref<160x64xi32, #tpu.memory_space<vmem>> -> memref<1x64xi32, #tpu.memory_space<vmem>>
      %dma_wait3A_563 = tpu.memref_squeeze %dma_wait3A_562 : memref<1x64xi32, #tpu.memory_space<vmem>> -> memref<64xi32, #tpu.memory_space<vmem>>
      %dma_wait3A_564 = arith.constant 0 : i32
      %dma_wait3A_565 = arith.constant 0 : i32
      %dma_wait3A_566 = tpu.memref_slice %arg2[%dma_wait3A_555, %dma_wait3A_564, %dma_wait3A_565] : memref<2x10000x64xf32, #tpu.memory_space<hbm>> -> memref<1x10000x64xf32, #tpu.memory_space<hbm>>
      %dma_wait3A_567 = tpu.memref_squeeze %dma_wait3A_566 : memref<1x10000x64xf32, #tpu.memory_space<hbm>> -> memref<10000x64xf32, #tpu.memory_space<hbm>>
      %dma_wait3A_568 = arith.constant 0 : i32
      %dma_wait3A_569 = arith.constant 0 : i32
      %dma_wait3A_570 = tpu.memref_slice %dma_wait3A_567[%dma_wait3A_568, %dma_wait3A_569] : memref<10000x64xf32, #tpu.memory_space<hbm>> -> memref<10000x64xf32, #tpu.memory_space<hbm>>
      tpu.wait_indirect_dma semaphore(%arg20 : memref<!tpu.dma_semaphore, #tpu.memory_space<semaphore_mem>>) src(%dma_wait3A_570 : memref<10000x64xf32, #tpu.memory_space<hbm>>) dst(%dma_wait3A_560 : memref<64x64xf32, #tpu.memory_space<vmem>>)
      %add3A_571 = arith.constant 9 : i32
      %add3A_572 = arith.addi %mul3A_115, %add3A_571 : i32
      %dma_start3A_573 = arith.constant 9 : i32
      %dma_start3A_574 = arith.constant 0 : i32
      %dma_start3A_575 = arith.constant 0 : i32
      %dma_start3A_576 = tpu.memref_slice %arg8[%dma_start3A_573, %dma_start3A_574, %dma_start3A_575] : memref<10x64x64xf32, #tpu.memory_space<vmem>> -> memref<1x64x64xf32, #tpu.memory_space<vmem>>
      %dma_start3A_577 = tpu.memref_squeeze %dma_start3A_576 : memref<1x64x64xf32, #tpu.memory_space<vmem>> -> memref<64x64xf32, #tpu.memory_space<vmem>>
      %dma_start3A_578 = arith.constant 0 : i32
      %dma_start3A_579 = tpu.memref_slice %arg7[%add3A_572, %dma_start3A_578] : memref<160x64xi32, #tpu.memory_space<vmem>> -> memref<1x64xi32, #tpu.memory_space<vmem>>
      %dma_start3A_580 = tpu.memref_squeeze %dma_start3A_579 : memref<1x64xi32, #tpu.memory_space<vmem>> -> memref<64xi32, #tpu.memory_space<vmem>>
      %dma_start3A_581 = arith.constant 0 : i32
      %dma_start3A_582 = arith.constant 0 : i32
      %dma_start3A_583 = tpu.memref_slice %arg10[%dma_start3A_581, %dma_start3A_582] : memref<10240x64xf32, #tpu.memory_space<vmem_shared>> -> memref<10240x64xf32, #tpu.memory_space<vmem_shared>>
      tpu.enqueue_indirect_dma source(%dma_start3A_577 : memref<64x64xf32, #tpu.memory_space<vmem>>) target(%dma_start3A_583 : memref<10240x64xf32, #tpu.memory_space<vmem_shared>>) offsets(%dma_start3A_580 : memref<64xi32, #tpu.memory_space<vmem>>) semaphore(%arg30 : memref<!tpu.dma_semaphore, #tpu.memory_space<semaphore_mem>>) {add = true}
      %dma_wait3A_584 = arith.constant 0 : i32
      %dma_wait3A_585 = arith.constant 0 : i32
      %dma_wait3A_586 = arith.constant 0 : i32
      %dma_wait3A_587 = tpu.memref_slice %arg8[%dma_wait3A_584, %dma_wait3A_585, %dma_wait3A_586] : memref<10x64x64xf32, #tpu.memory_space<vmem>> -> memref<1x64x64xf32, #tpu.memory_space<vmem>>
      %dma_wait3A_588 = tpu.memref_squeeze %dma_wait3A_587 : memref<1x64x64xf32, #tpu.memory_space<vmem>> -> memref<64x64xf32, #tpu.memory_space<vmem>>
      %dma_wait3A_589 = arith.constant 0 : i32
      %dma_wait3A_590 = tpu.memref_slice %arg7[%add3A_311, %dma_wait3A_589] : memref<160x64xi32, #tpu.memory_space<vmem>> -> memref<1x64xi32, #tpu.memory_space<vmem>>
      %dma_wait3A_591 = tpu.memref_squeeze %dma_wait3A_590 : memref<1x64xi32, #tpu.memory_space<vmem>> -> memref<64xi32, #tpu.memory_space<vmem>>
      %dma_wait3A_592 = arith.constant 0 : i32
      %dma_wait3A_593 = arith.constant 0 : i32
      %dma_wait3A_594 = tpu.memref_slice %arg10[%dma_wait3A_592, %dma_wait3A_593] : memref<10240x64xf32, #tpu.memory_space<vmem_shared>> -> memref<10240x64xf32, #tpu.memory_space<vmem_shared>>
      tpu.wait_indirect_dma semaphore(%arg21 : memref<!tpu.dma_semaphore, #tpu.memory_space<semaphore_mem>>) src(%dma_wait3A_588 : memref<64x64xf32, #tpu.memory_space<vmem>>) dst(%dma_wait3A_594 : memref<10240x64xf32, #tpu.memory_space<vmem_shared>>)
      %dma_wait3A_595 = arith.constant 1 : i32
      %dma_wait3A_596 = arith.constant 0 : i32
      %dma_wait3A_597 = arith.constant 0 : i32
      %dma_wait3A_598 = tpu.memref_slice %arg8[%dma_wait3A_595, %dma_wait3A_596, %dma_wait3A_597] : memref<10x64x64xf32, #tpu.memory_space<vmem>> -> memref<1x64x64xf32, #tpu.memory_space<vmem>>
      %dma_wait3A_599 = tpu.memref_squeeze %dma_wait3A_598 : memref<1x64x64xf32, #tpu.memory_space<vmem>> -> memref<64x64xf32, #tpu.memory_space<vmem>>
      %dma_wait3A_600 = arith.constant 0 : i32
      %dma_wait3A_601 = tpu.memref_slice %arg7[%add3A_340, %dma_wait3A_600] : memref<160x64xi32, #tpu.memory_space<vmem>> -> memref<1x64xi32, #tpu.memory_space<vmem>>
      %dma_wait3A_602 = tpu.memref_squeeze %dma_wait3A_601 : memref<1x64xi32, #tpu.memory_space<vmem>> -> memref<64xi32, #tpu.memory_space<vmem>>
      %dma_wait3A_603 = arith.constant 0 : i32
      %dma_wait3A_604 = arith.constant 0 : i32
      %dma_wait3A_605 = tpu.memref_slice %arg10[%dma_wait3A_603, %dma_wait3A_604] : memref<10240x64xf32, #tpu.memory_space<vmem_shared>> -> memref<10240x64xf32, #tpu.memory_space<vmem_shared>>
      tpu.wait_indirect_dma semaphore(%arg22 : memref<!tpu.dma_semaphore, #tpu.memory_space<semaphore_mem>>) src(%dma_wait3A_599 : memref<64x64xf32, #tpu.memory_space<vmem>>) dst(%dma_wait3A_605 : memref<10240x64xf32, #tpu.memory_space<vmem_shared>>)
      %dma_wait3A_606 = arith.constant 2 : i32
      %dma_wait3A_607 = arith.constant 0 : i32
      %dma_wait3A_608 = arith.constant 0 : i32
      %dma_wait3A_609 = tpu.memref_slice %arg8[%dma_wait3A_606, %dma_wait3A_607, %dma_wait3A_608] : memref<10x64x64xf32, #tpu.memory_space<vmem>> -> memref<1x64x64xf32, #tpu.memory_space<vmem>>
      %dma_wait3A_610 = tpu.memref_squeeze %dma_wait3A_609 : memref<1x64x64xf32, #tpu.memory_space<vmem>> -> memref<64x64xf32, #tpu.memory_space<vmem>>
      %dma_wait3A_611 = arith.constant 0 : i32
      %dma_wait3A_612 = tpu.memref_slice %arg7[%add3A_369, %dma_wait3A_611] : memref<160x64xi32, #tpu.memory_space<vmem>> -> memref<1x64xi32, #tpu.memory_space<vmem>>
      %dma_wait3A_613 = tpu.memref_squeeze %dma_wait3A_612 : memref<1x64xi32, #tpu.memory_space<vmem>> -> memref<64xi32, #tpu.memory_space<vmem>>
      %dma_wait3A_614 = arith.constant 0 : i32
      %dma_wait3A_615 = arith.constant 0 : i32
      %dma_wait3A_616 = tpu.memref_slice %arg10[%dma_wait3A_614, %dma_wait3A_615] : memref<10240x64xf32, #tpu.memory_space<vmem_shared>> -> memref<10240x64xf32, #tpu.memory_space<vmem_shared>>
      tpu.wait_indirect_dma semaphore(%arg23 : memref<!tpu.dma_semaphore, #tpu.memory_space<semaphore_mem>>) src(%dma_wait3A_610 : memref<64x64xf32, #tpu.memory_space<vmem>>) dst(%dma_wait3A_616 : memref<10240x64xf32, #tpu.memory_space<vmem_shared>>)
      %dma_wait3A_617 = arith.constant 3 : i32
      %dma_wait3A_618 = arith.constant 0 : i32
      %dma_wait3A_619 = arith.constant 0 : i32
      %dma_wait3A_620 = tpu.memref_slice %arg8[%dma_wait3A_617, %dma_wait3A_618, %dma_wait3A_619] : memref<10x64x64xf32, #tpu.memory_space<vmem>> -> memref<1x64x64xf32, #tpu.memory_space<vmem>>
      %dma_wait3A_621 = tpu.memref_squeeze %dma_wait3A_620 : memref<1x64x64xf32, #tpu.memory_space<vmem>> -> memref<64x64xf32, #tpu.memory_space<vmem>>
      %dma_wait3A_622 = arith.constant 0 : i32
      %dma_wait3A_623 = tpu.memref_slice %arg7[%add3A_398, %dma_wait3A_622] : memref<160x64xi32, #tpu.memory_space<vmem>> -> memref<1x64xi32, #tpu.memory_space<vmem>>
      %dma_wait3A_624 = tpu.memref_squeeze %dma_wait3A_623 : memref<1x64xi32, #tpu.memory_space<vmem>> -> memref<64xi32, #tpu.memory_space<vmem>>
      %dma_wait3A_625 = arith.constant 0 : i32
      %dma_wait3A_626 = arith.constant 0 : i32
      %dma_wait3A_627 = tpu.memref_slice %arg10[%dma_wait3A_625, %dma_wait3A_626] : memref<10240x64xf32, #tpu.memory_space<vmem_shared>> -> memref<10240x64xf32, #tpu.memory_space<vmem_shared>>
      tpu.wait_indirect_dma semaphore(%arg24 : memref<!tpu.dma_semaphore, #tpu.memory_space<semaphore_mem>>) src(%dma_wait3A_621 : memref<64x64xf32, #tpu.memory_space<vmem>>) dst(%dma_wait3A_627 : memref<10240x64xf32, #tpu.memory_space<vmem_shared>>)
      %dma_wait3A_628 = arith.constant 4 : i32
      %dma_wait3A_629 = arith.constant 0 : i32
      %dma_wait3A_630 = arith.constant 0 : i32
      %dma_wait3A_631 = tpu.memref_slice %arg8[%dma_wait3A_628, %dma_wait3A_629, %dma_wait3A_630] : memref<10x64x64xf32, #tpu.memory_space<vmem>> -> memref<1x64x64xf32, #tpu.memory_space<vmem>>
      %dma_wait3A_632 = tpu.memref_squeeze %dma_wait3A_631 : memref<1x64x64xf32, #tpu.memory_space<vmem>> -> memref<64x64xf32, #tpu.memory_space<vmem>>
      %dma_wait3A_633 = arith.constant 0 : i32
      %dma_wait3A_634 = tpu.memref_slice %arg7[%add3A_427, %dma_wait3A_633] : memref<160x64xi32, #tpu.memory_space<vmem>> -> memref<1x64xi32, #tpu.memory_space<vmem>>
      %dma_wait3A_635 = tpu.memref_squeeze %dma_wait3A_634 : memref<1x64xi32, #tpu.memory_space<vmem>> -> memref<64xi32, #tpu.memory_space<vmem>>
      %dma_wait3A_636 = arith.constant 0 : i32
      %dma_wait3A_637 = arith.constant 0 : i32
      %dma_wait3A_638 = tpu.memref_slice %arg10[%dma_wait3A_636, %dma_wait3A_637] : memref<10240x64xf32, #tpu.memory_space<vmem_shared>> -> memref<10240x64xf32, #tpu.memory_space<vmem_shared>>
      tpu.wait_indirect_dma semaphore(%arg25 : memref<!tpu.dma_semaphore, #tpu.memory_space<semaphore_mem>>) src(%dma_wait3A_632 : memref<64x64xf32, #tpu.memory_space<vmem>>) dst(%dma_wait3A_638 : memref<10240x64xf32, #tpu.memory_space<vmem_shared>>)
      %dma_wait3A_639 = arith.constant 5 : i32
      %dma_wait3A_640 = arith.constant 0 : i32
      %dma_wait3A_641 = arith.constant 0 : i32
      %dma_wait3A_642 = tpu.memref_slice %arg8[%dma_wait3A_639, %dma_wait3A_640, %dma_wait3A_641] : memref<10x64x64xf32, #tpu.memory_space<vmem>> -> memref<1x64x64xf32, #tpu.memory_space<vmem>>
      %dma_wait3A_643 = tpu.memref_squeeze %dma_wait3A_642 : memref<1x64x64xf32, #tpu.memory_space<vmem>> -> memref<64x64xf32, #tpu.memory_space<vmem>>
      %dma_wait3A_644 = arith.constant 0 : i32
      %dma_wait3A_645 = tpu.memref_slice %arg7[%add3A_456, %dma_wait3A_644] : memref<160x64xi32, #tpu.memory_space<vmem>> -> memref<1x64xi32, #tpu.memory_space<vmem>>
      %dma_wait3A_646 = tpu.memref_squeeze %dma_wait3A_645 : memref<1x64xi32, #tpu.memory_space<vmem>> -> memref<64xi32, #tpu.memory_space<vmem>>
      %dma_wait3A_647 = arith.constant 0 : i32
      %dma_wait3A_648 = arith.constant 0 : i32
      %dma_wait3A_649 = tpu.memref_slice %arg10[%dma_wait3A_647, %dma_wait3A_648] : memref<10240x64xf32, #tpu.memory_space<vmem_shared>> -> memref<10240x64xf32, #tpu.memory_space<vmem_shared>>
      tpu.wait_indirect_dma semaphore(%arg26 : memref<!tpu.dma_semaphore, #tpu.memory_space<semaphore_mem>>) src(%dma_wait3A_643 : memref<64x64xf32, #tpu.memory_space<vmem>>) dst(%dma_wait3A_649 : memref<10240x64xf32, #tpu.memory_space<vmem_shared>>)
      %dma_wait3A_650 = arith.constant 6 : i32
      %dma_wait3A_651 = arith.constant 0 : i32
      %dma_wait3A_652 = arith.constant 0 : i32
      %dma_wait3A_653 = tpu.memref_slice %arg8[%dma_wait3A_650, %dma_wait3A_651, %dma_wait3A_652] : memref<10x64x64xf32, #tpu.memory_space<vmem>> -> memref<1x64x64xf32, #tpu.memory_space<vmem>>
      %dma_wait3A_654 = tpu.memref_squeeze %dma_wait3A_653 : memref<1x64x64xf32, #tpu.memory_space<vmem>> -> memref<64x64xf32, #tpu.memory_space<vmem>>
      %dma_wait3A_655 = arith.constant 0 : i32
      %dma_wait3A_656 = tpu.memref_slice %arg7[%add3A_485, %dma_wait3A_655] : memref<160x64xi32, #tpu.memory_space<vmem>> -> memref<1x64xi32, #tpu.memory_space<vmem>>
      %dma_wait3A_657 = tpu.memref_squeeze %dma_wait3A_656 : memref<1x64xi32, #tpu.memory_space<vmem>> -> memref<64xi32, #tpu.memory_space<vmem>>
      %dma_wait3A_658 = arith.constant 0 : i32
      %dma_wait3A_659 = arith.constant 0 : i32
      %dma_wait3A_660 = tpu.memref_slice %arg10[%dma_wait3A_658, %dma_wait3A_659] : memref<10240x64xf32, #tpu.memory_space<vmem_shared>> -> memref<10240x64xf32, #tpu.memory_space<vmem_shared>>
      tpu.wait_indirect_dma semaphore(%arg27 : memref<!tpu.dma_semaphore, #tpu.memory_space<semaphore_mem>>) src(%dma_wait3A_654 : memref<64x64xf32, #tpu.memory_space<vmem>>) dst(%dma_wait3A_660 : memref<10240x64xf32, #tpu.memory_space<vmem_shared>>)
      %dma_wait3A_661 = arith.constant 7 : i32
      %dma_wait3A_662 = arith.constant 0 : i32
      %dma_wait3A_663 = arith.constant 0 : i32
      %dma_wait3A_664 = tpu.memref_slice %arg8[%dma_wait3A_661, %dma_wait3A_662, %dma_wait3A_663] : memref<10x64x64xf32, #tpu.memory_space<vmem>> -> memref<1x64x64xf32, #tpu.memory_space<vmem>>
      %dma_wait3A_665 = tpu.memref_squeeze %dma_wait3A_664 : memref<1x64x64xf32, #tpu.memory_space<vmem>> -> memref<64x64xf32, #tpu.memory_space<vmem>>
      %dma_wait3A_666 = arith.constant 0 : i32
      %dma_wait3A_667 = tpu.memref_slice %arg7[%add3A_514, %dma_wait3A_666] : memref<160x64xi32, #tpu.memory_space<vmem>> -> memref<1x64xi32, #tpu.memory_space<vmem>>
      %dma_wait3A_668 = tpu.memref_squeeze %dma_wait3A_667 : memref<1x64xi32, #tpu.memory_space<vmem>> -> memref<64xi32, #tpu.memory_space<vmem>>
      %dma_wait3A_669 = arith.constant 0 : i32
      %dma_wait3A_670 = arith.constant 0 : i32
      %dma_wait3A_671 = tpu.memref_slice %arg10[%dma_wait3A_669, %dma_wait3A_670] : memref<10240x64xf32, #tpu.memory_space<vmem_shared>> -> memref<10240x64xf32, #tpu.memory_space<vmem_shared>>
      tpu.wait_indirect_dma semaphore(%arg28 : memref<!tpu.dma_semaphore, #tpu.memory_space<semaphore_mem>>) src(%dma_wait3A_665 : memref<64x64xf32, #tpu.memory_space<vmem>>) dst(%dma_wait3A_671 : memref<10240x64xf32, #tpu.memory_space<vmem_shared>>)
      %dma_wait3A_672 = arith.constant 8 : i32
      %dma_wait3A_673 = arith.constant 0 : i32
      %dma_wait3A_674 = arith.constant 0 : i32
      %dma_wait3A_675 = tpu.memref_slice %arg8[%dma_wait3A_672, %dma_wait3A_673, %dma_wait3A_674] : memref<10x64x64xf32, #tpu.memory_space<vmem>> -> memref<1x64x64xf32, #tpu.memory_space<vmem>>
      %dma_wait3A_676 = tpu.memref_squeeze %dma_wait3A_675 : memref<1x64x64xf32, #tpu.memory_space<vmem>> -> memref<64x64xf32, #tpu.memory_space<vmem>>
      %dma_wait3A_677 = arith.constant 0 : i32
      %dma_wait3A_678 = tpu.memref_slice %arg7[%add3A_543, %dma_wait3A_677] : memref<160x64xi32, #tpu.memory_space<vmem>> -> memref<1x64xi32, #tpu.memory_space<vmem>>
      %dma_wait3A_679 = tpu.memref_squeeze %dma_wait3A_678 : memref<1x64xi32, #tpu.memory_space<vmem>> -> memref<64xi32, #tpu.memory_space<vmem>>
      %dma_wait3A_680 = arith.constant 0 : i32
      %dma_wait3A_681 = arith.constant 0 : i32
      %dma_wait3A_682 = tpu.memref_slice %arg10[%dma_wait3A_680, %dma_wait3A_681] : memref<10240x64xf32, #tpu.memory_space<vmem_shared>> -> memref<10240x64xf32, #tpu.memory_space<vmem_shared>>
      tpu.wait_indirect_dma semaphore(%arg29 : memref<!tpu.dma_semaphore, #tpu.memory_space<semaphore_mem>>) src(%dma_wait3A_676 : memref<64x64xf32, #tpu.memory_space<vmem>>) dst(%dma_wait3A_682 : memref<10240x64xf32, #tpu.memory_space<vmem_shared>>)
      %dma_wait3A_683 = arith.constant 9 : i32
      %dma_wait3A_684 = arith.constant 0 : i32
      %dma_wait3A_685 = arith.constant 0 : i32
      %dma_wait3A_686 = tpu.memref_slice %arg8[%dma_wait3A_683, %dma_wait3A_684, %dma_wait3A_685] : memref<10x64x64xf32, #tpu.memory_space<vmem>> -> memref<1x64x64xf32, #tpu.memory_space<vmem>>
      %dma_wait3A_687 = tpu.memref_squeeze %dma_wait3A_686 : memref<1x64x64xf32, #tpu.memory_space<vmem>> -> memref<64x64xf32, #tpu.memory_space<vmem>>
      %dma_wait3A_688 = arith.constant 0 : i32
      %dma_wait3A_689 = tpu.memref_slice %arg7[%add3A_572, %dma_wait3A_688] : memref<160x64xi32, #tpu.memory_space<vmem>> -> memref<1x64xi32, #tpu.memory_space<vmem>>
      %dma_wait3A_690 = tpu.memref_squeeze %dma_wait3A_689 : memref<1x64xi32, #tpu.memory_space<vmem>> -> memref<64xi32, #tpu.memory_space<vmem>>
      %dma_wait3A_691 = arith.constant 0 : i32
      %dma_wait3A_692 = arith.constant 0 : i32
      %dma_wait3A_693 = tpu.memref_slice %arg10[%dma_wait3A_691, %dma_wait3A_692] : memref<10240x64xf32, #tpu.memory_space<vmem_shared>> -> memref<10240x64xf32, #tpu.memory_space<vmem_shared>>
      tpu.wait_indirect_dma semaphore(%arg30 : memref<!tpu.dma_semaphore, #tpu.memory_space<semaphore_mem>>) src(%dma_wait3A_687 : memref<64x64xf32, #tpu.memory_space<vmem>>) dst(%dma_wait3A_693 : memref<10240x64xf32, #tpu.memory_space<vmem_shared>>)
    }
    %scan3A_85 = arith.constant 16 : i32
    %barrier3A_86 = arith.constant 0 : index
    tpu.barrier barrier_id(%barrier3A_86)
    %mul3A_87 = arith.constant 640 : i32
    %mul3A_88 = arith.muli %arg1, %mul3A_87 : i32
    %add3A_89 = arith.constant 0 : i32
    %add3A_90 = arith.addi %mul3A_88, %add3A_89 : i32
    %run_scoped3A_91 = arith.constant 1 : i32
    "tpu.region"() ({
      %run_scoped3A_113 = tpu.sem_alloc : memref<!tpu.dma_semaphore, #tpu.memory_space<semaphore_mem>>
      %dma_start3A = arith.constant 0 : i32
      %dma_start3A_114 = tpu.memref_slice %arg5[%arg0, %run_scoped3A_91, %add3A_90, %dma_start3A] : memref<2x2x10240x64xf32, #tpu.memory_space<hbm>> -> memref<1x1x128x64xf32, #tpu.memory_space<hbm>>
      %dma_start3A_115 = tpu.memref_squeeze %dma_start3A_114 : memref<1x1x128x64xf32, #tpu.memory_space<hbm>> -> memref<128x64xf32, #tpu.memory_space<hbm>>
      %dma_start3A_116 = arith.constant 0 : i32
      %dma_start3A_117 = tpu.memref_slice %arg10[%add3A_90, %dma_start3A_116] : memref<10240x64xf32, #tpu.memory_space<vmem_shared>> -> memref<128x64xf32, #tpu.memory_space<vmem_shared>>
      tpu.enqueue_dma source(%dma_start3A_117 : memref<128x64xf32, #tpu.memory_space<vmem_shared>>) target(%dma_start3A_115 : memref<128x64xf32, #tpu.memory_space<hbm>>) target_semaphore(%run_scoped3A_113 : memref<!tpu.dma_semaphore, #tpu.memory_space<semaphore_mem>>)
      %dma_wait3A = arith.constant 0 : i32
      %dma_wait3A_118 = tpu.memref_slice %arg5[%arg0, %run_scoped3A_91, %add3A_90, %dma_wait3A] : memref<2x2x10240x64xf32, #tpu.memory_space<hbm>> -> memref<1x1x128x64xf32, #tpu.memory_space<hbm>>
      %dma_wait3A_119 = tpu.memref_squeeze %dma_wait3A_118 : memref<1x1x128x64xf32, #tpu.memory_space<hbm>> -> memref<128x64xf32, #tpu.memory_space<hbm>>
      %dma_wait3A_120 = arith.constant 0 : i32
      %dma_wait3A_121 = tpu.memref_slice %arg10[%add3A_90, %dma_wait3A_120] : memref<10240x64xf32, #tpu.memory_space<vmem_shared>> -> memref<128x64xf32, #tpu.memory_space<vmem_shared>>
      tpu.wait_dma2 semaphore(%run_scoped3A_113 : memref<!tpu.dma_semaphore, #tpu.memory_space<semaphore_mem>>) src(%dma_wait3A_121 : memref<128x64xf32, #tpu.memory_space<vmem_shared>>) dst(%dma_wait3A_119 : memref<128x64xf32, #tpu.memory_space<hbm>>)
      tpu.yield
    }) : () -> ()
    %mul3A_92 = arith.constant 640 : i32
    %mul3A_93 = arith.muli %arg1, %mul3A_92 : i32
    %add3A_94 = arith.constant 128 : i32
    %add3A_95 = arith.addi %mul3A_93, %add3A_94 : i32
    %run_scoped3A_96 = arith.constant 1 : i32
    "tpu.region"() ({
      %run_scoped3A_113 = tpu.sem_alloc : memref<!tpu.dma_semaphore, #tpu.memory_space<semaphore_mem>>
      %dma_start3A = arith.constant 0 : i32
      %dma_start3A_114 = tpu.memref_slice %arg5[%arg0, %run_scoped3A_96, %add3A_95, %dma_start3A] : memref<2x2x10240x64xf32, #tpu.memory_space<hbm>> -> memref<1x1x128x64xf32, #tpu.memory_space<hbm>>
      %dma_start3A_115 = tpu.memref_squeeze %dma_start3A_114 : memref<1x1x128x64xf32, #tpu.memory_space<hbm>> -> memref<128x64xf32, #tpu.memory_space<hbm>>
      %dma_start3A_116 = arith.constant 0 : i32
      %dma_start3A_117 = tpu.memref_slice %arg10[%add3A_95, %dma_start3A_116] : memref<10240x64xf32, #tpu.memory_space<vmem_shared>> -> memref<128x64xf32, #tpu.memory_space<vmem_shared>>
      tpu.enqueue_dma source(%dma_start3A_117 : memref<128x64xf32, #tpu.memory_space<vmem_shared>>) target(%dma_start3A_115 : memref<128x64xf32, #tpu.memory_space<hbm>>) target_semaphore(%run_scoped3A_113 : memref<!tpu.dma_semaphore, #tpu.memory_space<semaphore_mem>>)
      %dma_wait3A = arith.constant 0 : i32
      %dma_wait3A_118 = tpu.memref_slice %arg5[%arg0, %run_scoped3A_96, %add3A_95, %dma_wait3A] : memref<2x2x10240x64xf32, #tpu.memory_space<hbm>> -> memref<1x1x128x64xf32, #tpu.memory_space<hbm>>
      %dma_wait3A_119 = tpu.memref_squeeze %dma_wait3A_118 : memref<1x1x128x64xf32, #tpu.memory_space<hbm>> -> memref<128x64xf32, #tpu.memory_space<hbm>>
      %dma_wait3A_120 = arith.constant 0 : i32
      %dma_wait3A_121 = tpu.memref_slice %arg10[%add3A_95, %dma_wait3A_120] : memref<10240x64xf32, #tpu.memory_space<vmem_shared>> -> memref<128x64xf32, #tpu.memory_space<vmem_shared>>
      tpu.wait_dma2 semaphore(%run_scoped3A_113 : memref<!tpu.dma_semaphore, #tpu.memory_space<semaphore_mem>>) src(%dma_wait3A_121 : memref<128x64xf32, #tpu.memory_space<vmem_shared>>) dst(%dma_wait3A_119 : memref<128x64xf32, #tpu.memory_space<hbm>>)
      tpu.yield
    }) : () -> ()
    %mul3A_97 = arith.constant 640 : i32
    %mul3A_98 = arith.muli %arg1, %mul3A_97 : i32
    %add3A_99 = arith.constant 256 : i32
    %add3A_100 = arith.addi %mul3A_98, %add3A_99 : i32
    %run_scoped3A_101 = arith.constant 1 : i32
    "tpu.region"() ({
      %run_scoped3A_113 = tpu.sem_alloc : memref<!tpu.dma_semaphore, #tpu.memory_space<semaphore_mem>>
      %dma_start3A = arith.constant 0 : i32
      %dma_start3A_114 = tpu.memref_slice %arg5[%arg0, %run_scoped3A_101, %add3A_100, %dma_start3A] : memref<2x2x10240x64xf32, #tpu.memory_space<hbm>> -> memref<1x1x128x64xf32, #tpu.memory_space<hbm>>
      %dma_start3A_115 = tpu.memref_squeeze %dma_start3A_114 : memref<1x1x128x64xf32, #tpu.memory_space<hbm>> -> memref<128x64xf32, #tpu.memory_space<hbm>>
      %dma_start3A_116 = arith.constant 0 : i32
      %dma_start3A_117 = tpu.memref_slice %arg10[%add3A_100, %dma_start3A_116] : memref<10240x64xf32, #tpu.memory_space<vmem_shared>> -> memref<128x64xf32, #tpu.memory_space<vmem_shared>>
      tpu.enqueue_dma source(%dma_start3A_117 : memref<128x64xf32, #tpu.memory_space<vmem_shared>>) target(%dma_start3A_115 : memref<128x64xf32, #tpu.memory_space<hbm>>) target_semaphore(%run_scoped3A_113 : memref<!tpu.dma_semaphore, #tpu.memory_space<semaphore_mem>>)
      %dma_wait3A = arith.constant 0 : i32
      %dma_wait3A_118 = tpu.memref_slice %arg5[%arg0, %run_scoped3A_101, %add3A_100, %dma_wait3A] : memref<2x2x10240x64xf32, #tpu.memory_space<hbm>> -> memref<1x1x128x64xf32, #tpu.memory_space<hbm>>
      %dma_wait3A_119 = tpu.memref_squeeze %dma_wait3A_118 : memref<1x1x128x64xf32, #tpu.memory_space<hbm>> -> memref<128x64xf32, #tpu.memory_space<hbm>>
      %dma_wait3A_120 = arith.constant 0 : i32
      %dma_wait3A_121 = tpu.memref_slice %arg10[%add3A_100, %dma_wait3A_120] : memref<10240x64xf32, #tpu.memory_space<vmem_shared>> -> memref<128x64xf32, #tpu.memory_space<vmem_shared>>
      tpu.wait_dma2 semaphore(%run_scoped3A_113 : memref<!tpu.dma_semaphore, #tpu.memory_space<semaphore_mem>>) src(%dma_wait3A_121 : memref<128x64xf32, #tpu.memory_space<vmem_shared>>) dst(%dma_wait3A_119 : memref<128x64xf32, #tpu.memory_space<hbm>>)
      tpu.yield
    }) : () -> ()
    %mul3A_102 = arith.constant 640 : i32
    %mul3A_103 = arith.muli %arg1, %mul3A_102 : i32
    %add3A_104 = arith.constant 384 : i32
    %add3A_105 = arith.addi %mul3A_103, %add3A_104 : i32
    %run_scoped3A_106 = arith.constant 1 : i32
    "tpu.region"() ({
      %run_scoped3A_113 = tpu.sem_alloc : memref<!tpu.dma_semaphore, #tpu.memory_space<semaphore_mem>>
      %dma_start3A = arith.constant 0 : i32
      %dma_start3A_114 = tpu.memref_slice %arg5[%arg0, %run_scoped3A_106, %add3A_105, %dma_start3A] : memref<2x2x10240x64xf32, #tpu.memory_space<hbm>> -> memref<1x1x128x64xf32, #tpu.memory_space<hbm>>
      %dma_start3A_115 = tpu.memref_squeeze %dma_start3A_114 : memref<1x1x128x64xf32, #tpu.memory_space<hbm>> -> memref<128x64xf32, #tpu.memory_space<hbm>>
      %dma_start3A_116 = arith.constant 0 : i32
      %dma_start3A_117 = tpu.memref_slice %arg10[%add3A_105, %dma_start3A_116] : memref<10240x64xf32, #tpu.memory_space<vmem_shared>> -> memref<128x64xf32, #tpu.memory_space<vmem_shared>>
      tpu.enqueue_dma source(%dma_start3A_117 : memref<128x64xf32, #tpu.memory_space<vmem_shared>>) target(%dma_start3A_115 : memref<128x64xf32, #tpu.memory_space<hbm>>) target_semaphore(%run_scoped3A_113 : memref<!tpu.dma_semaphore, #tpu.memory_space<semaphore_mem>>)
      %dma_wait3A = arith.constant 0 : i32
      %dma_wait3A_118 = tpu.memref_slice %arg5[%arg0, %run_scoped3A_106, %add3A_105, %dma_wait3A] : memref<2x2x10240x64xf32, #tpu.memory_space<hbm>> -> memref<1x1x128x64xf32, #tpu.memory_space<hbm>>
      %dma_wait3A_119 = tpu.memref_squeeze %dma_wait3A_118 : memref<1x1x128x64xf32, #tpu.memory_space<hbm>> -> memref<128x64xf32, #tpu.memory_space<hbm>>
      %dma_wait3A_120 = arith.constant 0 : i32
      %dma_wait3A_121 = tpu.memref_slice %arg10[%add3A_105, %dma_wait3A_120] : memref<10240x64xf32, #tpu.memory_space<vmem_shared>> -> memref<128x64xf32, #tpu.memory_space<vmem_shared>>
      tpu.wait_dma2 semaphore(%run_scoped3A_113 : memref<!tpu.dma_semaphore, #tpu.memory_space<semaphore_mem>>) src(%dma_wait3A_121 : memref<128x64xf32, #tpu.memory_space<vmem_shared>>) dst(%dma_wait3A_119 : memref<128x64xf32, #tpu.memory_space<hbm>>)
      tpu.yield
    }) : () -> ()
    %mul3A_107 = arith.constant 640 : i32
    %mul3A_108 = arith.muli %arg1, %mul3A_107 : i32
    %add3A_109 = arith.constant 512 : i32
    %add3A_110 = arith.addi %mul3A_108, %add3A_109 : i32
    %run_scoped3A_111 = arith.constant 1 : i32
    "tpu.region"() ({
      %run_scoped3A_113 = tpu.sem_alloc : memref<!tpu.dma_semaphore, #tpu.memory_space<semaphore_mem>>
      %dma_start3A = arith.constant 0 : i32
      %dma_start3A_114 = tpu.memref_slice %arg5[%arg0, %run_scoped3A_111, %add3A_110, %dma_start3A] : memref<2x2x10240x64xf32, #tpu.memory_space<hbm>> -> memref<1x1x128x64xf32, #tpu.memory_space<hbm>>
      %dma_start3A_115 = tpu.memref_squeeze %dma_start3A_114 : memref<1x1x128x64xf32, #tpu.memory_space<hbm>> -> memref<128x64xf32, #tpu.memory_space<hbm>>
      %dma_start3A_116 = arith.constant 0 : i32
      %dma_start3A_117 = tpu.memref_slice %arg10[%add3A_110, %dma_start3A_116] : memref<10240x64xf32, #tpu.memory_space<vmem_shared>> -> memref<128x64xf32, #tpu.memory_space<vmem_shared>>
      tpu.enqueue_dma source(%dma_start3A_117 : memref<128x64xf32, #tpu.memory_space<vmem_shared>>) target(%dma_start3A_115 : memref<128x64xf32, #tpu.memory_space<hbm>>) target_semaphore(%run_scoped3A_113 : memref<!tpu.dma_semaphore, #tpu.memory_space<semaphore_mem>>)
      %dma_wait3A = arith.constant 0 : i32
      %dma_wait3A_118 = tpu.memref_slice %arg5[%arg0, %run_scoped3A_111, %add3A_110, %dma_wait3A] : memref<2x2x10240x64xf32, #tpu.memory_space<hbm>> -> memref<1x1x128x64xf32, #tpu.memory_space<hbm>>
      %dma_wait3A_119 = tpu.memref_squeeze %dma_wait3A_118 : memref<1x1x128x64xf32, #tpu.memory_space<hbm>> -> memref<128x64xf32, #tpu.memory_space<hbm>>
      %dma_wait3A_120 = arith.constant 0 : i32
      %dma_wait3A_121 = tpu.memref_slice %arg10[%add3A_110, %dma_wait3A_120] : memref<10240x64xf32, #tpu.memory_space<vmem_shared>> -> memref<128x64xf32, #tpu.memory_space<vmem_shared>>
      tpu.wait_dma2 semaphore(%run_scoped3A_113 : memref<!tpu.dma_semaphore, #tpu.memory_space<semaphore_mem>>) src(%dma_wait3A_121 : memref<128x64xf32, #tpu.memory_space<vmem_shared>>) dst(%dma_wait3A_119 : memref<128x64xf32, #tpu.memory_space<hbm>>)
      tpu.yield
    }) : () -> ()
    %barrier3A_112 = arith.constant 0 : index
    tpu.barrier barrier_id(%barrier3A_112)
    return
  }
}

module attributes {stable_mosaic.version = 14 : i64} {
  func.func @_mm_body(%arg0: i32, %arg1: i32, %arg2: memref<1000x128xf32, #tpu.memory_space<vmem>>, %arg3: memref<1x64x128xf32, #tpu.memory_space<vmem>>, %arg4: memref<1x1000x64xf32, #tpu.memory_space<vmem>>) attributes {dimension_semantics = [#tpu.dimension_semantics<arbitrary>, #tpu.dimension_semantics<arbitrary>], iteration_bounds = array<i64: 2, 10>, scalar_prefetch = 0 : i64, scratch_operands = 0 : i64, tpu.core_type = #tpu.core_type<tc>, window_params = [{transform_indices = @transform_0, window_bounds = array<i64: 1000, 128>}, {transform_indices = @transform_1, window_bounds = array<i64: 1, 64, 128>}, {transform_indices = @transform_2, window_bounds = array<i64: 1, 1000, 64>}]} {
    %get3A = arith.constant 0 : index
    %get3A_0 = arith.constant 0 : index
    %get3A_1 = vector.load %arg2[%get3A, %get3A_0] : memref<1000x128xf32, #tpu.memory_space<vmem>>, vector<1000x128xf32>
    %get3A_2 = arith.constant 0 : index
    %get3A_3 = arith.constant 0 : index
    %get3A_4 = arith.constant 0 : index
    %get3A_5 = vector.load %arg3[%get3A_2, %get3A_3, %get3A_4] : memref<1x64x128xf32, #tpu.memory_space<vmem>>, vector<1x64x128xf32>
    %get3A_6 = vector.shape_cast %get3A_5 : vector<1x64x128xf32> to vector<64x128xf32>
    %dot_general3A = arith.constant dense<0.000000e+00> : vector<1000x64xf32>
    %dot_general3A_7 = tpu.matmul %get3A_1, %get3A_6, %dot_general3A {dimension_numbers = #tpu.dot_dimension_numbers<[1], [1], [0], [0], [0, 0, 1, 0], [], []>, transpose_lhs_hint = false} : vector<1000x128xf32>, vector<64x128xf32>, vector<1000x64xf32> -> vector<1000x64xf32>
    %swap3A = arith.constant 0 : index
    %swap3A_8 = arith.constant 0 : index
    %swap3A_9 = arith.constant 0 : index
    %swap3A_10 = vector.load %arg4[%swap3A, %swap3A_8, %swap3A_9] : memref<1x1000x64xf32, #tpu.memory_space<vmem>>, vector<1x1000x64xf32>
    %swap3A_11 = vector.shape_cast %swap3A_10 : vector<1x1000x64xf32> to vector<1000x64xf32>
    %swap3A_12 = vector.shape_cast %dot_general3A_7 : vector<1000x64xf32> to vector<1x1000x64xf32>
    tpu.vector_store %arg4[%swap3A, %swap3A_8, %swap3A_9], %swap3A_12 {strides = array<i32>} : memref<1x1000x64xf32, #tpu.memory_space<vmem>>, vector<1x1000x64xf32>,
    return
  }
  func.func @transform_0(%arg0: i32, %arg1: i32) -> (i32, i32) {
    %c0_i32 = arith.constant 0 : i32
    %c0_i32_0 = arith.constant 0 : i32
    return %arg1, %c0_i32 : i32, i32
  }
  func.func @transform_1(%arg0: i32, %arg1: i32) -> (i32, i32, i32) {
    %c0_i32 = arith.constant 0 : i32
    %c0_i32_0 = arith.constant 0 : i32
    %c0_i32_1 = arith.constant 0 : i32
    return %arg0, %c0_i32, %c0_i32_0 : i32, i32, i32
  }
  func.func @transform_2(%arg0: i32, %arg1: i32) -> (i32, i32, i32) {
    %c0_i32 = arith.constant 0 : i32
    %c0_i32_0 = arith.constant 0 : i32
    return %arg0, %arg1, %c0_i32 : i32, i32, i32
  }
}

module attributes {stable_mosaic.version = 14 : i64} {
  func.func @_mm_add_body(%arg0: i32, %arg1: memref<1000x128xf32, #tpu.memory_space<vmem>>, %arg2: memref<128x128xf32, #tpu.memory_space<vmem>>, %arg3: memref<2x2x1000x64xf32, #tpu.memory_space<vmem>>, %arg4: memref<1000x128xf32, #tpu.memory_space<vmem>>) attributes {dimension_semantics = [#tpu.dimension_semantics<arbitrary>], iteration_bounds = array<i64: 10>, scalar_prefetch = 0 : i64, scratch_operands = 0 : i64, tpu.core_type = #tpu.core_type<tc>, window_params = [{transform_indices = @transform_0, window_bounds = array<i64: 1000, 128>}, {pipeline_mode = #tpu.pipeline_mode<synchronous>, transform_indices = @transform_1, window_bounds = array<i64: 128, 128>}, {transform_indices = @transform_2, window_bounds = array<i64: 2, 2, 1000, 64>}, {transform_indices = @transform_3, window_bounds = array<i64: 1000, 128>}]} {
    %get3A = arith.constant 0 : index
    %get3A_0 = arith.constant 0 : index
    %get3A_1 = vector.load %arg1[%get3A, %get3A_0] : memref<1000x128xf32, #tpu.memory_space<vmem>>, vector<1000x128xf32>
    %get3A_2 = arith.constant 0 : index
    %get3A_3 = arith.constant 0 : index
    %get3A_4 = vector.load %arg2[%get3A_2, %get3A_3] : memref<128x128xf32, #tpu.memory_space<vmem>>, vector<128x128xf32>
    %dot_general3A = arith.constant dense<0.000000e+00> : vector<1000x128xf32>
    %dot_general3A_5 = tpu.matmul %get3A_1, %get3A_4, %dot_general3A {dimension_numbers = #tpu.dot_dimension_numbers<[1], [1], [0], [0], [0, 0, 1, 0], [], []>, transpose_lhs_hint = false} : vector<1000x128xf32>, vector<128x128xf32>, vector<1000x128xf32> -> vector<1000x128xf32>
    %get3A_6 = arith.constant 0 : index
    %get3A_7 = arith.constant 0 : index
    %get3A_8 = arith.constant 0 : index
    %get3A_9 = arith.constant 0 : index
    %get3A_10 = vector.load %arg3[%get3A_6, %get3A_7, %get3A_8, %get3A_9] : memref<2x2x1000x64xf32, #tpu.memory_space<vmem>>, vector<1x1x1000x64xf32>
    %get3A_11 = vector.shape_cast %get3A_10 : vector<1x1x1000x64xf32> to vector<1000x64xf32>
    %get3A_12 = arith.constant 1 : index
    %get3A_13 = arith.constant 0 : index
    %get3A_14 = arith.constant 0 : index
    %get3A_15 = arith.constant 0 : index
    %get3A_16 = vector.load %arg3[%get3A_12, %get3A_13, %get3A_14, %get3A_15] : memref<2x2x1000x64xf32, #tpu.memory_space<vmem>>, vector<1x1x1000x64xf32>
    %get3A_17 = vector.shape_cast %get3A_16 : vector<1x1x1000x64xf32> to vector<1000x64xf32>
    %add3A = arith.addf %get3A_11, %get3A_17 : vector<1000x64xf32>
    %get3A_18 = arith.constant 0 : index
    %get3A_19 = arith.constant 1 : index
    %get3A_20 = arith.constant 0 : index
    %get3A_21 = arith.constant 0 : index
    %get3A_22 = vector.load %arg3[%get3A_18, %get3A_19, %get3A_20, %get3A_21] : memref<2x2x1000x64xf32, #tpu.memory_space<vmem>>, vector<1x1x1000x64xf32>
    %get3A_23 = vector.shape_cast %get3A_22 : vector<1x1x1000x64xf32> to vector<1000x64xf32>
    %get3A_24 = arith.constant 1 : index
    %get3A_25 = arith.constant 1 : index
    %get3A_26 = arith.constant 0 : index
    %get3A_27 = arith.constant 0 : index
    %get3A_28 = vector.load %arg3[%get3A_24, %get3A_25, %get3A_26, %get3A_27] : memref<2x2x1000x64xf32, #tpu.memory_space<vmem>>, vector<1x1x1000x64xf32>
    %get3A_29 = vector.shape_cast %get3A_28 : vector<1x1x1000x64xf32> to vector<1000x64xf32>
    %add3A_30 = arith.addf %get3A_23, %get3A_29 : vector<1000x64xf32>
    %concatenate3A = tpu.concatenate %add3A, %add3A_30 in 1 : vector<1000x64xf32>, vector<1000x64xf32> -> vector<1000x128xf32>
    %add3A_31 = arith.addf %dot_general3A_5, %concatenate3A : vector<1000x128xf32>
    %swap3A = arith.constant 0 : index
    %swap3A_32 = arith.constant 0 : index
    %swap3A_33 = vector.load %arg4[%swap3A, %swap3A_32] : memref<1000x128xf32, #tpu.memory_space<vmem>>, vector<1000x128xf32>
    tpu.vector_store %arg4[%swap3A, %swap3A_32], %add3A_31 {strides = array<i32>} : memref<1000x128xf32, #tpu.memory_space<vmem>>, vector<1000x128xf32>,
    return
  }
  func.func @transform_0(%arg0: i32) -> (i32, i32) {
    %c0_i32 = arith.constant 0 : i32
    %c0_i32_0 = arith.constant 0 : i32
    return %arg0, %c0_i32 : i32, i32
  }
  func.func @transform_1(%arg0: i32) -> (i32, i32) {
    %c0_i32 = arith.constant 0 : i32
    %c0_i32_0 = arith.constant 0 : i32
    %c0_i32_1 = arith.constant 0 : i32
    return %c0_i32, %c0_i32_0 : i32, i32
  }
  func.func @transform_2(%arg0: i32) -> (i32, i32, i32, i32) {
    %c0_i32 = arith.constant 0 : i32
    %c0_i32_0 = arith.constant 0 : i32
    %c0_i32_1 = arith.constant 0 : i32
    %c0_i32_2 = arith.constant 0 : i32
    return %c0_i32, %c0_i32_0, %arg0, %c0_i32_1 : i32, i32, i32, i32
  }
  func.func @transform_3(%arg0: i32) -> (i32, i32) {
    %c0_i32 = arith.constant 0 : i32
    %c0_i32_0 = arith.constant 0 : i32
    return %arg0, %c0_i32 : i32, i32
  }
}

</mosaic_0001>

<sc_bundles>
// kernel: kernel.5.cloned.1.call-start
scs
__scs_entry_jumppad:
0x0: {  	(pc) =	sbr.rel $0x88, $3  }
0x1: {  	(tag) =	ssettag $0x0;
	lr =	simm.s32 $0x1  }
0x2: {  	[smem:$0x3F9D] =	sst lr;
	_ =	strace $0xD0000000  }
0x3: {  	_ = 	snop  }
0x4: {  	_ = 	snop  }
0x5: {  	_ = 	snop  }
0x6: {  	_ = 	snop  }
0x7: {  	_ = 	snop  }
__scs_overlays_trampoline_lowered:
0x8: {  	[smem:$0x3FAC] =	sst s0  }
0x9: {  	[smem:$0x3FAD] =	sst s1  }
0xa: {  	[smem:$0x3FAE] =	sst s2  }
0xb: {  	[smem:$0x3FAF] =	sst s3  }
0xc: {  	[smem:$0x3FB0] =	sst s4  }
0xd: {  	[smem:$0x3FB1] =	sst s5  }
0xe: {  	[smem:$0x3FB2] =	sst s6  }
0xf: {  	[smem:$0x3FB3] =	sst s7  }
0x10: {  	[smem:$0x3FB4] =	sst s8  }
0x11: {  	[smem:$0x3FB5] =	sst s9;
	s0 =	simm.s32 @!p0 $0x0  }
0x12: {  	s1 =	sld [smem:$0x3F9B];
	s0 =	simm.s32 @p0 $0x1  }
0x13: {  	[smem:$0x3FB6] =	sst s0;
	s0 =	simm.s32 @!p1 $0x0  }
0x14: {  	s2 =	sld [smem:$0x3F9A];
	s0 =	simm.s32 @p1 $0x1  }
0x15: {  	[smem:$0x3FB7] =	sst s0;
	s0 =	simm.s32 @!p2 $0x0  }
0x16: {  	s3 =	sld [smem:$0x3FDB];
	s0 =	simm.s32 @p2 $0x1  }
0x17: {  	s4 =	simm.s32 $0x1BF5;
	[smem:$0x3FB9] =	sst s0  }
0x18: {  	s0 =	sld [smem:$0x3F9C];
	_ =	swait.ge [sflag:s4], $0x0  }
0x19: {  	s7 =	sld [smem:$0x3F9D]  }
0x1a: {  	s8 =	sadd.s32 $0xFFFFE003, lr  }
0x1b: {  	s9 =	sadd.s32 $0xFFFFFEF7, lr;
	s5 =	simm.s32 $0xFFFFFFFF;
	p2 =	slt.u32 s8, $0xFFFFF086  }
0x1c: {  	p1 =	slt.u32 s9, $0xF7A;
	s5 =	simm.s32 @!p2 $0x0  }
0x1d: {  	s5 =	simm.s32 @p1 $0x1;
	p0 =	seq.s32 s7, s2  }
0x1e: {  	s7 =	smul.u32 @!p0 $0xF7A, s2;
	p2 =	seq.s32 @!p0 s5, $0x0  }
0x1f: {  	s9 =	smul.u32 $0xF7A, s1;
	s8 =	simm.s32 @!p0 $0x1BF5;
	p2 =	por !p2, p0  }
0x20: {  	[sflag:s8] =	ssyncset.s32 @!p0 $0xFFFFF086;
	s6 =	sadd.s32 @!p0 s3, s7;
	s7 =	simm.s32 @!p0 $0x108  }
0x21: {  	s3 =	sadd.s32 s3, s9;
	s6 =	sadd.s32 @!p0 $0x88, s6;
	s7 =	simm.s32 @p2 $0x1082  }
0x22: {  	[simem:s7], [sflag:s8] =	dma.local @!p0 [hbm:s6], $0xF7A  }
0x23: {  	s9 =	sor.u32 $0xD0000000, s2;
	s6 =	simm.s32 $0x108;
	_ =	swait.ge @!p0 [sflag:s8], $0x0  }
0x24: {  	s3 =	sadd.s32 $0x88, s3;
	s6 =	simm.s32 @!p1 $0x1082;
	[sflag:s4] =	ssyncset.s32 $0xFFFFF086  }
0x25: {  	[simem:s6], [sflag:s4] =	dma.local [hbm:s3], $0xF7A  }
0x26: {  	[smem:$0x3F9D] =	sst s1;
	(tag) =	ssettag s2;
	_ =	strace s9  }
0x27: {  	s1 =	sld [smem:$0x3FAD]  }
0x28: {  	s2 =	sld [smem:$0x3FAE]  }
0x29: {  	s4 =	sld [smem:$0x3FB0]  }
0x2a: {  	p0 =	seq.s32 s5, $0x0;
	s5 =	sld [smem:$0x3FB1]  }
0x2b: {  	s6 =	sld [smem:$0x3FB2]  }
0x2c: {  	s7 =	sld [smem:$0x3FB3]  }
0x2d: {  	s3 =	simm.s32 $0x108;
	s8 =	sld [smem:$0x3FB4]  }
0x2e: {  	s3 =	simm.s32 @!p0 $0x1082;
	s9 =	sld [smem:$0x3FB5]  }
0x2f: {  	lr =	sadd.s32 s0, s3;
	s0 =	sld [smem:$0x3FAC]  }
0x30: {  	s3 =	sld [smem:$0x3FAF]  }
0x31: {  	[smem:$0x3FB8] =	sst s10  }
0x32: {  	s10 =	sld [smem:$0x3FB6];
	_ =	sdelay $0x3  }
0x33: {  	p0 =	seq.s32 s10, $0x1;
	s10 =	sld [smem:$0x3FB8];
	_ =	sdelay $0x3  }
0x34: {  	[smem:$0x3FB8] =	sst s10  }
0x35: {  	s10 =	sld [smem:$0x3FB7];
	_ =	sdelay $0x3  }
0x36: {  	p1 =	seq.s32 s10, $0x1;
	s10 =	sld [smem:$0x3FB8];
	_ =	sdelay $0x3  }
0x37: {  	[smem:$0x3FB8] =	sst s10  }
0x38: {  	s10 =	sld [smem:$0x3FB9]  }
0x39: {  	_ = 	snop;
	(pc) =	sbr.ind lr, $3  }
0x3a: {  	_ = 	snop  }
0x3b: {  	_ = 	snop  }
0x3c: {  	p2 =	seq.s32 s10, $0x1;
	s10 =	sld [smem:$0x3FB8]  }
0x3d: {  	_ =	shalt  }
0x3e: {  	_ =	shalt  }
0x3f: {  	_ =	shalt  }
0x40: {  	_ =	shalt  }
0x41: {  	_ =	shalt  }
0x42: {  	_ =	shalt  }
0x43: {  	_ =	shalt  }
0x44: {  	_ =	shalt  }
0x45: {  	_ =	shalt  }
0x46: {  	_ =	shalt  }
0x47: {  	_ =	shalt  }
0x48: {  	_ =	shalt  }
0x49: {  	_ =	shalt  }
0x4a: {  	_ =	shalt  }
0x4b: {  	_ =	shalt  }
0x4c: {  	_ =	shalt  }
0x4d: {  	_ =	shalt  }
0x4e: {  	_ =	shalt  }
0x4f: {  	_ =	shalt  }
0x50: {  	_ =	shalt  }
0x51: {  	_ =	shalt  }
0x52: {  	_ =	shalt  }
0x53: {  	_ =	shalt  }
0x54: {  	_ =	shalt  }
0x55: {  	_ =	shalt  }
0x56: {  	_ =	shalt  }
0x57: {  	_ =	shalt  }
0x58: {  	_ =	shalt  }
0x59: {  	_ =	shalt  }
0x5a: {  	_ =	shalt  }
0x5b: {  	_ =	shalt  }
0x5c: {  	_ =	shalt  }
0x5d: {  	_ =	shalt  }
0x5e: {  	_ =	shalt  }
0x5f: {  	_ =	shalt  }
0x60: {  	_ =	shalt  }
0x61: {  	_ =	shalt  }
0x62: {  	_ =	shalt  }
0x63: {  	_ =	shalt  }
0x64: {  	_ =	shalt  }
0x65: {  	_ =	shalt  }
0x66: {  	_ =	shalt  }
0x67: {  	_ =	shalt  }
0x68: {  	_ =	shalt  }
0x69: {  	_ =	shalt  }
0x6a: {  	_ =	shalt  }
0x6b: {  	_ =	shalt  }
0x6c: {  	_ =	shalt  }
0x6d: {  	_ =	shalt  }
0x6e: {  	_ =	shalt  }
0x6f: {  	_ =	shalt  }
0x70: {  	_ =	shalt  }
0x71: {  	_ =	shalt  }
0x72: {  	_ =	shalt  }
0x73: {  	_ =	shalt  }
0x74: {  	_ =	shalt  }
0x75: {  	_ =	shalt  }
0x76: {  	_ =	shalt  }
0x77: {  	_ =	shalt  }
0x78: {  	_ =	shalt  }
0x79: {  	_ =	shalt  }
0x7a: {  	_ =	shalt  }
0x7b: {  	_ =	shalt  }
0x7c: {  	_ =	shalt  }
0x7d: {  	_ =	shalt  }
0x7e: {  	_ =	shalt  }
0x7f: {  	_ =	shalt  }
0x80: {  	_ =	shalt  }
0x81: {  	_ =	shalt  }
0x82: {  	_ =	shalt  }
0x83: {  	_ =	shalt  }
0x84: {  	_ =	shalt  }
0x85: {  	_ =	shalt  }
0x86: {  	_ =	shalt  }
0x87: {  	_ =	shalt  }
.Lfunc_end0:
.L_simem_size_0:
called_computation_lowered:
.L_overlay_start_0:
0x88: {  	s2 =	sld [smem:$0x3FD9]  }
0x89: {  	s3 =	sld [smem:$0x3FFE];
	_ =	sdelay $0x1  }
0x8a: {  	s1 =	srdreg.scid  }
0x8b: {  	s0 =	sand.u32 $0x1, s1  }
0x8c: {  	s17 =	sshll.u32 s0, $0xA;
	s2 =	sadd.s32 s3, s2  }
0x8d: {  	s2 =	sadd.s32 s2, s17  }
0x8e: {  	[smem:$0x3FC4] =	sst s2  }
0x8f: {  	_ = 	snop  }
0x90: {  	s2 =	sld [smem:$0x3FD0];
	(tm) =	ssettm $0x1  }
0x91: {  	s18 =	sld [smem:$0x3FFB];
	_ =	sdelay $0x3  }
0x92: {  	_ =	strace s18  }
0x93: {  	s3 =	sld [smem:$0x3FFC];
	_ =	sdelay $0x3  }
0x94: {  	_ =	strace s3  }
0x95: {  	s3 =	sld [smem:$0x3FFD];
	_ =	sdelay $0x3  }
0x96: {  	_ =	strace s3  }
0x97: {  	_ =	strace $0x8FFFFFFF  }
0x98: {  	s19 =	sld [smem:$0x3FDB];
	_ =	sdelay $0x1  }
0x99: {  	s4 =	simm.s32 $_scs_section_size  }
0x9a: {  	s5 =	simm.s32 $_size__tile_overlayer_lowered;
	s6 =	simm.s32 $_tile_overlayer_lowered  }
0x9b: {  	s22 =	simm.s32 $0x1BFF;
	s21 =	sshll.u32 s6, $0x1;
	s3 =	sadd.s32 s4, s19  }
0x9c: {  	s7 =	simm.s32 $0x0;
	s20 =	sshll.u32 s5, $0x1;
	s5 =	sadd.s32 s21, s3  }
0x9d: {  	[timem:s7], [sflag:s22] =	dma.local [hbm:s5], s20  }
0x9e: {  	_ =	swait.ge [sflag:s22], s20  }
0x9f: {  	s4 =	ssub.s32 $0x0, s20;
	[sflag:s22] =	ssyncset.done $0x0  }
0xa0: {  	[sflag:s22] =	ssyncadd.s32 s4;
	_ =	sdelay $0x1  }
0xa1: {  	s23 =	simm.s32 $0x1B8B  }
0xa2: {  	_ =	swait.ge [sflag:s23], $0x1  }
0xa3: {  	[sflag:s23] =	ssyncset.done $0x0  }
0xa4: {  	s25 =	simm.s32 $0x1B8E;
	s24 =	sld [smem:$0x3FFE];
	[sflag:s23] =	ssyncadd.s32 $0xFFFFFFFF  }
0xa5: {  	s26 =	simm.s32 $execute0_lowered;
	[smem:$0x3FD2] =	sst s25  }
0xa6: {  	s5 =	sshll.u32 s26, $0x1;
	_ =	strace $0x80000046;
	[dreg:$0x1] =	wrdreg $0xFFFFFFFF  }
0xa7: {  	s28 =	simm.s32 $_size_execute0_lowered;
	s3 =	sadd.s32 s3, s5;
	[dreg:$0x0] =	wrdreg $0x0  }
0xa8: {  	s5 =	sshll.u32 s28, $0x1;
	[dreg:$0x2] =	wrdreg s3  }
0xa9: {  	[dreg:$0x3] =	wrdreg s5  }
0xaa: {  	[dreg:$0x4] =	wrdreg $0xC0  }
0xab: {  	_ =	task [dreg:s7], $0x5FFFF  }
0xac: {  	[dreg:$0x1] =	wrdreg $0xFFFFFFFF  }
0xad: {  	[dreg:$0x0] =	wrdreg $0x60  }
0xae: {  	[dreg:$0x2] =	wrdreg s2  }
0xaf: {  	[dreg:$0x3] =	wrdreg s24  }
0xb0: {  	[dreg:$0x4] =	wrdreg $0x110000  }
0xb1: {  	[dreg:$0x5] =	wrdreg $0x9  }
0xb2: {  	_ =	task.clear_ibuf [dreg:s7], $0x6FFFF;
	_ =	strace $0x90000046  }
0xb3: {  	s29 =	simm.s32 $0x9;
	_ =	strace $0x80000048  }
0xb4: {  	_ =	swait.ge [sflag:s29], $0x1  }
0xb5: {  	[sflag:s29] =	ssyncadd.s32 $0xFFFFFFFF  }
0xb6: {  	_ =	strace $0x90000048  }
0xb7: {  	_ =	sfence  }
0xb8: {  	s30 =	sld [smem:$0x0];
	_ =	sdelay $0x2  }
0xb9: {  	s31 =	sshll.u32 s1, $0xD;
	s1 =	sshrl.u32 s1, $0x2  }
0xba: {  	s3 =	sand.u32 $0x4000, s31;
	s1 =	sadd.s32 s1, s30  }
0xbb: {  	s0 =	sor.u32 s3, s0;
	s1 =	sshll.u32 s1, $0x11  }
0xbc: {  	s0 =	sor.u32 s1, s0  }
0xbd: {  	s0 =	sadd.s32 $0x8F2B, s0  }
0xbe: {  	[sflag:s0] =	ssyncadd.remote.s32 $0x1  }
0xbf: {  	_ =	sfence.sel $0xFFFF  }
0xc0: {  	[dreg:$0x0] =	wrdreg $0xFFFFFFFF;
	(pc) =	sbr.abs _section_cstart, $3  }
0xc1: {  	[dreg:$0x1] =	wrdreg $0xFFFFFFFF  }
0xc2: {  	_ =	task.clear_ibuf [dreg:s7], $0x2FFFF;
	_ =	strace $0x9FFFFFFF  }
0xc3: {  	(tm) =	ssettm $0x7FFFFFFF  }
tec
execute0_lowered:
.L_overlay_start_1:
0x0: {  	(tag) =	ssettag $0x1  }
0x1: {  	s0 =	rddreg [dreg:$0x0]  }
0x2: {  	s1 =	srdreg.scid;
	s2 =	rddreg [dreg:$0x1]  }
0x3: {  	s3 =	rddreg [dreg:$0x2];
	s7 =	stileid.u32;
	s5 =	simm.s32 $0x0  }
0x4: {  	s28 =	simm.s32 $0x40;
	s29 =	simm.s32 $0x12;
	s30 =	simm.s32 $0x13  }
0x5: {  	s31 =	simm.s32 $0x14;
	s1 =	sand.u32 $0x1, s1;
	[smem:$0x7FF] =	sst s5  }
0x6: {  	s4 =	sshll.u32 s1, $0x4;
	s11 =	ssub.s32 $0x2, s1;
	s1 =	smul.u32 $0x140000, s1  }
0x7: {  	s4 =	sor.u32 s7, s4;
	s6 =	sshrl.u32 s11, $0x1;
	s7 =	smul.u32 $0xA000, s7  }
0x8: {  	_ =	strace $0x80000047;
	s4 =	smul.u32 $0x500, s4;
	s5 =	ssub.s32 s11, s6  }
0x9: {  	s11 =	simm.s32 $0xF;
	s13 =	sadd.s32 s7, s3;
	s14 =	sadd.s32 $0x2000, s7  }
0xa: {  	s15 =	sadd.s32 $0x4000, s7;
	s17 =	sadd.s32 $0x6000, s7;
	s18 =	sadd.s32 s7, s1  }
0xb: {  	s7 =	sadd.s32 $0x8000, s7;
	s26 =	smax.u32 s5, $0x1;
	s4 =	sadd.s32 s4, s2  }
0xc: {  	s2 =	sadd.s32 $0x14800, s2;
	[dreg:$0x6] =	wrdreg s13;
	s8 =	sadd.s32 s14, s3  }
0xd: {  	s16 =	sadd.s32 s15, s3;
	s9 =	sadd.s32 s17, s3;
	s10 =	sadd.s32 s7, s3  }
0xe: {  	s20 =	sadd.s32 s1, s15;
	s21 =	sadd.s32 s1, s17;
	[dreg:$0x15] =	wrdreg s26  }
0xf: {  	s17 =	sadd.s32 $0x13880, s0;
	s13 =	simm.s32 $0x6;
	[dreg:$0x7] =	wrdreg s8  }
0x10: {  	s26 =	simm.s32 $0x10;
	s12 =	sadd.s32 $0xA800, s4;
	[dreg:$0x8] =	wrdreg s16  }
0x11: {  	s4 =	sadd.s32 $0x800, s4;
	[dreg:$0x9] =	wrdreg s9;
	s9 =	sshrl.u32 s18, $0x3  }
0x12: {  	[dreg:$0xa] =	wrdreg s10;
	s6 =	sshrl.u32 s21, $0x3;
	s18 =	simm.s32 $0x1  }
0x13: {  	s21 =	simm.s32 $0x4;
	s16 =	simm.s32 $0xA;
	[dreg:$0x4] =	wrdreg s12  }
0x14: {  	s8 =	simm.s32 $0xC;
	s10 =	simm.s32 $0xE;
	[dreg:$0x5] =	wrdreg s4  }
0x15: {  	s4 =	sadd.s32 s1, s14;
	s9 =	sadd.s32 s2, s9;
	s1 =	sadd.s32 s1, s7  }
0x16: {  	s6 =	sadd.s32 s2, s6;
	s12 =	simm.s32 $0x5;
	[dreg:$0xb] =	wrdreg s9  }
0x17: {  	s14 =	simm.s32 $0x7;
	s22 =	sadd.s32 $0x14000, s9;
	[dreg:$0xe] =	wrdreg s6  }
0x18: {  	s4 =	sshrl.u32 s4, $0x3;
	s25 =	sadd.s32 $0x14000, s6;
	[dreg:$0x10] =	wrdreg s22  }
0x19: {  	s1 =	sshrl.u32 s1, $0x3;
	s19 =	sadd.s32 s2, s4;
	[dreg:$0x13] =	wrdreg s25  }
0x1a: {  	s7 =	simm.s32 $0xB;
	s1 =	sadd.s32 s2, s1;
	[dreg:$0xc] =	wrdreg s19  }
0x1b: {  	s4 =	sshrl.u32 s20, $0x3;
	s23 =	sadd.s32 $0x14000, s19;
	[dreg:$0xf] =	wrdreg s1  }
0x1c: {  	s9 =	simm.s32 $0xD;
	s4 =	sadd.s32 s2, s4;
	[dreg:$0x11] =	wrdreg s23  }
0x1d: {  	s20 =	simm.s32 $0x3;
	s1 =	sadd.s32 $0x14000, s1;
	[dreg:$0xd] =	wrdreg s4  }
0x1e: {  	s19 =	simm.s32 $0x2;
	s24 =	sadd.s32 $0x14000, s4;
	[dreg:$0x14] =	wrdreg s1  }
0x1f: {  	v0 =	vimm.f32 $0.0e+00;
	s4 =	simm.s32 $0x0;
	[dreg:$0x12] =	wrdreg s24;
	s24 =	simm.s32 $0x11  }
.LBB2_1:
0x20: {  	s2 =	simm.s32 $0x0  }
0x21: {  	s1 =	sand.u32 $0x7F00, s2  }
0x22: {  	[dreg:$0x16] =	wrdreg s4;
	s2 =	sand.u32 $0x30, s2;
	s25 =	sshrl.u32 s1, $0x2  }
0x23: {  	s1 =	simm.s32 $0x40;
	s4 =	sor.u32 s2, s25;
	s2 =	simm.s32 $0x0  }
.LBB2_2:
0x24: {  	p0 =	sne.s32 s1, $0x7FC0  }
0x25: {  	[tilespmem:s4+$0xF000] =	vst v0;
	s2 =	sadd.s32 $0x10, s2;
	s4 =	smov.u32 s1;
	s1 =	sadd.s32 $0x40, s1  }
.Ltmp0:
0x26: {  	(pc) =	sbr.rel @p0 .LBB2_2-.Ltmp0, $4  }
0x27: {  	_ = 	snop  }
0x28: {  	s4 =	sand.u32 $0x7F00, s4  }
0x29: {  	s25 =	sand.u32 $0x30, s2;
	s4 =	sshrl.u32 s4, $0x2  }
0x2a: {  	s4 =	sor.u32 s25, s4  }
0x2b: {  	[tilespmem:s4+$0xF000] =	vst v0;
	s1 =	simm.s32 $0x0;
	s2 =	rddreg [dreg:$0x4];
	s4 =	simm.s32 $0x15  }
0x2c: {  	[tilespmem:s1], [sflag:$0x15] =	stream.linear.gather [hbm4b:s2+s1], $0x2800, $0x38;
	[tilespmem:$0x1B000] =	vst v63  }
0x2d: {  	_ =	swait.ge [sflag:s4], $0x2800  }
0x2e: {  	[sflag:s4] =	ssyncset.done $0x0  }
0x2f: {  	s25 =	simm.s32 $0x2800;
	s23 =	rddreg [dreg:$0x5];
	[sflag:s4] =	ssyncadd.s32 $0xFFFFD800  }
0x30: {  	[tilespmem:s25], [sflag:$0x15] =	stream.linear.gather [hbm4b:s23+s1], $0x2800, $0x38;
	[tilespmem:$0x1B000] =	vst v63  }
0x31: {  	_ =	swait.ge [sflag:s4], $0x2800  }
0x32: {  	[sflag:s4] =	ssyncset.done $0x0  }
0x33: {  	s6 =	simm.s32 $0xF000;
	s5 =	rddreg [dreg:$0x6];
	[sflag:s4] =	ssyncadd.s32 $0xFFFFD800  }
0x34: {  	[spmem:s5] =	stream.linear.scatter [tilespmem:s6], [sflag:$0x15], $0x2000, $0x38;
	[tilespmem:$0x1B000] =	vst v63  }
0x35: {  	_ =	swait.ge [sflag:s4], $0x2000  }
0x36: {  	[sflag:s4] =	ssyncset.done $0x0  }
0x37: {  	s15 =	rddreg [dreg:$0x7];
	[sflag:s4] =	ssyncadd.s32 $0xFFFFE000  }
0x38: {  	[spmem:s15] =	stream.linear.scatter [tilespmem:s6], [sflag:$0x15], $0x2000, $0x38;
	[tilespmem:$0x1B000] =	vst v63  }
0x39: {  	_ =	swait.ge [sflag:s4], $0x2000  }
0x3a: {  	[sflag:s4] =	ssyncset.done $0x0  }
0x3b: {  	s22 =	rddreg [dreg:$0x8];
	[sflag:s4] =	ssyncadd.s32 $0xFFFFE000  }
0x3c: {  	[spmem:s22] =	stream.linear.scatter [tilespmem:s6], [sflag:$0x15], $0x2000, $0x38;
	[tilespmem:$0x1B000] =	vst v63  }
0x3d: {  	_ =	swait.ge [sflag:s4], $0x2000  }
0x3e: {  	[sflag:s4] =	ssyncset.done $0x0  }
0x3f: {  	s23 =	rddreg [dreg:$0x9];
	[sflag:s4] =	ssyncadd.s32 $0xFFFFE000  }
0x40: {  	[spmem:s23] =	stream.linear.scatter [tilespmem:s6], [sflag:$0x15], $0x2000, $0x38;
	[tilespmem:$0x1B000] =	vst v63  }
0x41: {  	_ =	swait.ge [sflag:s4], $0x2000  }
0x42: {  	[sflag:s4] =	ssyncset.done $0x0  }
0x43: {  	s25 =	rddreg [dreg:$0xa];
	[sflag:s4] =	ssyncadd.s32 $0xFFFFE000  }
0x44: {  	[spmem:s25] =	stream.linear.scatter [tilespmem:s6], [sflag:$0x15], $0x2000, $0x38;
	[tilespmem:$0x1B000] =	vst v63  }
0x45: {  	_ =	swait.ge [sflag:s4], $0x2000  }
0x46: {  	[sflag:s4] =	ssyncset.done $0x0  }
0x47: {  	[sflag:s4] =	ssyncadd.s32 $0xFFFFE000  }
0x48: {  	s2 =	simm.s32 $0x5000;
	s5 =	simm.s32 $0x0;
	[bflag:$0x0] =	sbarrier.arrive $0xFFFF  }
0x49: {  	[tilespmem:s2], [sflag:$0x1] =	stream.indirect.gather [hbm4b:s0+s28], $0x40, s5, s28, $0xb8;
	[tilespmem:$0x1B000] =	vst v63  }
0x4a: {  	s6 =	simm.s32 $0x40;
	s4 =	simm.s32 $0x6000  }
0x4b: {  	[tilespmem:s4], [sflag:$0x2] =	stream.indirect.gather [hbm4b:s0+s28], $0x40, s6, s28, $0xb8;
	[tilespmem:$0x1B000] =	vst v63  }
0x4c: {  	s15 =	simm.s32 $0x80;
	s25 =	simm.s32 $0x7000  }
0x4d: {  	[tilespmem:s25], [sflag:$0x3] =	stream.indirect.gather [hbm4b:s0+s28], $0x40, s15, s28, $0xb8;
	[tilespmem:$0x1B000] =	vst v63  }
0x4e: {  	s22 =	simm.s32 $0xC0;
	s23 =	simm.s32 $0x8000  }
0x4f: {  	[tilespmem:s23], [sflag:$0x4] =	stream.indirect.gather [hbm4b:s0+s28], $0x40, s22, s28, $0xb8;
	[tilespmem:$0x1B000] =	vst v63  }
0x50: {  	s5 =	simm.s32 $0x100;
	s22 =	simm.s32 $0x9000  }
0x51: {  	[tilespmem:s22], [sflag:$0x5] =	stream.indirect.gather [hbm4b:s0+s28], $0x40, s5, s28, $0xb8;
	[tilespmem:$0x1B000] =	vst v63  }
0x52: {  	s6 =	simm.s32 $0x140;
	s15 =	simm.s32 $0xA000  }
0x53: {  	[tilespmem:s15], [sflag:$0x6] =	stream.indirect.gather [hbm4b:s0+s28], $0x40, s6, s28, $0xb8;
	[tilespmem:$0x1B000] =	vst v63  }
0x54: {  	s5 =	simm.s32 $0x180;
	s6 =	simm.s32 $0xB000  }
0x55: {  	[tilespmem:s6], [sflag:$0x7] =	stream.indirect.gather [hbm4b:s0+s28], $0x40, s5, s28, $0xb8;
	[tilespmem:$0x1B000] =	vst v63  }
0x56: {  	s1 =	simm.s32 $0x1C0;
	s5 =	simm.s32 $0xC000  }
0x57: {  	[tilespmem:s5], [sflag:$0x8] =	stream.indirect.gather [hbm4b:s0+s28], $0x40, s1, s28, $0xb8;
	[tilespmem:$0x1B000] =	vst v63  }
0x58: {  	s1 =	simm.s32 $0x200;
	s5 =	simm.s32 $0xD000  }
0x59: {  	[tilespmem:s5], [sflag:$0x9] =	stream.indirect.gather [hbm4b:s0+s28], $0x40, s1, s28, $0xb8;
	[tilespmem:$0x1B000] =	vst v63  }
0x5a: {  	s1 =	simm.s32 $0x240;
	s5 =	simm.s32 $0xE000  }
0x5b: {  	[tilespmem:s5], [sflag:$0xA] =	stream.indirect.gather [hbm4b:s0+s28], $0x40, s1, s28, $0xb8;
	[tilespmem:$0x1B000] =	vst v63  }
0x5c: {  	_ =	swait.ge [sflag:s18], $0x1000  }
0x5d: {  	[sflag:s18] =	ssyncset.done $0x0  }
0x5e: {  	[sflag:s18] =	ssyncadd.s32 $0xFFFFF000;
	s18 =	simm.s32 $0x2800  }
0x5f: {  	[spmem:s3] =	stream.indirect.scatter.add.f32 [tilespmem:s2], [sflag:$0xB], $0x40, s18, s28, $0xb8;
	[tilespmem:$0x1B000] =	vst v63  }
0x60: {  	_ =	swait.ge [sflag:s19], $0x1000  }
0x61: {  	[sflag:s19] =	ssyncset.done $0x0  }
0x62: {  	[sflag:s19] =	ssyncadd.s32 $0xFFFFF000;
	s19 =	simm.s32 $0x2840  }
0x63: {  	[spmem:s3] =	stream.indirect.scatter.add.f32 [tilespmem:s4], [sflag:$0xC], $0x40, s19, s28, $0xb8;
	[tilespmem:$0x1B000] =	vst v63  }
0x64: {  	_ =	swait.ge [sflag:s20], $0x1000  }
0x65: {  	[sflag:s20] =	ssyncset.done $0x0  }
0x66: {  	s2 =	simm.s32 $0x2880;
	[sflag:s20] =	ssyncadd.s32 $0xFFFFF000  }
0x67: {  	[spmem:s3] =	stream.indirect.scatter.add.f32 [tilespmem:s25], [sflag:$0xD], $0x40, s2, s28, $0xb8;
	[tilespmem:$0x1B000] =	vst v63  }
0x68: {  	_ =	swait.ge [sflag:s21], $0x1000  }
0x69: {  	[sflag:s21] =	ssyncset.done $0x0  }
0x6a: {  	s4 =	simm.s32 $0x28C0;
	[sflag:s21] =	ssyncadd.s32 $0xFFFFF000  }
0x6b: {  	[spmem:s3] =	stream.indirect.scatter.add.f32 [tilespmem:s23], [sflag:$0xE], $0x40, s4, s28, $0xb8;
	[tilespmem:$0x1B000] =	vst v63  }
0x6c: {  	_ =	swait.ge [sflag:s12], $0x1000  }
0x6d: {  	[sflag:s12] =	ssyncset.done $0x0  }
0x6e: {  	[sflag:s12] =	ssyncadd.s32 $0xFFFFF000;
	s12 =	simm.s32 $0x2900  }
0x6f: {  	[spmem:s3] =	stream.indirect.scatter.add.f32 [tilespmem:s22], [sflag:$0xF], $0x40, s12, s28, $0xb8;
	[tilespmem:$0x1B000] =	vst v63  }
0x70: {  	_ =	swait.ge [sflag:s13], $0x1000  }
0x71: {  	[sflag:s13] =	ssyncset.done $0x0  }
0x72: {  	[sflag:s13] =	ssyncadd.s32 $0xFFFFF000;
	s13 =	simm.s32 $0x2940  }
0x73: {  	[spmem:s3] =	stream.indirect.scatter.add.f32 [tilespmem:s15], [sflag:$0x10], $0x40, s13, s28, $0xb8;
	[tilespmem:$0x1B000] =	vst v63  }
0x74: {  	_ =	swait.ge [sflag:s14], $0x1000  }
0x75: {  	[sflag:s14] =	ssyncset.done $0x0  }
0x76: {  	s18 =	simm.s32 $0x8;
	s15 =	simm.s32 $0x2980;
	[sflag:s14] =	ssyncadd.s32 $0xFFFFF000  }
0x77: {  	[spmem:s3] =	stream.indirect.scatter.add.f32 [tilespmem:s6], [sflag:$0x11], $0x40, s15, s28, $0xb8;
	[tilespmem:$0x1B000] =	vst v63  }
0x78: {  	_ =	swait.ge [sflag:s18], $0x1000  }
0x79: {  	s19 =	simm.s32 $0x29C0;
	[sflag:s18] =	ssyncset.done $0x0  }
0x7a: {  	s20 =	simm.s32 $0xC000;
	s21 =	simm.s32 $0x9;
	[sflag:s18] =	ssyncadd.s32 $0xFFFFF000  }
0x7b: {  	[spmem:s3] =	stream.indirect.scatter.add.f32 [tilespmem:s20], [sflag:$0x12], $0x40, s19, s28, $0xb8;
	[tilespmem:$0x1B000] =	vst v63  }
0x7c: {  	_ =	swait.ge [sflag:s21], $0x1000  }
0x7d: {  	[sflag:s21] =	ssyncset.done $0x0  }
0x7e: {  	s23 =	simm.s32 $0xD000;
	s22 =	simm.s32 $0x2A00;
	[sflag:s21] =	ssyncadd.s32 $0xFFFFF000  }
0x7f: {  	[spmem:s3] =	stream.indirect.scatter.add.f32 [tilespmem:s23], [sflag:$0x13], $0x40, s22, s28, $0xb8;
	[tilespmem:$0x1B000] =	vst v63  }
0x80: {  	_ =	swait.ge [sflag:s16], $0x1000  }
0x81: {  	[sflag:s16] =	ssyncset.done $0x0  }
0x82: {  	s5 =	simm.s32 $0xE000;
	s25 =	simm.s32 $0x2A40;
	[sflag:s16] =	ssyncadd.s32 $0xFFFFF000  }
0x83: {  	[spmem:s3] =	stream.indirect.scatter.add.f32 [tilespmem:s5], [sflag:$0x14], $0x40, s25, s28, $0xb8;
	[tilespmem:$0x1B000] =	vst v63  }
0x84: {  	_ =	swait.ge [sflag:s7], $0x1000  }
0x85: {  	[sflag:s7] =	ssyncset.done $0x0  }
0x86: {  	[sflag:s7] =	ssyncadd.s32 $0xFFFFF000  }
0x87: {  	_ =	swait.ge [sflag:s8], $0x1000  }
0x88: {  	[sflag:s8] =	ssyncset.done $0x0  }
0x89: {  	[sflag:s8] =	ssyncadd.s32 $0xFFFFF000  }
0x8a: {  	_ =	swait.ge [sflag:s9], $0x1000  }
0x8b: {  	[sflag:s9] =	ssyncset.done $0x0  }
0x8c: {  	[sflag:s9] =	ssyncadd.s32 $0xFFFFF000  }
0x8d: {  	_ =	swait.ge [sflag:s10], $0x1000  }
0x8e: {  	[sflag:s10] =	ssyncset.done $0x0  }
0x8f: {  	[sflag:s10] =	ssyncadd.s32 $0xFFFFF000  }
0x90: {  	_ =	swait.ge [sflag:s11], $0x1000  }
0x91: {  	[sflag:s11] =	ssyncset.done $0x0  }
0x92: {  	[sflag:s11] =	ssyncadd.s32 $0xFFFFF000  }
0x93: {  	_ =	swait.ge [sflag:s26], $0x1000  }
0x94: {  	[sflag:s26] =	ssyncset.done $0x0  }
0x95: {  	[sflag:s26] =	ssyncadd.s32 $0xFFFFF000  }
0x96: {  	_ =	swait.ge [sflag:s24], $0x1000  }
0x97: {  	[sflag:s24] =	ssyncset.done $0x0  }
0x98: {  	[sflag:s24] =	ssyncadd.s32 $0xFFFFF000  }
0x99: {  	_ =	swait.ge [sflag:s29], $0x1000  }
0x9a: {  	[sflag:s29] =	ssyncset.done $0x0  }
0x9b: {  	[sflag:s29] =	ssyncadd.s32 $0xFFFFF000  }
0x9c: {  	_ =	swait.ge [sflag:s30], $0x1000  }
0x9d: {  	[sflag:s30] =	ssyncset.done $0x0  }
0x9e: {  	[sflag:s30] =	ssyncadd.s32 $0xFFFFF000  }
0x9f: {  	s1 =	simm.s32 $0xA00;
	s20 =	simm.s32 $0x1;
	_ =	swait.ge [sflag:s31], $0x1000  }
0xa0: {  	s21 =	simm.s32 $0x7;
	s25 =	simm.s32 $0x1400;
	[sflag:s31] =	ssyncset.done $0x0  }
.LBB2_4:
0xa1: {  	s2 =	sshra.s32 s1, $0x2;
	[sflag:s31] =	ssyncadd.s32 $0xFFFFF000  }
0xa2: {  	s1 =	smov.u32 s25;
	s4 =	sadd.s32 $0xA00, s25;
	s22 =	simm.s32 $0x5000  }
0xa3: {  	[tilespmem:s22], [sflag:$0x1] =	stream.indirect.gather [hbm4b:s0+s28], $0x40, s2, s28, $0xb8;
	[tilespmem:$0x1B000] =	vst v63  }
0xa4: {  	p0 =	sne.s32 s25, $0x9600;
	s23 =	simm.s32 $0x6000;
	s25 =	sadd.s32 $0x40, s2  }
0xa5: {  	[tilespmem:s23], [sflag:$0x2] =	stream.indirect.gather [hbm4b:s0+s28], $0x40, s25, s28, $0xb8;
	[tilespmem:$0x1B000] =	vst v63  }
0xa6: {  	s12 =	simm.s32 $0x7000;
	s25 =	sadd.s32 $0x80, s2  }
0xa7: {  	[tilespmem:s12], [sflag:$0x3] =	stream.indirect.gather [hbm4b:s0+s28], $0x40, s25, s28, $0xb8;
	[tilespmem:$0x1B000] =	vst v63  }
0xa8: {  	s13 =	simm.s32 $0x8000;
	s25 =	sadd.s32 $0xC0, s2  }
0xa9: {  	[tilespmem:s13], [sflag:$0x4] =	stream.indirect.gather [hbm4b:s0+s28], $0x40, s25, s28, $0xb8;
	[tilespmem:$0x1B000] =	vst v63  }
0xaa: {  	s14 =	simm.s32 $0x9000;
	s25 =	sadd.s32 $0x100, s2  }
0xab: {  	[tilespmem:s14], [sflag:$0x5] =	stream.indirect.gather [hbm4b:s0+s28], $0x40, s25, s28, $0xb8;
	[tilespmem:$0x1B000] =	vst v63  }
0xac: {  	s15 =	simm.s32 $0xA000;
	s25 =	sadd.s32 $0x140, s2  }
0xad: {  	[tilespmem:s15], [sflag:$0x6] =	stream.indirect.gather [hbm4b:s0+s28], $0x40, s25, s28, $0xb8;
	[tilespmem:$0x1B000] =	vst v63  }
0xae: {  	s19 =	simm.s32 $0xB000;
	s25 =	sadd.s32 $0x180, s2  }
0xaf: {  	[tilespmem:s19], [sflag:$0x7] =	stream.indirect.gather [hbm4b:s0+s28], $0x40, s25, s28, $0xb8;
	[tilespmem:$0x1B000] =	vst v63  }
0xb0: {  	s5 =	simm.s32 $0xC000;
	s25 =	sadd.s32 $0x1C0, s2  }
0xb1: {  	[tilespmem:s5], [sflag:$0x8] =	stream.indirect.gather [hbm4b:s0+s28], $0x40, s25, s28, $0xb8;
	[tilespmem:$0x1B000] =	vst v63  }
0xb2: {  	s6 =	simm.s32 $0xD000;
	s25 =	sadd.s32 $0x200, s2  }
0xb3: {  	[tilespmem:s6], [sflag:$0x9] =	stream.indirect.gather [hbm4b:s0+s28], $0x40, s25, s28, $0xb8;
	[tilespmem:$0x1B000] =	vst v63  }
0xb4: {  	s18 =	simm.s32 $0xE000;
	s25 =	sadd.s32 $0x240, s2  }
0xb5: {  	[tilespmem:s18], [sflag:$0xA] =	stream.indirect.gather [hbm4b:s0+s28], $0x40, s25, s28, $0xb8;
	[tilespmem:$0x1B000] =	vst v63  }
0xb6: {  	_ =	swait.ge [sflag:s20], $0x1000  }
0xb7: {  	[sflag:s20] =	ssyncset.done $0x0  }
0xb8: {  	s25 =	sadd.s32 $0x2800, s2;
	[sflag:s20] =	ssyncadd.s32 $0xFFFFF000  }
0xb9: {  	[spmem:s3] =	stream.indirect.scatter.add.f32 [tilespmem:s22], [sflag:$0xB], $0x40, s25, s28, $0xb8;
	[tilespmem:$0x1B000] =	vst v63  }
0xba: {  	s22 =	simm.s32 $0x2  }
0xbb: {  	_ =	swait.ge [sflag:s22], $0x1000  }
0xbc: {  	[sflag:s22] =	ssyncset.done $0x0  }
0xbd: {  	s25 =	sadd.s32 $0x2840, s2;
	[sflag:s22] =	ssyncadd.s32 $0xFFFFF000;
	s22 =	simm.s32 $0x3  }
0xbe: {  	[spmem:s3] =	stream.indirect.scatter.add.f32 [tilespmem:s23], [sflag:$0xC], $0x40, s25, s28, $0xb8;
	[tilespmem:$0x1B000] =	vst v63  }
0xbf: {  	_ =	swait.ge [sflag:s22], $0x1000  }
0xc0: {  	[sflag:s22] =	ssyncset.done $0x0  }
0xc1: {  	s25 =	sadd.s32 $0x2880, s2;
	[sflag:s22] =	ssyncadd.s32 $0xFFFFF000  }
0xc2: {  	[spmem:s3] =	stream.indirect.scatter.add.f32 [tilespmem:s12], [sflag:$0xD], $0x40, s25, s28, $0xb8;
	[tilespmem:$0x1B000] =	vst v63  }
0xc3: {  	s12 =	simm.s32 $0x4  }
0xc4: {  	_ =	swait.ge [sflag:s12], $0x1000  }
0xc5: {  	[sflag:s12] =	ssyncset.done $0x0  }
0xc6: {  	s25 =	sadd.s32 $0x28C0, s2;
	[sflag:s12] =	ssyncadd.s32 $0xFFFFF000;
	s12 =	simm.s32 $0x5  }
0xc7: {  	[spmem:s3] =	stream.indirect.scatter.add.f32 [tilespmem:s13], [sflag:$0xE], $0x40, s25, s28, $0xb8;
	[tilespmem:$0x1B000] =	vst v63  }
0xc8: {  	_ =	swait.ge [sflag:s12], $0x1000  }
0xc9: {  	[sflag:s12] =	ssyncset.done $0x0  }
0xca: {  	s25 =	sadd.s32 $0x2900, s2;
	[sflag:s12] =	ssyncadd.s32 $0xFFFFF000;
	s12 =	simm.s32 $0x6  }
0xcb: {  	[spmem:s3] =	stream.indirect.scatter.add.f32 [tilespmem:s14], [sflag:$0xF], $0x40, s25, s28, $0xb8;
	[tilespmem:$0x1B000] =	vst v63  }
0xcc: {  	_ =	swait.ge [sflag:s12], $0x1000  }
0xcd: {  	[sflag:s12] =	ssyncset.done $0x0  }
0xce: {  	s25 =	sadd.s32 $0x2940, s2;
	[sflag:s12] =	ssyncadd.s32 $0xFFFFF000  }
0xcf: {  	[spmem:s3] =	stream.indirect.scatter.add.f32 [tilespmem:s15], [sflag:$0x10], $0x40, s25, s28, $0xb8;
	[tilespmem:$0x1B000] =	vst v63  }
0xd0: {  	s15 =	simm.s32 $0x9  }
0xd1: {  	_ =	swait.ge [sflag:s21], $0x1000  }
0xd2: {  	[sflag:s21] =	ssyncset.done $0x0  }
0xd3: {  	s25 =	sadd.s32 $0x2980, s2;
	[sflag:s21] =	ssyncadd.s32 $0xFFFFF000  }
0xd4: {  	[spmem:s3] =	stream.indirect.scatter.add.f32 [tilespmem:s19], [sflag:$0x11], $0x40, s25, s28, $0xb8;
	[tilespmem:$0x1B000] =	vst v63  }
0xd5: {  	s19 =	simm.s32 $0x8  }
0xd6: {  	_ =	swait.ge [sflag:s19], $0x1000  }
0xd7: {  	[sflag:s19] =	ssyncset.done $0x0  }
0xd8: {  	s25 =	sadd.s32 $0x29C0, s2;
	[sflag:s19] =	ssyncadd.s32 $0xFFFFF000  }
0xd9: {  	[spmem:s3] =	stream.indirect.scatter.add.f32 [tilespmem:s5], [sflag:$0x12], $0x40, s25, s28, $0xb8;
	[tilespmem:$0x1B000] =	vst v63  }
0xda: {  	_ =	swait.ge [sflag:s15], $0x1000  }
0xdb: {  	[sflag:s15] =	ssyncset.done $0x0  }
0xdc: {  	s25 =	sadd.s32 $0x2A00, s2;
	[sflag:s15] =	ssyncadd.s32 $0xFFFFF000  }
0xdd: {  	[spmem:s3] =	stream.indirect.scatter.add.f32 [tilespmem:s6], [sflag:$0x13], $0x40, s25, s28, $0xb8;
	[tilespmem:$0x1B000] =	vst v63  }
0xde: {  	_ =	swait.ge [sflag:s16], $0x1000  }
0xdf: {  	[sflag:s16] =	ssyncset.done $0x0  }
0xe0: {  	s2 =	sadd.s32 $0x2A40, s2;
	[sflag:s16] =	ssyncadd.s32 $0xFFFFF000  }
0xe1: {  	[spmem:s3] =	stream.indirect.scatter.add.f32 [tilespmem:s18], [sflag:$0x14], $0x40, s2, s28, $0xb8;
	[tilespmem:$0x1B000] =	vst v63  }
0xe2: {  	_ =	swait.ge [sflag:s7], $0x1000  }
0xe3: {  	[sflag:s7] =	ssyncset.done $0x0  }
0xe4: {  	[sflag:s7] =	ssyncadd.s32 $0xFFFFF000  }
0xe5: {  	_ =	swait.ge [sflag:s8], $0x1000  }
0xe6: {  	[sflag:s8] =	ssyncset.done $0x0  }
0xe7: {  	[sflag:s8] =	ssyncadd.s32 $0xFFFFF000  }
0xe8: {  	_ =	swait.ge [sflag:s9], $0x1000  }
0xe9: {  	[sflag:s9] =	ssyncset.done $0x0  }
0xea: {  	[sflag:s9] =	ssyncadd.s32 $0xFFFFF000  }
0xeb: {  	_ =	swait.ge [sflag:s10], $0x1000  }
0xec: {  	[sflag:s10] =	ssyncset.done $0x0  }
0xed: {  	[sflag:s10] =	ssyncadd.s32 $0xFFFFF000  }
0xee: {  	_ =	swait.ge [sflag:s11], $0x1000  }
0xef: {  	[sflag:s11] =	ssyncset.done $0x0  }
0xf0: {  	[sflag:s11] =	ssyncadd.s32 $0xFFFFF000  }
0xf1: {  	_ =	swait.ge [sflag:s26], $0x1000  }
0xf2: {  	[sflag:s26] =	ssyncset.done $0x0  }
0xf3: {  	[sflag:s26] =	ssyncadd.s32 $0xFFFFF000  }
0xf4: {  	_ =	swait.ge [sflag:s24], $0x1000  }
0xf5: {  	[sflag:s24] =	ssyncset.done $0x0  }
0xf6: {  	[sflag:s24] =	ssyncadd.s32 $0xFFFFF000  }
0xf7: {  	_ =	swait.ge [sflag:s29], $0x1000  }
0xf8: {  	[sflag:s29] =	ssyncset.done $0x0  }
0xf9: {  	[sflag:s29] =	ssyncadd.s32 $0xFFFFF000  }
.Ltmp1:
0xfa: {  	_ =	swait.ge [sflag:s30], $0x1000;
	(pc) =	sbr.rel @p0 .LBB2_4-.Ltmp1, $4  }
0xfb: {  	[sflag:s30] =	ssyncset.done $0x0  }
0xfc: {  	[sflag:s30] =	ssyncadd.s32 $0xFFFFF000  }
0xfd: {  	_ =	swait.ge [sflag:s31], $0x1000  }
0xfe: {  	s25 =	smov.u32 s4;
	[sflag:s31] =	ssyncset.done $0x0  }
0xff: {  	s1 =	sshra.s32 s1, $0x2;
	[sflag:s31] =	ssyncadd.s32 $0xFFFFF000;
	s2 =	simm.s32 $0x5000  }
0x100: {  	[tilespmem:s2], [sflag:$0x1] =	stream.indirect.gather [hbm4b:s0+s28], $0x40, s1, s28, $0xb8;
	[tilespmem:$0x1B000] =	vst v63  }
0x101: {  	s4 =	simm.s32 $0x6000;
	s5 =	sadd.s32 $0x40, s1  }
0x102: {  	[tilespmem:s4], [sflag:$0x2] =	stream.indirect.gather [hbm4b:s0+s28], $0x40, s5, s28, $0xb8;
	[tilespmem:$0x1B000] =	vst v63  }
0x103: {  	s12 =	simm.s32 $0x7000;
	s6 =	sadd.s32 $0x80, s1  }
0x104: {  	[tilespmem:s12], [sflag:$0x3] =	stream.indirect.gather [hbm4b:s0+s28], $0x40, s6, s28, $0xb8;
	[tilespmem:$0x1B000] =	vst v63  }
0x105: {  	s22 =	simm.s32 $0x8000;
	s18 =	sadd.s32 $0xC0, s1  }
0x106: {  	[tilespmem:s22], [sflag:$0x4] =	stream.indirect.gather [hbm4b:s0+s28], $0x40, s18, s28, $0xb8;
	[tilespmem:$0x1B000] =	vst v63  }
0x107: {  	s25 =	simm.s32 $0x9000;
	s23 =	sadd.s32 $0x100, s1  }
0x108: {  	[tilespmem:s25], [sflag:$0x5] =	stream.indirect.gather [hbm4b:s0+s28], $0x40, s23, s28, $0xb8;
	[tilespmem:$0x1B000] =	vst v63  }
0x109: {  	s5 =	sadd.s32 $0x140, s1;
	s6 =	simm.s32 $0xA000  }
0x10a: {  	[tilespmem:s6], [sflag:$0x6] =	stream.indirect.gather [hbm4b:s0+s28], $0x40, s5, s28, $0xb8;
	[tilespmem:$0x1B000] =	vst v63  }
0x10b: {  	s23 =	sadd.s32 $0x180, s1;
	s25 =	simm.s32 $0xB000  }
0x10c: {  	[tilespmem:s25], [sflag:$0x7] =	stream.indirect.gather [hbm4b:s0+s28], $0x40, s23, s28, $0xb8;
	[tilespmem:$0x1B000] =	vst v63  }
0x10d: {  	s6 =	sadd.s32 $0x1C0, s1;
	s23 =	simm.s32 $0xC000  }
0x10e: {  	[tilespmem:s23], [sflag:$0x8] =	stream.indirect.gather [hbm4b:s0+s28], $0x40, s6, s28, $0xb8;
	[tilespmem:$0x1B000] =	vst v63  }
0x10f: {  	s4 =	sadd.s32 $0x200, s1;
	s23 =	simm.s32 $0xD000  }
0x110: {  	[tilespmem:s23], [sflag:$0x9] =	stream.indirect.gather [hbm4b:s0+s28], $0x40, s4, s28, $0xb8;
	[tilespmem:$0x1B000] =	vst v63  }
0x111: {  	s2 =	sadd.s32 $0x240, s1;
	s4 =	simm.s32 $0xE000  }
0x112: {  	[tilespmem:s4], [sflag:$0xA] =	stream.indirect.gather [hbm4b:s0+s28], $0x40, s2, s28, $0xb8;
	[tilespmem:$0x1B000] =	vst v63  }
0x113: {  	_ =	swait.ge [sflag:s20], $0x1000  }
0x114: {  	[sflag:s20] =	ssyncset.done $0x0  }
0x115: {  	s14 =	simm.s32 $0x5000;
	s2 =	sadd.s32 $0x2800, s1;
	[sflag:s20] =	ssyncadd.s32 $0xFFFFF000  }
0x116: {  	[spmem:s3] =	stream.indirect.scatter.add.f32 [tilespmem:s14], [sflag:$0xB], $0x40, s2, s28, $0xb8;
	[tilespmem:$0x1B000] =	vst v63  }
0x117: {  	s14 =	simm.s32 $0x2  }
0x118: {  	_ =	swait.ge [sflag:s14], $0x1000  }
0x119: {  	[sflag:s14] =	ssyncset.done $0x0  }
0x11a: {  	s13 =	simm.s32 $0x6000;
	[sflag:s14] =	ssyncadd.s32 $0xFFFFF000;
	s14 =	sadd.s32 $0x2840, s1  }
0x11b: {  	[spmem:s3] =	stream.indirect.scatter.add.f32 [tilespmem:s13], [sflag:$0xC], $0x40, s14, s28, $0xb8;
	[tilespmem:$0x1B000] =	vst v63  }
0x11c: {  	s13 =	simm.s32 $0x3  }
0x11d: {  	_ =	swait.ge [sflag:s13], $0x1000  }
0x11e: {  	[sflag:s13] =	ssyncset.done $0x0  }
0x11f: {  	s12 =	simm.s32 $0x7000;
	s14 =	sadd.s32 $0x2880, s1;
	[sflag:s13] =	ssyncadd.s32 $0xFFFFF000  }
0x120: {  	[spmem:s3] =	stream.indirect.scatter.add.f32 [tilespmem:s12], [sflag:$0xD], $0x40, s14, s28, $0xb8;
	[tilespmem:$0x1B000] =	vst v63  }
0x121: {  	s12 =	simm.s32 $0x4  }
0x122: {  	_ =	swait.ge [sflag:s12], $0x1000  }
0x123: {  	[sflag:s12] =	ssyncset.done $0x0  }
0x124: {  	s22 =	simm.s32 $0x8000;
	s13 =	sadd.s32 $0x28C0, s1;
	[sflag:s12] =	ssyncadd.s32 $0xFFFFF000  }
0x125: {  	[spmem:s3] =	stream.indirect.scatter.add.f32 [tilespmem:s22], [sflag:$0xE], $0x40, s13, s28, $0xb8;
	[tilespmem:$0x1B000] =	vst v63  }
0x126: {  	s22 =	simm.s32 $0x5  }
0x127: {  	_ =	swait.ge [sflag:s22], $0x1000  }
0x128: {  	s18 =	simm.s32 $0x9000;
	[sflag:s22] =	ssyncset.done $0x0  }
0x129: {  	s14 =	sadd.s32 $0x2900, s1;
	s12 =	simm.s32 $0x6;
	[sflag:s22] =	ssyncadd.s32 $0xFFFFF000  }
0x12a: {  	[spmem:s3] =	stream.indirect.scatter.add.f32 [tilespmem:s18], [sflag:$0xF], $0x40, s14, s28, $0xb8;
	[tilespmem:$0x1B000] =	vst v63  }
0x12b: {  	_ =	swait.ge [sflag:s12], $0x1000  }
0x12c: {  	[sflag:s12] =	ssyncset.done $0x0  }
0x12d: {  	s5 =	simm.s32 $0xA000;
	s13 =	sadd.s32 $0x2940, s1;
	[sflag:s12] =	ssyncadd.s32 $0xFFFFF000  }
0x12e: {  	[spmem:s3] =	stream.indirect.scatter.add.f32 [tilespmem:s5], [sflag:$0x10], $0x40, s13, s28, $0xb8;
	[tilespmem:$0x1B000] =	vst v63  }
0x12f: {  	_ =	swait.ge [sflag:s21], $0x1000  }
0x130: {  	[sflag:s21] =	ssyncset.done $0x0  }
0x131: {  	s25 =	simm.s32 $0xB000;
	s14 =	sadd.s32 $0x2980, s1;
	[sflag:s21] =	ssyncadd.s32 $0xFFFFF000  }
0x132: {  	[spmem:s3] =	stream.indirect.scatter.add.f32 [tilespmem:s25], [sflag:$0x11], $0x40, s14, s28, $0xb8;
	[tilespmem:$0x1B000] =	vst v63  }
0x133: {  	_ =	swait.ge [sflag:s19], $0x1000  }
0x134: {  	[sflag:s19] =	ssyncset.done $0x0  }
0x135: {  	s6 =	simm.s32 $0xC000;
	s18 =	sadd.s32 $0x29C0, s1;
	[sflag:s19] =	ssyncadd.s32 $0xFFFFF000  }
0x136: {  	[spmem:s3] =	stream.indirect.scatter.add.f32 [tilespmem:s6], [sflag:$0x12], $0x40, s18, s28, $0xb8;
	[tilespmem:$0x1B000] =	vst v63  }
0x137: {  	_ =	swait.ge [sflag:s15], $0x1000  }
0x138: {  	[sflag:s15] =	ssyncset.done $0x0  }
0x139: {  	s23 =	simm.s32 $0xD000;
	s25 =	sadd.s32 $0x2A00, s1;
	[sflag:s15] =	ssyncadd.s32 $0xFFFFF000  }
0x13a: {  	[spmem:s3] =	stream.indirect.scatter.add.f32 [tilespmem:s23], [sflag:$0x13], $0x40, s25, s28, $0xb8;
	[tilespmem:$0x1B000] =	vst v63  }
0x13b: {  	_ =	swait.ge [sflag:s16], $0x1000  }
0x13c: {  	[sflag:s16] =	ssyncset.done $0x0  }
0x13d: {  	s4 =	simm.s32 $0xE000;
	s1 =	sadd.s32 $0x2A40, s1;
	[sflag:s16] =	ssyncadd.s32 $0xFFFFF000  }
0x13e: {  	[spmem:s3] =	stream.indirect.scatter.add.f32 [tilespmem:s4], [sflag:$0x14], $0x40, s1, s28, $0xb8;
	[tilespmem:$0x1B000] =	vst v63  }
0x13f: {  	_ =	swait.ge [sflag:s7], $0x1000  }
0x140: {  	[sflag:s7] =	ssyncset.done $0x0  }
0x141: {  	[sflag:s7] =	ssyncadd.s32 $0xFFFFF000  }
0x142: {  	_ =	swait.ge [sflag:s8], $0x1000  }
0x143: {  	[sflag:s8] =	ssyncset.done $0x0  }
0x144: {  	[sflag:s8] =	ssyncadd.s32 $0xFFFFF000  }
0x145: {  	_ =	swait.ge [sflag:s9], $0x1000  }
0x146: {  	[sflag:s9] =	ssyncset.done $0x0  }
0x147: {  	[sflag:s9] =	ssyncadd.s32 $0xFFFFF000  }
0x148: {  	_ =	swait.ge [sflag:s10], $0x1000  }
0x149: {  	[sflag:s10] =	ssyncset.done $0x0  }
0x14a: {  	[sflag:s10] =	ssyncadd.s32 $0xFFFFF000  }
0x14b: {  	_ =	swait.ge [sflag:s11], $0x1000  }
0x14c: {  	[sflag:s11] =	ssyncset.done $0x0  }
0x14d: {  	[sflag:s11] =	ssyncadd.s32 $0xFFFFF000  }
0x14e: {  	_ =	swait.ge [sflag:s26], $0x1000  }
0x14f: {  	[sflag:s26] =	ssyncset.done $0x0  }
0x150: {  	[sflag:s26] =	ssyncadd.s32 $0xFFFFF000  }
0x151: {  	_ =	swait.ge [sflag:s24], $0x1000  }
0x152: {  	[sflag:s24] =	ssyncset.done $0x0  }
0x153: {  	[sflag:s24] =	ssyncadd.s32 $0xFFFFF000  }
0x154: {  	_ =	swait.ge [sflag:s29], $0x1000  }
0x155: {  	[sflag:s29] =	ssyncset.done $0x0  }
0x156: {  	[sflag:s29] =	ssyncadd.s32 $0xFFFFF000  }
0x157: {  	_ =	swait.ge [sflag:s30], $0x1000  }
0x158: {  	[sflag:s30] =	ssyncset.done $0x0  }
0x159: {  	[sflag:s30] =	ssyncadd.s32 $0xFFFFF000  }
0x15a: {  	_ =	swait.ge [sflag:s31], $0x1000  }
0x15b: {  	[sflag:s31] =	ssyncset.done $0x0  }
0x15c: {  	[sflag:s31] =	ssyncadd.s32 $0xFFFFF000  }
0x15d: {  	[bflag:$0x0] =	sbarrier.arrive $0xFFFF  }
0x15e: {  	s5 =	stileid.u32;
	s12 =	rddreg [dreg:$0x6]  }
0x15f: {  	s1 =	sshll.u32 s5, $0x6;
	s13 =	rddreg [dreg:$0xb];
	s6 =	sshrl.u32 s12, $0x3  }
0x160: {  	s4 =	simm.s32 $0x15;
	s5 =	sor.u32 $0x1C15, s1;
	[dreg:$0x18] =	wrdreg s6  }
0x161: {  	[hbm:s13], [sflag:s5] =	dma.local [spmem:s6], $0x400  }
0x162: {  	_ =	swait.ge [sflag:s4], $0x400  }
0x163: {  	s13 =	rddreg [dreg:$0x7]  }
0x164: {  	[sflag:s4] =	ssyncset.done $0x0;
	s18 =	rddreg [dreg:$0xc];
	s14 =	sshrl.u32 s13, $0x3  }
0x165: {  	[sflag:s4] =	ssyncadd.s32 $0xFFFFFC00;
	[dreg:$0x19] =	wrdreg s14  }
0x166: {  	[hbm:s18], [sflag:s5] =	dma.local [spmem:s14], $0x400  }
0x167: {  	_ =	swait.ge [sflag:s4], $0x400  }
0x168: {  	s14 =	rddreg [dreg:$0x8]  }
0x169: {  	[sflag:s4] =	ssyncset.done $0x0;
	s25 =	rddreg [dreg:$0xd];
	s23 =	sshrl.u32 s14, $0x3  }
0x16a: {  	[sflag:s4] =	ssyncadd.s32 $0xFFFFFC00;
	[dreg:$0x1a] =	wrdreg s23  }
0x16b: {  	[hbm:s25], [sflag:s5] =	dma.local [spmem:s23], $0x400  }
0x16c: {  	_ =	swait.ge [sflag:s4], $0x400  }
0x16d: {  	s25 =	rddreg [dreg:$0x9]  }
0x16e: {  	[sflag:s4] =	ssyncset.done $0x0;
	s6 =	rddreg [dreg:$0xe];
	s1 =	sshrl.u32 s25, $0x3  }
0x16f: {  	[sflag:s4] =	ssyncadd.s32 $0xFFFFFC00;
	[dreg:$0x1b] =	wrdreg s1  }
0x170: {  	[hbm:s6], [sflag:s5] =	dma.local [spmem:s1], $0x400  }
0x171: {  	_ =	swait.ge [sflag:s4], $0x400;
	[dreg:$0x17] =	wrdreg s5  }
0x172: {  	s6 =	rddreg [dreg:$0xa]  }
0x173: {  	[sflag:s4] =	ssyncset.done $0x0;
	s23 =	rddreg [dreg:$0xf];
	s18 =	sshrl.u32 s6, $0x3  }
0x174: {  	[sflag:s4] =	ssyncadd.s32 $0xFFFFFC00;
	[dreg:$0x1c] =	wrdreg s18  }
0x175: {  	[hbm:s23], [sflag:s5] =	dma.local [spmem:s18], $0x400  }
0x176: {  	_ =	swait.ge [sflag:s4], $0x400  }
0x177: {  	[sflag:s4] =	ssyncset.done $0x0  }
0x178: {  	[sflag:s4] =	ssyncadd.s32 $0xFFFFFC00  }
0x179: {  	s5 =	simm.s32 $0xF000;
	[bflag:$0x0] =	sbarrier.arrive $0xFFFF  }
0x17a: {  	[spmem:s12] =	stream.linear.scatter [tilespmem:s5], [sflag:$0x15], $0x2000, $0x38;
	[tilespmem:$0x1B000] =	vst v63  }
0x17b: {  	_ =	swait.ge [sflag:s4], $0x2000  }
0x17c: {  	[sflag:s4] =	ssyncset.done $0x0  }
0x17d: {  	[sflag:s4] =	ssyncadd.s32 $0xFFFFE000  }
0x17e: {  	[spmem:s13] =	stream.linear.scatter [tilespmem:s5], [sflag:$0x15], $0x2000, $0x38;
	[tilespmem:$0x1B000] =	vst v63  }
0x17f: {  	_ =	swait.ge [sflag:s4], $0x2000  }
0x180: {  	[sflag:s4] =	ssyncset.done $0x0  }
0x181: {  	[sflag:s4] =	ssyncadd.s32 $0xFFFFE000  }
0x182: {  	[spmem:s14] =	stream.linear.scatter [tilespmem:s5], [sflag:$0x15], $0x2000, $0x38;
	[tilespmem:$0x1B000] =	vst v63  }
0x183: {  	_ =	swait.ge [sflag:s4], $0x2000  }
0x184: {  	[sflag:s4] =	ssyncset.done $0x0  }
0x185: {  	[sflag:s4] =	ssyncadd.s32 $0xFFFFE000  }
0x186: {  	[spmem:s25] =	stream.linear.scatter [tilespmem:s5], [sflag:$0x15], $0x2000, $0x38;
	[tilespmem:$0x1B000] =	vst v63  }
0x187: {  	_ =	swait.ge [sflag:s4], $0x2000  }
0x188: {  	[sflag:s4] =	ssyncset.done $0x0  }
0x189: {  	[sflag:s4] =	ssyncadd.s32 $0xFFFFE000  }
0x18a: {  	[spmem:s6] =	stream.linear.scatter [tilespmem:s5], [sflag:$0x15], $0x2000, $0x38;
	[tilespmem:$0x1B000] =	vst v63  }
0x18b: {  	_ =	swait.ge [sflag:s4], $0x2000  }
0x18c: {  	[sflag:s4] =	ssyncset.done $0x0  }
0x18d: {  	[sflag:s4] =	ssyncadd.s32 $0xFFFFE000  }
0x18e: {  	s2 =	simm.s32 $0x5000;
	s12 =	simm.s32 $0x0;
	[bflag:$0x0] =	sbarrier.arrive $0xFFFF  }
0x18f: {  	[tilespmem:s2], [sflag:$0x1] =	stream.indirect.gather [hbm4b:s17+s28], $0x40, s12, s28, $0xb8;
	[tilespmem:$0x1B000] =	vst v63  }
0x190: {  	s13 =	simm.s32 $0x40;
	s4 =	simm.s32 $0x6000  }
0x191: {  	[tilespmem:s4], [sflag:$0x2] =	stream.indirect.gather [hbm4b:s17+s28], $0x40, s13, s28, $0xb8;
	[tilespmem:$0x1B000] =	vst v63  }
0x192: {  	s14 =	simm.s32 $0x80;
	s5 =	simm.s32 $0x7000  }
0x193: {  	[tilespmem:s5], [sflag:$0x3] =	stream.indirect.gather [hbm4b:s17+s28], $0x40, s14, s28, $0xb8;
	[tilespmem:$0x1B000] =	vst v63  }
0x194: {  	s18 =	simm.s32 $0xC0;
	s6 =	simm.s32 $0x8000  }
0x195: {  	[tilespmem:s6], [sflag:$0x4] =	stream.indirect.gather [hbm4b:s17+s28], $0x40, s18, s28, $0xb8;
	[tilespmem:$0x1B000] =	vst v63  }
0x196: {  	s23 =	simm.s32 $0x100;
	s25 =	simm.s32 $0x9000  }
0x197: {  	[tilespmem:s25], [sflag:$0x5] =	stream.indirect.gather [hbm4b:s17+s28], $0x40, s23, s28, $0xb8;
	[tilespmem:$0x1B000] =	vst v63  }
0x198: {  	s12 =	simm.s32 $0x140;
	s23 =	simm.s32 $0xA000  }
0x199: {  	[tilespmem:s23], [sflag:$0x6] =	stream.indirect.gather [hbm4b:s17+s28], $0x40, s12, s28, $0xb8;
	[tilespmem:$0x1B000] =	vst v63  }
0x19a: {  	s13 =	simm.s32 $0x180;
	s12 =	simm.s32 $0xB000  }
0x19b: {  	[tilespmem:s12], [sflag:$0x7] =	stream.indirect.gather [hbm4b:s17+s28], $0x40, s13, s28, $0xb8;
	[tilespmem:$0x1B000] =	vst v63  }
0x19c: {  	s14 =	simm.s32 $0x1C0;
	s13 =	simm.s32 $0xC000  }
0x19d: {  	[tilespmem:s13], [sflag:$0x8] =	stream.indirect.gather [hbm4b:s17+s28], $0x40, s14, s28, $0xb8;
	[tilespmem:$0x1B000] =	vst v63  }
0x19e: {  	s18 =	simm.s32 $0x200;
	s14 =	simm.s32 $0xD000  }
0x19f: {  	[tilespmem:s14], [sflag:$0x9] =	stream.indirect.gather [hbm4b:s17+s28], $0x40, s18, s28, $0xb8;
	[tilespmem:$0x1B000] =	vst v63  }
0x1a0: {  	s1 =	simm.s32 $0x240;
	s18 =	simm.s32 $0xE000  }
0x1a1: {  	[tilespmem:s18], [sflag:$0xA] =	stream.indirect.gather [hbm4b:s17+s28], $0x40, s1, s28, $0xb8;
	[tilespmem:$0x1B000] =	vst v63  }
0x1a2: {  	_ =	swait.ge [sflag:s20], $0x1000  }
0x1a3: {  	[sflag:s20] =	ssyncset.done $0x0  }
0x1a4: {  	s1 =	simm.s32 $0x2800;
	[sflag:s20] =	ssyncadd.s32 $0xFFFFF000  }
0x1a5: {  	[spmem:s3] =	stream.indirect.scatter.add.f32 [tilespmem:s2], [sflag:$0xB], $0x40, s1, s28, $0xb8;
	[tilespmem:$0x1B000] =	vst v63  }
0x1a6: {  	s2 =	simm.s32 $0x2  }
0x1a7: {  	_ =	swait.ge [sflag:s2], $0x1000  }
0x1a8: {  	[sflag:s2] =	ssyncset.done $0x0  }
0x1a9: {  	[sflag:s2] =	ssyncadd.s32 $0xFFFFF000;
	s2 =	simm.s32 $0x2840  }
0x1aa: {  	[spmem:s3] =	stream.indirect.scatter.add.f32 [tilespmem:s4], [sflag:$0xC], $0x40, s2, s28, $0xb8;
	[tilespmem:$0x1B000] =	vst v63  }
0x1ab: {  	s2 =	simm.s32 $0x3  }
0x1ac: {  	_ =	swait.ge [sflag:s2], $0x1000  }
0x1ad: {  	[sflag:s2] =	ssyncset.done $0x0  }
0x1ae: {  	s4 =	simm.s32 $0x2880;
	[sflag:s2] =	ssyncadd.s32 $0xFFFFF000  }
0x1af: {  	[spmem:s3] =	stream.indirect.scatter.add.f32 [tilespmem:s5], [sflag:$0xD], $0x40, s4, s28, $0xb8;
	[tilespmem:$0x1B000] =	vst v63  }
0x1b0: {  	s5 =	simm.s32 $0x4  }
0x1b1: {  	_ =	swait.ge [sflag:s5], $0x1000  }
0x1b2: {  	[sflag:s5] =	ssyncset.done $0x0  }
0x1b3: {  	s2 =	simm.s32 $0x28C0;
	[sflag:s5] =	ssyncadd.s32 $0xFFFFF000  }
0x1b4: {  	[spmem:s3] =	stream.indirect.scatter.add.f32 [tilespmem:s6], [sflag:$0xE], $0x40, s2, s28, $0xb8;
	[tilespmem:$0x1B000] =	vst v63  }
0x1b5: {  	_ =	swait.ge [sflag:s22], $0x1000  }
0x1b6: {  	[sflag:s22] =	ssyncset.done $0x0  }
0x1b7: {  	s4 =	simm.s32 $0x2900;
	s5 =	simm.s32 $0x6;
	[sflag:s22] =	ssyncadd.s32 $0xFFFFF000  }
0x1b8: {  	[spmem:s3] =	stream.indirect.scatter.add.f32 [tilespmem:s25], [sflag:$0xF], $0x40, s4, s28, $0xb8;
	[tilespmem:$0x1B000] =	vst v63  }
0x1b9: {  	_ =	swait.ge [sflag:s5], $0x1000  }
0x1ba: {  	[sflag:s5] =	ssyncset.done $0x0  }
0x1bb: {  	s6 =	simm.s32 $0x2940;
	[sflag:s5] =	ssyncadd.s32 $0xFFFFF000  }
0x1bc: {  	[spmem:s3] =	stream.indirect.scatter.add.f32 [tilespmem:s23], [sflag:$0x10], $0x40, s6, s28, $0xb8;
	[tilespmem:$0x1B000] =	vst v63  }
0x1bd: {  	_ =	swait.ge [sflag:s21], $0x1000  }
0x1be: {  	[sflag:s21] =	ssyncset.done $0x0  }
0x1bf: {  	[sflag:s21] =	ssyncadd.s32 $0xFFFFF000;
	s21 =	simm.s32 $0x2980  }
0x1c0: {  	[spmem:s3] =	stream.indirect.scatter.add.f32 [tilespmem:s12], [sflag:$0x11], $0x40, s21, s28, $0xb8;
	[tilespmem:$0x1B000] =	vst v63  }
0x1c1: {  	_ =	swait.ge [sflag:s19], $0x1000  }
0x1c2: {  	[sflag:s19] =	ssyncset.done $0x0  }
0x1c3: {  	s22 =	simm.s32 $0x29C0;
	[sflag:s19] =	ssyncadd.s32 $0xFFFFF000  }
0x1c4: {  	[spmem:s3] =	stream.indirect.scatter.add.f32 [tilespmem:s13], [sflag:$0x12], $0x40, s22, s28, $0xb8;
	[tilespmem:$0x1B000] =	vst v63  }
0x1c5: {  	_ =	swait.ge [sflag:s15], $0x1000  }
0x1c6: {  	[sflag:s15] =	ssyncset.done $0x0  }
0x1c7: {  	s23 =	simm.s32 $0x2A00;
	[sflag:s15] =	ssyncadd.s32 $0xFFFFF000  }
0x1c8: {  	[spmem:s3] =	stream.indirect.scatter.add.f32 [tilespmem:s14], [sflag:$0x13], $0x40, s23, s28, $0xb8;
	[tilespmem:$0x1B000] =	vst v63  }
0x1c9: {  	_ =	swait.ge [sflag:s16], $0x1000  }
0x1ca: {  	[sflag:s16] =	ssyncset.done $0x0  }
0x1cb: {  	s25 =	simm.s32 $0x2A40;
	[sflag:s16] =	ssyncadd.s32 $0xFFFFF000  }
0x1cc: {  	[spmem:s3] =	stream.indirect.scatter.add.f32 [tilespmem:s18], [sflag:$0x14], $0x40, s25, s28, $0xb8;
	[tilespmem:$0x1B000] =	vst v63  }
0x1cd: {  	_ =	swait.ge [sflag:s7], $0x1000  }
0x1ce: {  	[sflag:s7] =	ssyncset.done $0x0  }
0x1cf: {  	[sflag:s7] =	ssyncadd.s32 $0xFFFFF000  }
0x1d0: {  	_ =	swait.ge [sflag:s8], $0x1000  }
0x1d1: {  	[sflag:s8] =	ssyncset.done $0x0  }
0x1d2: {  	[sflag:s8] =	ssyncadd.s32 $0xFFFFF000  }
0x1d3: {  	_ =	swait.ge [sflag:s9], $0x1000  }
0x1d4: {  	[sflag:s9] =	ssyncset.done $0x0  }
0x1d5: {  	[sflag:s9] =	ssyncadd.s32 $0xFFFFF000  }
0x1d6: {  	_ =	swait.ge [sflag:s10], $0x1000  }
0x1d7: {  	[sflag:s10] =	ssyncset.done $0x0  }
0x1d8: {  	[sflag:s10] =	ssyncadd.s32 $0xFFFFF000  }
0x1d9: {  	_ =	swait.ge [sflag:s11], $0x1000  }
0x1da: {  	[sflag:s11] =	ssyncset.done $0x0  }
0x1db: {  	[sflag:s11] =	ssyncadd.s32 $0xFFFFF000  }
0x1dc: {  	_ =	swait.ge [sflag:s26], $0x1000  }
0x1dd: {  	[sflag:s26] =	ssyncset.done $0x0  }
0x1de: {  	[sflag:s26] =	ssyncadd.s32 $0xFFFFF000  }
0x1df: {  	_ =	swait.ge [sflag:s24], $0x1000  }
0x1e0: {  	[sflag:s24] =	ssyncset.done $0x0  }
0x1e1: {  	[sflag:s24] =	ssyncadd.s32 $0xFFFFF000  }
0x1e2: {  	_ =	swait.ge [sflag:s29], $0x1000  }
0x1e3: {  	s1 =	simm.s32 $0xA00;
	s4 =	simm.s32 $0x1400;
	[sflag:s29] =	ssyncset.done $0x0  }
0x1e4: {  	s14 =	simm.s32 $0x14;
	s16 =	simm.s32 $0x9;
	[sflag:s29] =	ssyncadd.s32 $0xFFFFF000  }
0x1e5: {  	s7 =	simm.s32 $0xA;
	s8 =	simm.s32 $0xB;
	_ =	swait.ge [sflag:s30], $0x1000  }
0x1e6: {  	s9 =	simm.s32 $0xC;
	s10 =	simm.s32 $0xD;
	[sflag:s30] =	ssyncset.done $0x0  }
0x1e7: {  	s11 =	simm.s32 $0xE;
	s26 =	simm.s32 $0xF;
	[sflag:s30] =	ssyncadd.s32 $0xFFFFF000  }
0x1e8: {  	s24 =	simm.s32 $0x10;
	s29 =	simm.s32 $0x11;
	_ =	swait.ge [sflag:s31], $0x1000  }
0x1e9: {  	s30 =	simm.s32 $0x12;
	[sflag:s31] =	ssyncset.done $0x0;
	s31 =	simm.s32 $0x13  }
.LBB2_6:
0x1ea: {  	s2 =	sshra.s32 s1, $0x2;
	[sflag:s14] =	ssyncadd.s32 $0xFFFFF000  }
0x1eb: {  	s1 =	smov.u32 s4;
	s25 =	sadd.s32 $0xA00, s4;
	s21 =	simm.s32 $0x5000  }
0x1ec: {  	[tilespmem:s21], [sflag:$0x1] =	stream.indirect.gather [hbm4b:s17+s28], $0x40, s2, s28, $0xb8;
	[tilespmem:$0x1B000] =	vst v63  }
0x1ed: {  	p0 =	sne.s32 s4, $0x9600;
	s22 =	simm.s32 $0x6000;
	s4 =	sadd.s32 $0x40, s2  }
0x1ee: {  	[tilespmem:s22], [sflag:$0x2] =	stream.indirect.gather [hbm4b:s17+s28], $0x40, s4, s28, $0xb8;
	[tilespmem:$0x1B000] =	vst v63  }
0x1ef: {  	s23 =	simm.s32 $0x7000;
	s4 =	sadd.s32 $0x80, s2  }
0x1f0: {  	[tilespmem:s23], [sflag:$0x3] =	stream.indirect.gather [hbm4b:s17+s28], $0x40, s4, s28, $0xb8;
	[tilespmem:$0x1B000] =	vst v63  }
0x1f1: {  	s12 =	simm.s32 $0x8000;
	s4 =	sadd.s32 $0xC0, s2  }
0x1f2: {  	[tilespmem:s12], [sflag:$0x4] =	stream.indirect.gather [hbm4b:s17+s28], $0x40, s4, s28, $0xb8;
	[tilespmem:$0x1B000] =	vst v63  }
0x1f3: {  	s13 =	simm.s32 $0x9000;
	s4 =	sadd.s32 $0x100, s2  }
0x1f4: {  	[tilespmem:s13], [sflag:$0x5] =	stream.indirect.gather [hbm4b:s17+s28], $0x40, s4, s28, $0xb8;
	[tilespmem:$0x1B000] =	vst v63  }
0x1f5: {  	s15 =	simm.s32 $0xA000;
	s4 =	sadd.s32 $0x140, s2  }
0x1f6: {  	[tilespmem:s15], [sflag:$0x6] =	stream.indirect.gather [hbm4b:s17+s28], $0x40, s4, s28, $0xb8;
	[tilespmem:$0x1B000] =	vst v63  }
0x1f7: {  	s19 =	simm.s32 $0xB000;
	s4 =	sadd.s32 $0x180, s2  }
0x1f8: {  	[tilespmem:s19], [sflag:$0x7] =	stream.indirect.gather [hbm4b:s17+s28], $0x40, s4, s28, $0xb8;
	[tilespmem:$0x1B000] =	vst v63  }
0x1f9: {  	s5 =	simm.s32 $0xC000;
	s4 =	sadd.s32 $0x1C0, s2  }
0x1fa: {  	[tilespmem:s5], [sflag:$0x8] =	stream.indirect.gather [hbm4b:s17+s28], $0x40, s4, s28, $0xb8;
	[tilespmem:$0x1B000] =	vst v63  }
0x1fb: {  	s6 =	simm.s32 $0xD000;
	s4 =	sadd.s32 $0x200, s2  }
0x1fc: {  	[tilespmem:s6], [sflag:$0x9] =	stream.indirect.gather [hbm4b:s17+s28], $0x40, s4, s28, $0xb8;
	[tilespmem:$0x1B000] =	vst v63  }
0x1fd: {  	s18 =	simm.s32 $0xE000;
	s4 =	sadd.s32 $0x240, s2  }
0x1fe: {  	[tilespmem:s18], [sflag:$0xA] =	stream.indirect.gather [hbm4b:s17+s28], $0x40, s4, s28, $0xb8;
	[tilespmem:$0x1B000] =	vst v63  }
0x1ff: {  	_ =	swait.ge [sflag:s20], $0x1000  }
0x200: {  	[sflag:s20] =	ssyncset.done $0x0  }
0x201: {  	s4 =	sadd.s32 $0x2800, s2;
	[sflag:s20] =	ssyncadd.s32 $0xFFFFF000  }
0x202: {  	[spmem:s3] =	stream.indirect.scatter.add.f32 [tilespmem:s21], [sflag:$0xB], $0x40, s4, s28, $0xb8;
	[tilespmem:$0x1B000] =	vst v63  }
0x203: {  	s4 =	simm.s32 $0x2  }
0x204: {  	_ =	swait.ge [sflag:s4], $0x1000  }
0x205: {  	[sflag:s4] =	ssyncset.done $0x0  }
0x206: {  	[sflag:s4] =	ssyncadd.s32 $0xFFFFF000;
	s4 =	sadd.s32 $0x2840, s2  }
0x207: {  	[spmem:s3] =	stream.indirect.scatter.add.f32 [tilespmem:s22], [sflag:$0xC], $0x40, s4, s28, $0xb8;
	[tilespmem:$0x1B000] =	vst v63  }
0x208: {  	s4 =	simm.s32 $0x3  }
0x209: {  	_ =	swait.ge [sflag:s4], $0x1000  }
0x20a: {  	[sflag:s4] =	ssyncset.done $0x0  }
0x20b: {  	[sflag:s4] =	ssyncadd.s32 $0xFFFFF000;
	s4 =	sadd.s32 $0x2880, s2  }
0x20c: {  	[spmem:s3] =	stream.indirect.scatter.add.f32 [tilespmem:s23], [sflag:$0xD], $0x40, s4, s28, $0xb8;
	[tilespmem:$0x1B000] =	vst v63  }
0x20d: {  	s4 =	simm.s32 $0x4  }
0x20e: {  	_ =	swait.ge [sflag:s4], $0x1000  }
0x20f: {  	[sflag:s4] =	ssyncset.done $0x0  }
0x210: {  	[sflag:s4] =	ssyncadd.s32 $0xFFFFF000;
	s4 =	sadd.s32 $0x28C0, s2  }
0x211: {  	[spmem:s3] =	stream.indirect.scatter.add.f32 [tilespmem:s12], [sflag:$0xE], $0x40, s4, s28, $0xb8;
	[tilespmem:$0x1B000] =	vst v63  }
0x212: {  	s4 =	simm.s32 $0x5  }
0x213: {  	_ =	swait.ge [sflag:s4], $0x1000  }
0x214: {  	[sflag:s4] =	ssyncset.done $0x0  }
0x215: {  	[sflag:s4] =	ssyncadd.s32 $0xFFFFF000;
	s4 =	sadd.s32 $0x2900, s2  }
0x216: {  	[spmem:s3] =	stream.indirect.scatter.add.f32 [tilespmem:s13], [sflag:$0xF], $0x40, s4, s28, $0xb8;
	[tilespmem:$0x1B000] =	vst v63  }
0x217: {  	s4 =	simm.s32 $0x6  }
0x218: {  	_ =	swait.ge [sflag:s4], $0x1000  }
0x219: {  	[sflag:s4] =	ssyncset.done $0x0  }
0x21a: {  	[sflag:s4] =	ssyncadd.s32 $0xFFFFF000;
	s4 =	sadd.s32 $0x2940, s2  }
0x21b: {  	[spmem:s3] =	stream.indirect.scatter.add.f32 [tilespmem:s15], [sflag:$0x10], $0x40, s4, s28, $0xb8;
	[tilespmem:$0x1B000] =	vst v63  }
0x21c: {  	s4 =	simm.s32 $0x7  }
0x21d: {  	_ =	swait.ge [sflag:s4], $0x1000  }
0x21e: {  	[sflag:s4] =	ssyncset.done $0x0  }
0x21f: {  	[sflag:s4] =	ssyncadd.s32 $0xFFFFF000;
	s4 =	sadd.s32 $0x2980, s2  }
0x220: {  	[spmem:s3] =	stream.indirect.scatter.add.f32 [tilespmem:s19], [sflag:$0x11], $0x40, s4, s28, $0xb8;
	[tilespmem:$0x1B000] =	vst v63  }
0x221: {  	s19 =	simm.s32 $0x8  }
0x222: {  	_ =	swait.ge [sflag:s19], $0x1000  }
0x223: {  	[sflag:s19] =	ssyncset.done $0x0  }
0x224: {  	s4 =	sadd.s32 $0x29C0, s2;
	[sflag:s19] =	ssyncadd.s32 $0xFFFFF000  }
0x225: {  	[spmem:s3] =	stream.indirect.scatter.add.f32 [tilespmem:s5], [sflag:$0x12], $0x40, s4, s28, $0xb8;
	[tilespmem:$0x1B000] =	vst v63  }
0x226: {  	_ =	swait.ge [sflag:s16], $0x1000  }
0x227: {  	[sflag:s16] =	ssyncset.done $0x0  }
0x228: {  	s4 =	sadd.s32 $0x2A00, s2;
	[sflag:s16] =	ssyncadd.s32 $0xFFFFF000  }
0x229: {  	[spmem:s3] =	stream.indirect.scatter.add.f32 [tilespmem:s6], [sflag:$0x13], $0x40, s4, s28, $0xb8;
	[tilespmem:$0x1B000] =	vst v63  }
0x22a: {  	_ =	swait.ge [sflag:s7], $0x1000  }
0x22b: {  	[sflag:s7] =	ssyncset.done $0x0  }
0x22c: {  	s2 =	sadd.s32 $0x2A40, s2;
	[sflag:s7] =	ssyncadd.s32 $0xFFFFF000  }
0x22d: {  	[spmem:s3] =	stream.indirect.scatter.add.f32 [tilespmem:s18], [sflag:$0x14], $0x40, s2, s28, $0xb8;
	[tilespmem:$0x1B000] =	vst v63  }
0x22e: {  	_ =	swait.ge [sflag:s8], $0x1000  }
0x22f: {  	[sflag:s8] =	ssyncset.done $0x0  }
0x230: {  	[sflag:s8] =	ssyncadd.s32 $0xFFFFF000  }
0x231: {  	_ =	swait.ge [sflag:s9], $0x1000  }
0x232: {  	[sflag:s9] =	ssyncset.done $0x0  }
0x233: {  	[sflag:s9] =	ssyncadd.s32 $0xFFFFF000  }
0x234: {  	_ =	swait.ge [sflag:s10], $0x1000  }
0x235: {  	[sflag:s10] =	ssyncset.done $0x0  }
0x236: {  	[sflag:s10] =	ssyncadd.s32 $0xFFFFF000  }
0x237: {  	_ =	swait.ge [sflag:s11], $0x1000  }
0x238: {  	[sflag:s11] =	ssyncset.done $0x0  }
0x239: {  	[sflag:s11] =	ssyncadd.s32 $0xFFFFF000  }
0x23a: {  	_ =	swait.ge [sflag:s26], $0x1000  }
0x23b: {  	[sflag:s26] =	ssyncset.done $0x0  }
0x23c: {  	[sflag:s26] =	ssyncadd.s32 $0xFFFFF000  }
0x23d: {  	_ =	swait.ge [sflag:s24], $0x1000  }
0x23e: {  	[sflag:s24] =	ssyncset.done $0x0  }
0x23f: {  	[sflag:s24] =	ssyncadd.s32 $0xFFFFF000  }
0x240: {  	_ =	swait.ge [sflag:s29], $0x1000  }
0x241: {  	[sflag:s29] =	ssyncset.done $0x0  }
0x242: {  	[sflag:s29] =	ssyncadd.s32 $0xFFFFF000  }
0x243: {  	_ =	swait.ge [sflag:s30], $0x1000  }
0x244: {  	[sflag:s30] =	ssyncset.done $0x0  }
0x245: {  	[sflag:s30] =	ssyncadd.s32 $0xFFFFF000  }
.Ltmp2:
0x246: {  	_ =	swait.ge [sflag:s31], $0x1000;
	(pc) =	sbr.rel @p0 .LBB2_6-.Ltmp2, $4  }
0x247: {  	[sflag:s31] =	ssyncset.done $0x0  }
0x248: {  	[sflag:s31] =	ssyncadd.s32 $0xFFFFF000  }
0x249: {  	_ =	swait.ge [sflag:s14], $0x1000  }
0x24a: {  	s4 =	smov.u32 s25;
	[sflag:s14] =	ssyncset.done $0x0  }
0x24b: {  	s1 =	sshra.s32 s1, $0x2;
	[sflag:s14] =	ssyncadd.s32 $0xFFFFF000;
	s21 =	simm.s32 $0x5000  }
0x24c: {  	[tilespmem:s21], [sflag:$0x1] =	stream.indirect.gather [hbm4b:s17+s28], $0x40, s1, s28, $0xb8;
	[tilespmem:$0x1B000] =	vst v63  }
0x24d: {  	s22 =	simm.s32 $0x6000;
	s2 =	sadd.s32 $0x40, s1  }
0x24e: {  	[tilespmem:s22], [sflag:$0x2] =	stream.indirect.gather [hbm4b:s17+s28], $0x40, s2, s28, $0xb8;
	[tilespmem:$0x1B000] =	vst v63  }
0x24f: {  	s23 =	simm.s32 $0x7000;
	s18 =	sadd.s32 $0x80, s1  }
0x250: {  	[tilespmem:s23], [sflag:$0x3] =	stream.indirect.gather [hbm4b:s17+s28], $0x40, s18, s28, $0xb8;
	[tilespmem:$0x1B000] =	vst v63  }
0x251: {  	s12 =	simm.s32 $0x8000;
	s25 =	sadd.s32 $0xC0, s1  }
0x252: {  	[tilespmem:s12], [sflag:$0x4] =	stream.indirect.gather [hbm4b:s17+s28], $0x40, s25, s28, $0xb8;
	[tilespmem:$0x1B000] =	vst v63  }
0x253: {  	s13 =	simm.s32 $0x9000;
	s4 =	sadd.s32 $0x100, s1  }
0x254: {  	[tilespmem:s13], [sflag:$0x5] =	stream.indirect.gather [hbm4b:s17+s28], $0x40, s4, s28, $0xb8;
	[tilespmem:$0x1B000] =	vst v63  }
0x255: {  	s15 =	simm.s32 $0xA000;
	s5 =	sadd.s32 $0x140, s1  }
0x256: {  	[tilespmem:s15], [sflag:$0x6] =	stream.indirect.gather [hbm4b:s17+s28], $0x40, s5, s28, $0xb8;
	[tilespmem:$0x1B000] =	vst v63  }
0x257: {  	s6 =	sadd.s32 $0x180, s1;
	s18 =	simm.s32 $0xB000  }
0x258: {  	[tilespmem:s18], [sflag:$0x7] =	stream.indirect.gather [hbm4b:s17+s28], $0x40, s6, s28, $0xb8;
	[tilespmem:$0x1B000] =	vst v63  }
0x259: {  	s25 =	sadd.s32 $0x1C0, s1;
	s5 =	simm.s32 $0xC000  }
0x25a: {  	[tilespmem:s5], [sflag:$0x8] =	stream.indirect.gather [hbm4b:s17+s28], $0x40, s25, s28, $0xb8;
	[tilespmem:$0x1B000] =	vst v63  }
0x25b: {  	s4 =	sadd.s32 $0x200, s1;
	s6 =	simm.s32 $0xD000  }
0x25c: {  	[tilespmem:s6], [sflag:$0x9] =	stream.indirect.gather [hbm4b:s17+s28], $0x40, s4, s28, $0xb8;
	[tilespmem:$0x1B000] =	vst v63  }
0x25d: {  	s25 =	sadd.s32 $0x240, s1;
	s4 =	simm.s32 $0xE000  }
0x25e: {  	[tilespmem:s4], [sflag:$0xA] =	stream.indirect.gather [hbm4b:s17+s28], $0x40, s25, s28, $0xb8;
	[tilespmem:$0x1B000] =	vst v63  }
0x25f: {  	_ =	swait.ge [sflag:s20], $0x1000  }
0x260: {  	[sflag:s20] =	ssyncset.done $0x0  }
0x261: {  	[sflag:s20] =	ssyncadd.s32 $0xFFFFF000;
	s20 =	sadd.s32 $0x2800, s1  }
0x262: {  	[spmem:s3] =	stream.indirect.scatter.add.f32 [tilespmem:s21], [sflag:$0xB], $0x40, s20, s28, $0xb8;
	[tilespmem:$0x1B000] =	vst v63  }
0x263: {  	s21 =	simm.s32 $0x2  }
0x264: {  	_ =	swait.ge [sflag:s21], $0x1000  }
0x265: {  	[sflag:s21] =	ssyncset.done $0x0  }
0x266: {  	s25 =	sadd.s32 $0x2840, s1;
	s20 =	simm.s32 $0x3;
	[sflag:s21] =	ssyncadd.s32 $0xFFFFF000  }
0x267: {  	[spmem:s3] =	stream.indirect.scatter.add.f32 [tilespmem:s22], [sflag:$0xC], $0x40, s25, s28, $0xb8;
	[tilespmem:$0x1B000] =	vst v63  }
0x268: {  	_ =	swait.ge [sflag:s20], $0x1000  }
0x269: {  	[sflag:s20] =	ssyncset.done $0x0  }
0x26a: {  	s21 =	sadd.s32 $0x2880, s1;
	s22 =	simm.s32 $0x4;
	[sflag:s20] =	ssyncadd.s32 $0xFFFFF000  }
0x26b: {  	[spmem:s3] =	stream.indirect.scatter.add.f32 [tilespmem:s23], [sflag:$0xD], $0x40, s21, s28, $0xb8;
	[tilespmem:$0x1B000] =	vst v63  }
0x26c: {  	_ =	swait.ge [sflag:s22], $0x1000  }
0x26d: {  	[sflag:s22] =	ssyncset.done $0x0  }
0x26e: {  	s25 =	simm.s32 $0x5;
	s23 =	sadd.s32 $0x28C0, s1;
	[sflag:s22] =	ssyncadd.s32 $0xFFFFF000  }
0x26f: {  	[spmem:s3] =	stream.indirect.scatter.add.f32 [tilespmem:s12], [sflag:$0xE], $0x40, s23, s28, $0xb8;
	[tilespmem:$0x1B000] =	vst v63  }
0x270: {  	_ =	swait.ge [sflag:s25], $0x1000  }
0x271: {  	[sflag:s25] =	ssyncset.done $0x0  }
0x272: {  	s20 =	simm.s32 $0x6;
	s12 =	sadd.s32 $0x2900, s1;
	[sflag:s25] =	ssyncadd.s32 $0xFFFFF000  }
0x273: {  	[spmem:s3] =	stream.indirect.scatter.add.f32 [tilespmem:s13], [sflag:$0xF], $0x40, s12, s28, $0xb8;
	[tilespmem:$0x1B000] =	vst v63  }
0x274: {  	_ =	swait.ge [sflag:s20], $0x1000  }
0x275: {  	[sflag:s20] =	ssyncset.done $0x0  }
0x276: {  	s21 =	sadd.s32 $0x2940, s1;
	s22 =	simm.s32 $0x7;
	[sflag:s20] =	ssyncadd.s32 $0xFFFFF000  }
0x277: {  	[spmem:s3] =	stream.indirect.scatter.add.f32 [tilespmem:s15], [sflag:$0x10], $0x40, s21, s28, $0xb8;
	[tilespmem:$0x1B000] =	vst v63  }
0x278: {  	_ =	swait.ge [sflag:s22], $0x1000  }
0x279: {  	[sflag:s22] =	ssyncset.done $0x0  }
0x27a: {  	s23 =	sadd.s32 $0x2980, s1;
	[sflag:s22] =	ssyncadd.s32 $0xFFFFF000  }
0x27b: {  	[spmem:s3] =	stream.indirect.scatter.add.f32 [tilespmem:s18], [sflag:$0x11], $0x40, s23, s28, $0xb8;
	[tilespmem:$0x1B000] =	vst v63  }
0x27c: {  	_ =	swait.ge [sflag:s19], $0x1000  }
0x27d: {  	[sflag:s19] =	ssyncset.done $0x0  }
0x27e: {  	s25 =	sadd.s32 $0x29C0, s1;
	[sflag:s19] =	ssyncadd.s32 $0xFFFFF000  }
0x27f: {  	[spmem:s3] =	stream.indirect.scatter.add.f32 [tilespmem:s5], [sflag:$0x12], $0x40, s25, s28, $0xb8;
	[tilespmem:$0x1B000] =	vst v63  }
0x280: {  	_ =	swait.ge [sflag:s16], $0x1000  }
0x281: {  	[sflag:s16] =	ssyncset.done $0x0  }
0x282: {  	s5 =	sadd.s32 $0x2A00, s1;
	[sflag:s16] =	ssyncadd.s32 $0xFFFFF000  }
0x283: {  	[spmem:s3] =	stream.indirect.scatter.add.f32 [tilespmem:s6], [sflag:$0x13], $0x40, s5, s28, $0xb8;
	[tilespmem:$0x1B000] =	vst v63  }
0x284: {  	_ =	swait.ge [sflag:s7], $0x1000  }
0x285: {  	[sflag:s7] =	ssyncset.done $0x0  }
0x286: {  	s1 =	sadd.s32 $0x2A40, s1;
	[sflag:s7] =	ssyncadd.s32 $0xFFFFF000  }
0x287: {  	[spmem:s3] =	stream.indirect.scatter.add.f32 [tilespmem:s4], [sflag:$0x14], $0x40, s1, s28, $0xb8;
	[tilespmem:$0x1B000] =	vst v63  }
0x288: {  	_ =	swait.ge [sflag:s8], $0x1000  }
0x289: {  	[sflag:s8] =	ssyncset.done $0x0  }
0x28a: {  	[sflag:s8] =	ssyncadd.s32 $0xFFFFF000  }
0x28b: {  	_ =	swait.ge [sflag:s9], $0x1000  }
0x28c: {  	[sflag:s9] =	ssyncset.done $0x0  }
0x28d: {  	[sflag:s9] =	ssyncadd.s32 $0xFFFFF000  }
0x28e: {  	_ =	swait.ge [sflag:s10], $0x1000  }
0x28f: {  	[sflag:s10] =	ssyncset.done $0x0  }
0x290: {  	[sflag:s10] =	ssyncadd.s32 $0xFFFFF000  }
0x291: {  	_ =	swait.ge [sflag:s11], $0x1000  }
0x292: {  	[sflag:s11] =	ssyncset.done $0x0  }
0x293: {  	[sflag:s11] =	ssyncadd.s32 $0xFFFFF000  }
0x294: {  	_ =	swait.ge [sflag:s26], $0x1000  }
0x295: {  	[sflag:s26] =	ssyncset.done $0x0  }
0x296: {  	[sflag:s26] =	ssyncadd.s32 $0xFFFFF000  }
0x297: {  	_ =	swait.ge [sflag:s24], $0x1000  }
0x298: {  	[sflag:s24] =	ssyncset.done $0x0  }
0x299: {  	[sflag:s24] =	ssyncadd.s32 $0xFFFFF000  }
0x29a: {  	_ =	swait.ge [sflag:s29], $0x1000  }
0x29b: {  	[sflag:s29] =	ssyncset.done $0x0  }
0x29c: {  	[sflag:s29] =	ssyncadd.s32 $0xFFFFF000  }
0x29d: {  	_ =	swait.ge [sflag:s30], $0x1000  }
0x29e: {  	[sflag:s30] =	ssyncset.done $0x0  }
0x29f: {  	[sflag:s30] =	ssyncadd.s32 $0xFFFFF000  }
0x2a0: {  	_ =	swait.ge [sflag:s31], $0x1000  }
0x2a1: {  	[sflag:s31] =	ssyncset.done $0x0  }
0x2a2: {  	[sflag:s31] =	ssyncadd.s32 $0xFFFFF000  }
0x2a3: {  	_ =	swait.ge [sflag:s14], $0x1000  }
0x2a4: {  	[sflag:s14] =	ssyncset.done $0x0  }
0x2a5: {  	[sflag:s14] =	ssyncadd.s32 $0xFFFFF000  }
0x2a6: {  	[bflag:$0x0] =	sbarrier.arrive $0xFFFF  }
0x2a7: {  	s12 =	rddreg [dreg:$0x10]  }
0x2a8: {  	s13 =	rddreg [dreg:$0x17]  }
0x2a9: {  	s15 =	simm.s32 $0x15;
	s14 =	rddreg [dreg:$0x18]  }
0x2aa: {  	[hbm:s12], [sflag:s13] =	dma.local [spmem:s14], $0x400  }
0x2ab: {  	_ =	swait.ge [sflag:s15], $0x400  }
0x2ac: {  	[sflag:s15] =	ssyncset.done $0x0;
	s16 =	rddreg [dreg:$0x11]  }
0x2ad: {  	s18 =	rddreg [dreg:$0x19];
	[sflag:s15] =	ssyncadd.s32 $0xFFFFFC00  }
0x2ae: {  	[hbm:s16], [sflag:s13] =	dma.local [spmem:s18], $0x400  }
0x2af: {  	_ =	swait.ge [sflag:s15], $0x400  }
0x2b0: {  	[sflag:s15] =	ssyncset.done $0x0;
	s19 =	rddreg [dreg:$0x12]  }
0x2b1: {  	s20 =	rddreg [dreg:$0x1a];
	[sflag:s15] =	ssyncadd.s32 $0xFFFFFC00  }
0x2b2: {  	[hbm:s19], [sflag:s13] =	dma.local [spmem:s20], $0x400  }
0x2b3: {  	_ =	swait.ge [sflag:s15], $0x400  }
0x2b4: {  	[sflag:s15] =	ssyncset.done $0x0;
	s21 =	rddreg [dreg:$0x13]  }
0x2b5: {  	s22 =	rddreg [dreg:$0x1b];
	[sflag:s15] =	ssyncadd.s32 $0xFFFFFC00  }
0x2b6: {  	[hbm:s21], [sflag:s13] =	dma.local [spmem:s22], $0x400  }
0x2b7: {  	_ =	swait.ge [sflag:s15], $0x400  }
0x2b8: {  	[sflag:s15] =	ssyncset.done $0x0;
	s23 =	rddreg [dreg:$0x14]  }
0x2b9: {  	s24 =	rddreg [dreg:$0x1c];
	[sflag:s15] =	ssyncadd.s32 $0xFFFFFC00  }
0x2ba: {  	[hbm:s23], [sflag:s13] =	dma.local [spmem:s24], $0x400  }
0x2bb: {  	s7 =	simm.s32 $0xB;
	s8 =	simm.s32 $0xC;
	_ =	swait.ge [sflag:s15], $0x400  }
0x2bc: {  	s9 =	simm.s32 $0xD;
	s10 =	simm.s32 $0xE;
	s25 =	rddreg [dreg:$0x16]  }
0x2bd: {  	s11 =	simm.s32 $0xF;
	s26 =	rddreg [dreg:$0x15];
	s4 =	sadd.s32 $0x1, s25  }
0x2be: {  	s29 =	simm.s32 $0x12;
	s30 =	simm.s32 $0x13;
	p0 =	sne.s32 s4, s26  }
.Ltmp3:
0x2bf: {  	s31 =	simm.s32 $0x14;
	s12 =	simm.s32 $0x5;
	(pc) =	sbr.rel @p0 .LBB2_1-.Ltmp3, $4  }
0x2c0: {  	s14 =	simm.s32 $0x7;
	s18 =	simm.s32 $0x1;
	[sflag:s15] =	ssyncset.done $0x0  }
0x2c1: {  	s16 =	simm.s32 $0xA;
	s19 =	simm.s32 $0x2;
	[sflag:s15] =	ssyncadd.s32 $0xFFFFFC00  }
0x2c2: {  	s20 =	simm.s32 $0x3;
	s21 =	simm.s32 $0x4;
	[bflag:$0x0] =	sbarrier.arrive $0xFFFF  }
0x2c3: {  	s13 =	simm.s32 $0x6;
	s24 =	simm.s32 $0x11;
	s26 =	simm.s32 $0x10  }
0x2c4: {  	_ =	sfence.sel $0x180000  }
0x2c5: {  	[bflag:$0x0] =	sbarrier.arrive $0xFFFF  }
0x2c6: {  	_ =	strace $0x90000047  }
0x2c7: {  	s0 =	stileid.u32;
	[bflag:$0x2] =	sbarrier.arrive $0xFFFF  }
0x2c8: {  	p0 =	sne.s32 s0, $0x0;
	s0 =	rddreg [dreg:$0x3]  }
0x2c9: {  	s0 =	sadd.s32 @!p0 $0x100000, s0  }
0x2ca: {  	[sflag:s0] =	ssyncadd.tile.s32 @!p0 $0x1;
	_ =	shalt  }
.Lfunc_end2:
_tile_overlayer_lowered:
.L_overlay_start_2:
0x2cb: {  	(tag) =	ssettag $0x2  }
0x2cc: {  	s0 =	rddreg [dreg:$0x0];
	s2 =	stileid.u32  }
0x2cd: {  	s1 =	rddreg [dreg:$0x1];
	p0 =	sne.s32 s2, $0x0  }
0x2ce: {  	s3 =	rddreg [dreg:$0x2];
	[bflag:$0x3] =	sbarrier.arrive $0xFFFF;
	s2 =	simm.s32 @!p0 $0x1C15  }
0x2cf: {  	[timem:s3], [sflag:s2] =	dma.local @!p0 [hbm:s0], s1  }
0x2d0: {  	s0 =	simm.s32 @!p0 $0x15  }
0x2d1: {  	_ =	swait.ge @!p0 [sflag:s0], s1  }
0x2d2: {  	s1 =	ssub.s32 @!p0 $0x0, s1;
	[sflag:s0] =	ssyncset.done @!p0 $0x0  }
0x2d3: {  	[sflag:s0] =	ssyncadd.s32 @!p0 s1  }
0x2d4: {  	[bflag:$0x3] =	sbarrier.arrive $0xFFFF  }
0x2d5: {  	_ =	shalt  }

</sc_bundles>
